<compile_context>
chip_gen: v7x
topology: tpu7x:2x2x1
jax: 0.10.2.dev20260603
libtpu: 0.0.44.dev20260713+nightly
codegen_flags: <defaults>
</compile_context>

<pallas_src>
import functools

import jax
import jax.numpy as jnp
from jax import lax
from jax.experimental import pallas as pl
from jax.experimental.pallas import tpu as pltpu
from jax.experimental.pallas import tpu_sc as plsc

N_NODES = 10000
N_EDGES = 320000
DIM = 128

NC = 2
NS = 16
NW = NC * NS
CHUNK = 128
NCH = 80
GCH = 16
NG = NCH // GCH
NG0 = 5
NG1 = 5
E_PAD = NW * NCH * CHUNK
N_ACC = 10112
RPT = N_ACC // NS

@functools.cache
def _mesh():
    return plsc.VectorSubcoreMesh(
        core_axis_name="c", subcore_axis_name="s",
        num_cores=NC, num_subcores=NS)


def _deg_body(dst_hbm, zeros_hbm, ones_hbm, out_hbm, idxv, onesv, acc):
    c = lax.axis_index("c")
    s = lax.axis_index("s")
    w = c * NS + s
    pltpu.sync_copy(zeros_hbm, acc.at[pl.ds(s * RPT, RPT)])
    pltpu.sync_copy(dst_hbm.at[pl.ds(w * NG, NG)], idxv)
    pltpu.sync_copy(ones_hbm, onesv)
    plsc.subcore_barrier()

    def group(g, carry):
        def body(k, carry2):
            pltpu.sync_copy(onesv, acc.at[idxv.at[g, k]], add=True)
            return carry2

        lax.fori_loop(0, GCH, body, 0)
        return carry

    lax.fori_loop(0, NG, group, 0)
    plsc.subcore_barrier()
    pltpu.sync_copy(acc.at[pl.ds(s * RPT, RPT)],
                    out_hbm.at[c, pl.ds(s * RPT, RPT)])


@functools.cache
def _sc_degree():
    return pl.kernel(
        _deg_body,
        out_type=jax.ShapeDtypeStruct((NC, N_ACC, DIM), jnp.float32),
        mesh=_mesh(),
        scratch_types=[
            pltpu.VMEM((NG, GCH, CHUNK), jnp.int32),
            pltpu.VMEM((CHUNK, DIM), jnp.float32),
            pltpu.VMEM_SHARED((N_ACC, DIM), jnp.float32),
        ],
    )


def _edge_body(h_hbm, src_hbm, dst_hbm, zeros_hbm, out_hbm,
               srcv, dstv, buf0, buf1, acc, sem0, sem1):
    c = lax.axis_index("c")
    s = lax.axis_index("s")
    ngc = NG0 + c * (NG1 - NG0)
    goff = c * NS * NG0 + s * ngc
    pltpu.sync_copy(zeros_hbm, acc.at[pl.ds(s * RPT, RPT)])
    plsc.subcore_barrier()

    def group(g, carry):
        pltpu.sync_copy(src_hbm.at[goff + g], srcv)
        pltpu.sync_copy(dst_hbm.at[goff + g], dstv)

        def body(jj, carry2):
            j0 = 2 * jj
            cp0 = pltpu.async_copy(h_hbm.at[srcv.at[j0]], buf0, sem0)
            cp1 = pltpu.async_copy(h_hbm.at[srcv.at[j0 + 1]], buf1, sem1)
            cp0.wait()
            pltpu.sync_copy(buf0, acc.at[dstv.at[j0]], add=True)
            cp1.wait()
            pltpu.sync_copy(buf1, acc.at[dstv.at[j0 + 1]], add=True)
            return carry2

        lax.fori_loop(0, GCH // 2, body, 0)
        return carry

    lax.fori_loop(0, ngc, group, 0)
    plsc.subcore_barrier()
    pltpu.sync_copy(acc.at[pl.ds(s * RPT, RPT)],
                    out_hbm.at[c, pl.ds(s * RPT, RPT)])


@functools.cache
def _sc_edge_agg():
    return pl.kernel(
        _edge_body,
        out_type=jax.ShapeDtypeStruct((NC, N_ACC, DIM), jnp.float32),
        mesh=_mesh(),
        scratch_types=[
            pltpu.VMEM((GCH, CHUNK), jnp.int32),
            pltpu.VMEM((GCH, CHUNK), jnp.int32),
            pltpu.VMEM((CHUNK, DIM), jnp.float32),
            pltpu.VMEM((CHUNK, DIM), jnp.float32),
            pltpu.VMEM_SHARED((N_ACC, DIM), jnp.float32),
            pltpu.SemaphoreType.DMA,
            pltpu.SemaphoreType.DMA,
        ],
    )


BM = 1000
GRID = N_NODES // BM

_deg_spec0 = pl.BlockSpec((1, BM, DIM), lambda i: (0, i, 0))
_deg_spec1 = pl.BlockSpec((1, BM, DIM), lambda i: (1, i, 0))
_acc_spec0 = pl.BlockSpec((1, BM, DIM), lambda i: (0, i, 0))
_acc_spec1 = pl.BlockSpec((1, BM, DIM), lambda i: (1, i, 0))
_row_spec = pl.BlockSpec((BM, DIM), lambda i: (i, 0))
_mat_spec = pl.BlockSpec((DIM, DIM), lambda i: (0, 0))
_vec_spec = pl.BlockSpec((1, DIM), lambda i: (0, 0))


def _dinv(d0_ref, d1_ref):
    cnt = d0_ref[0, :, 0:1] + d1_ref[0, :, 0:1]
    return lax.rsqrt(cnt + 1.0)


def _mm1raw_body(x_ref, w_ref, o_ref):
    o_ref[...] = jnp.dot(x_ref[...], w_ref[...],
                         preferred_element_type=jnp.float32)


def _tc_mm1raw(x, W1):
    return pl.pallas_call(
        _mm1raw_body,
        grid=(GRID,),
        in_specs=[_row_spec, _mat_spec],
        out_specs=_row_spec,
        out_shape=jax.ShapeDtypeStruct((N_NODES, DIM), jnp.float32),
    )(x, W1)


def _scale_body(x_ref, d0_ref, d1_ref, o_ref):
    o_ref[...] = x_ref[...] * _dinv(d0_ref, d1_ref)


def _tc_scale(h, degacc):
    return pl.pallas_call(
        _scale_body,
        grid=(GRID,),
        in_specs=[_row_spec, _deg_spec0, _deg_spec1],
        out_specs=_row_spec,
        out_shape=jax.ShapeDtypeStruct((N_NODES, DIM), jnp.float32),
    )(h, degacc, degacc)


def _mm2_body(e0_ref, e1_ref, hp_ref, d0_ref, d1_ref, w_ref, b_ref, o_ref):
    dinv = _dinv(d0_ref, d1_ref)
    agg = e0_ref[0] + e1_ref[0] + hp_ref[...]
    u = jnp.maximum(agg * dinv + b_ref[...], 0.0)
    o_ref[...] = jnp.dot(u, w_ref[...],
                         preferred_element_type=jnp.float32) * dinv


def _tc_mm2(eacc, hp, degacc, W2, b1):
    return pl.pallas_call(
        _mm2_body,
        grid=(GRID,),
        in_specs=[_acc_spec0, _acc_spec1, _row_spec, _deg_spec0, _deg_spec1,
                  _mat_spec, _vec_spec],
        out_specs=_row_spec,
        out_shape=jax.ShapeDtypeStruct((N_NODES, DIM), jnp.float32),
    )(eacc, eacc, hp, degacc, degacc, W2, b1)


def _final_body(e0_ref, e1_ref, hp_ref, d0_ref, d1_ref, b_ref, o_ref):
    dinv = _dinv(d0_ref, d1_ref)
    agg = e0_ref[0] + e1_ref[0] + hp_ref[...]
    o_ref[...] = jnp.maximum(agg * dinv + b_ref[...], 0.0)


def _tc_final(eacc, hp, degacc, b2):
    return pl.pallas_call(
        _final_body,
        grid=(GRID,),
        in_specs=[_acc_spec0, _acc_spec1, _row_spec, _deg_spec0, _deg_spec1,
                  _vec_spec],
        out_specs=_row_spec,
        out_shape=jax.ShapeDtypeStruct((N_NODES, DIM), jnp.float32),
    )(eacc, eacc, hp, degacc, degacc, b2)


def kernel(x, edge_index, W1, b1, W2, b2):
    src = edge_index[0]
    dst = edge_index[1]
    pad = E_PAD - N_EDGES
    src_p = jnp.concatenate(
        [src, jnp.zeros((pad,), jnp.int32)]).reshape(NW * NG, GCH, CHUNK)
    dst_p = jnp.concatenate(
        [dst, jnp.full((pad,), N_NODES, jnp.int32)]).reshape(NW * NG, GCH, CHUNK)
    onesd = jnp.ones((CHUNK, DIM), jnp.float32)
    zerosd = jnp.zeros((RPT, DIM), jnp.float32)
    b1r = b1.reshape(1, DIM)
    b2r = b2.reshape(1, DIM)

    degacc = _sc_degree()(dst_p, zerosd, onesd)
    h1raw = _tc_mm1raw(x, W1)
    h1p = _tc_scale(h1raw, degacc)
    eacc1 = _sc_edge_agg()(h1p, src_p, dst_p, zerosd)
    h2p = _tc_mm2(eacc1, h1p, degacc, W2, b1r)
    eacc2 = _sc_edge_agg()(h2p, src_p, dst_p, zerosd)
    return _tc_final(eacc2, h2p, degacc, b2r)

# --- scband reference (transcript-rebuilt; emitter-appended) ---
"""Pipeline reference for scband-grnn-84550726189135 (READ-ONLY COPY).

The authoritative reference and input builder live on the scoring server;
editing this copy changes nothing except your own understanding.
"""

import jax, jax.numpy as jnp
import numpy as np

N_NODES = 10000
N_EDGES = 320000
IN_DIM = 128
HID_DIM = 128


def gcn_conv(x, edge_index, W, b):
    # Faithful PyG GCNConv: add self-loops, symmetric degree normalization,
    # linear transform, scatter-add aggregation at dst, plus bias.
    num_nodes = x.shape[0]
    loop = jnp.arange(num_nodes, dtype=edge_index.dtype)
    src = jnp.concatenate([edge_index[0], loop])
    dst = jnp.concatenate([edge_index[1], loop])
    edge_weight = jnp.ones(src.shape[0], dtype=x.dtype)
    deg = jax.ops.segment_sum(edge_weight, dst, num_segments=num_nodes)
    deg_inv_sqrt = jnp.where(deg > 0, 1.0 / jnp.sqrt(deg), 0.0)
    norm = deg_inv_sqrt[src] * deg_inv_sqrt[dst]
    h = x @ W
    msg = h[src] * norm[:, None]
    out = jax.ops.segment_sum(msg, dst, num_segments=num_nodes)
    return out + b


def setup_inputs(seed: int = 0) -> dict:
    key = jax.random.key(seed)
    k1, k2, k3, k4 = jax.random.split(key, 4)
    x = jax.random.normal(k1, (N_NODES, IN_DIM), dtype=jnp.float32)
    edge_index = jax.random.randint(k2, (2, N_EDGES), 0, N_NODES, dtype=jnp.int32)
    # GCNConv layer 1 params (glorot-scale init)
    W1 = jax.random.normal(k3, (IN_DIM, HID_DIM), dtype=jnp.float32) * (1.0 / np.sqrt(IN_DIM))
    b1 = jnp.zeros((HID_DIM,), dtype=jnp.float32)
    # GCNConv layer 2 params
    W2 = jax.random.normal(k4, (HID_DIM, HID_DIM), dtype=jnp.float32) * (1.0 / np.sqrt(HID_DIM))
    b2 = jnp.zeros((HID_DIM,), dtype=jnp.float32)
    return {"x": x, "edge_index": edge_index, "W1": W1, "b1": b1, "W2": W2, "b2": b2}


def reference(x, edge_index, W1, b1, W2, b2):
    h = jax.nn.relu(gcn_conv(x, edge_index, W1, b1))
    h = jax.nn.relu(gcn_conv(h, edge_index, W2, b2))
    # global_mean_pool with batch = arange(N): each node is its own graph
    num_nodes = h.shape[0]
    batch = jnp.arange(num_nodes, dtype=jnp.int32)
    counts = jax.ops.segment_sum(jnp.ones((num_nodes,), dtype=h.dtype), batch, num_segments=num_nodes)
    pooled = jax.ops.segment_sum(h, batch, num_segments=num_nodes) / counts[:, None]
    return pooled

if __name__ == "__main__":
    import jax
    _d = setup_inputs()
    print(jax.jit(kernel)(*tuple(_d.values())))

</pallas_src>

<mosaic_0001>
#map = affine_map<(d0, d1) -> (0, 0, 0)>
#map1 = affine_map<(d0, d1) -> (0, 0)>
module attributes {stable_mosaic.version = 14 : i64} {
  func.func @_deg_body(%arg0: i32, %arg1: i32, %arg2: memref<160x16x128xi32, #tpu.memory_space<hbm>>, %arg3: memref<632x128xf32, #tpu.memory_space<hbm>>, %arg4: memref<128x128xf32, #tpu.memory_space<hbm>>, %arg5: memref<2x10112x128xf32, #tpu.memory_space<hbm>>, %arg6: memref<5x16x128xi32, #tpu.memory_space<vmem>>, %arg7: memref<128x128xf32, #tpu.memory_space<vmem>>, %arg8: memref<10112x128xf32, #tpu.memory_space<vmem_shared>>) attributes {dimension_semantics = [#tpu.dimension_semantics<core_parallel>, #tpu.dimension_semantics<subcore_parallel>], iteration_bounds = array<i64: 2, 16>, scalar_prefetch = 0 : i64, scratch_operands = 3 : i64, tpu.core_type = #tpu.core_type<sc_vector_subcore>, window_params = [{transform_indices = #map}, {transform_indices = #map1}, {transform_indices = #map1}, {transform_indices = #map}]} {
    %mul3A = arith.constant 16 : i32
    %mul3A_0 = arith.muli %arg0, %mul3A : i32
    %add3A = arith.addi %mul3A_0, %arg1 : i32
    %mul3A_1 = arith.constant 632 : i32
    %mul3A_2 = arith.muli %arg1, %mul3A_1 : i32
    "tpu.region"() ({
      %run_scoped3A = tpu.sem_alloc : memref<!tpu.dma_semaphore, #tpu.memory_space<semaphore_mem>>
      %dma_start3A = arith.constant 0 : i32
      %dma_start3A_15 = tpu.memref_slice %arg8[%mul3A_2, %dma_start3A] : memref<10112x128xf32, #tpu.memory_space<vmem_shared>> -> memref<632x128xf32, #tpu.memory_space<vmem_shared>>
      tpu.enqueue_dma source(%arg3 : memref<632x128xf32, #tpu.memory_space<hbm>>) target(%dma_start3A_15 : memref<632x128xf32, #tpu.memory_space<vmem_shared>>) target_semaphore(%run_scoped3A : memref<!tpu.dma_semaphore, #tpu.memory_space<semaphore_mem>>)
      %dma_wait3A = arith.constant 0 : i32
      %dma_wait3A_16 = tpu.memref_slice %arg8[%mul3A_2, %dma_wait3A] : memref<10112x128xf32, #tpu.memory_space<vmem_shared>> -> memref<632x128xf32, #tpu.memory_space<vmem_shared>>
      tpu.wait_dma2 semaphore(%run_scoped3A : memref<!tpu.dma_semaphore, #tpu.memory_space<semaphore_mem>>) src(%arg3 : memref<632x128xf32, #tpu.memory_space<hbm>>) dst(%dma_wait3A_16 : memref<632x128xf32, #tpu.memory_space<vmem_shared>>)
      tpu.yield
    }) : () -> ()
    %mul3A_3 = arith.constant 5 : i32
    %mul3A_4 = arith.muli %add3A, %mul3A_3 : i32
    "tpu.region"() ({
      %run_scoped3A = tpu.sem_alloc : memref<!tpu.dma_semaphore, #tpu.memory_space<semaphore_mem>>
      %dma_start3A = arith.constant 0 : i32
      %dma_start3A_15 = arith.constant 0 : i32
      %dma_start3A_16 = tpu.memref_slice %arg2[%mul3A_4, %dma_start3A, %dma_start3A_15] : memref<160x16x128xi32, #tpu.memory_space<hbm>> -> memref<5x16x128xi32, #tpu.memory_space<hbm>>
      %dma_start3A_17 = arith.constant 0 : i32
      %dma_start3A_18 = arith.constant 0 : i32
      %dma_start3A_19 = tpu.memref_slice %arg2[%mul3A_4, %dma_start3A_17, %dma_start3A_18] : memref<160x16x128xi32, #tpu.memory_space<hbm>> -> memref<5x16x128xi32, #tpu.memory_space<hbm>>
      tpu.enqueue_dma source(%dma_start3A_19 : memref<5x16x128xi32, #tpu.memory_space<hbm>>) target(%arg6 : memref<5x16x128xi32, #tpu.memory_space<vmem>>) target_semaphore(%run_scoped3A : memref<!tpu.dma_semaphore, #tpu.memory_space<semaphore_mem>>)
      %dma_wait3A = arith.constant 0 : i32
      %dma_wait3A_20 = arith.constant 0 : i32
      %dma_wait3A_21 = tpu.memref_slice %arg2[%mul3A_4, %dma_wait3A, %dma_wait3A_20] : memref<160x16x128xi32, #tpu.memory_space<hbm>> -> memref<5x16x128xi32, #tpu.memory_space<hbm>>
      %dma_wait3A_22 = arith.constant 0 : i32
      %dma_wait3A_23 = arith.constant 0 : i32
      %dma_wait3A_24 = tpu.memref_slice %arg2[%mul3A_4, %dma_wait3A_22, %dma_wait3A_23] : memref<160x16x128xi32, #tpu.memory_space<hbm>> -> memref<5x16x128xi32, #tpu.memory_space<hbm>>
      tpu.wait_dma2 semaphore(%run_scoped3A : memref<!tpu.dma_semaphore, #tpu.memory_space<semaphore_mem>>) src(%dma_wait3A_24 : memref<5x16x128xi32, #tpu.memory_space<hbm>>) dst(%arg6 : memref<5x16x128xi32, #tpu.memory_space<vmem>>)
      tpu.yield
    }) : () -> ()
    "tpu.region"() ({
      %run_scoped3A = tpu.sem_alloc : memref<!tpu.dma_semaphore, #tpu.memory_space<semaphore_mem>>
      tpu.enqueue_dma source(%arg4 : memref<128x128xf32, #tpu.memory_space<hbm>>) target(%arg7 : memref<128x128xf32, #tpu.memory_space<vmem>>) target_semaphore(%run_scoped3A : memref<!tpu.dma_semaphore, #tpu.memory_space<semaphore_mem>>)
      tpu.wait_dma2 semaphore(%run_scoped3A : memref<!tpu.dma_semaphore, #tpu.memory_space<semaphore_mem>>) src(%arg4 : memref<128x128xf32, #tpu.memory_space<hbm>>) dst(%arg7 : memref<128x128xf32, #tpu.memory_space<vmem>>)
      tpu.yield
    }) : () -> ()
    %barrier3A = arith.constant 0 : index
    tpu.barrier barrier_id(%barrier3A)
    %scan3A = arith.constant 0 : i32
    %scan3A_5 = arith.constant 0 : i32
    %scan3A_6 = arith.constant 5 : i32
    %scan3A_7 = arith.addi %scan3A_5, %scan3A_6 : i32
    %scan3A_8 = arith.constant 1 : i32
    scf.for %scan3A_15 = %scan3A_5 to %scan3A_7 step %scan3A_8  : i32 {
      %scan3A_16 = arith.constant 0 : i32
      %scan3A_17 = arith.constant 0 : i32
      %scan3A_18 = arith.constant 16 : i32
      %scan3A_19 = arith.addi %scan3A_17, %scan3A_18 : i32
      %scan3A_20 = arith.constant 1 : i32
      scf.for %scan3A_22 = %scan3A_17 to %scan3A_19 step %scan3A_20  : i32 {
        "tpu.region"() ({
          %run_scoped3A = tpu.sem_alloc : memref<!tpu.dma_semaphore, #tpu.memory_space<semaphore_mem>>
          %dma_start3A = arith.constant 0 : i32
          %dma_start3A_23 = tpu.memref_slice %arg6[%scan3A_15, %scan3A_22, %dma_start3A] : memref<5x16x128xi32, #tpu.memory_space<vmem>> -> memref<1x1x128xi32, #tpu.memory_space<vmem>>
          %dma_start3A_24 = tpu.memref_squeeze %dma_start3A_23 : memref<1x1x128xi32, #tpu.memory_space<vmem>> -> memref<128xi32, #tpu.memory_space<vmem>>
          %dma_start3A_25 = arith.constant 0 : i32
          %dma_start3A_26 = arith.constant 0 : i32
          %dma_start3A_27 = tpu.memref_slice %arg8[%dma_start3A_25, %dma_start3A_26] : memref<10112x128xf32, #tpu.memory_space<vmem_shared>> -> memref<10112x128xf32, #tpu.memory_space<vmem_shared>>
          tpu.enqueue_indirect_dma source(%arg7 : memref<128x128xf32, #tpu.memory_space<vmem>>) target(%dma_start3A_27 : memref<10112x128xf32, #tpu.memory_space<vmem_shared>>) offsets(%dma_start3A_24 : memref<128xi32, #tpu.memory_space<vmem>>) semaphore(%run_scoped3A : memref<!tpu.dma_semaphore, #tpu.memory_space<semaphore_mem>>) {add = true}
          %dma_wait3A = arith.constant 0 : i32
          %dma_wait3A_28 = tpu.memref_slice %arg6[%scan3A_15, %scan3A_22, %dma_wait3A] : memref<5x16x128xi32, #tpu.memory_space<vmem>> -> memref<1x1x128xi32, #tpu.memory_space<vmem>>
          %dma_wait3A_29 = tpu.memref_squeeze %dma_wait3A_28 : memref<1x1x128xi32, #tpu.memory_space<vmem>> -> memref<128xi32, #tpu.memory_space<vmem>>
          %dma_wait3A_30 = arith.constant 0 : i32
          %dma_wait3A_31 = arith.constant 0 : i32
          %dma_wait3A_32 = tpu.memref_slice %arg8[%dma_wait3A_30, %dma_wait3A_31] : memref<10112x128xf32, #tpu.memory_space<vmem_shared>> -> memref<10112x128xf32, #tpu.memory_space<vmem_shared>>
          tpu.wait_indirect_dma semaphore(%run_scoped3A : memref<!tpu.dma_semaphore, #tpu.memory_space<semaphore_mem>>) src(%arg7 : memref<128x128xf32, #tpu.memory_space<vmem>>) dst(%dma_wait3A_32 : memref<10112x128xf32, #tpu.memory_space<vmem_shared>>)
          tpu.yield
        }) : () -> ()
      }
      %scan3A_21 = arith.constant 16 : i32
    }
    %scan3A_9 = arith.constant 5 : i32
    %barrier3A_10 = arith.constant 0 : index
    tpu.barrier barrier_id(%barrier3A_10)
    %mul3A_11 = arith.constant 632 : i32
    %mul3A_12 = arith.muli %arg1, %mul3A_11 : i32
    %mul3A_13 = arith.constant 632 : i32
    %mul3A_14 = arith.muli %arg1, %mul3A_13 : i32
    "tpu.region"() ({
      %run_scoped3A = tpu.sem_alloc : memref<!tpu.dma_semaphore, #tpu.memory_space<semaphore_mem>>
      %dma_start3A = arith.constant 0 : i32
      %dma_start3A_15 = tpu.memref_slice %arg5[%arg0, %mul3A_14, %dma_start3A] : memref<2x10112x128xf32, #tpu.memory_space<hbm>> -> memref<1x632x128xf32, #tpu.memory_space<hbm>>
      %dma_start3A_16 = tpu.memref_squeeze %dma_start3A_15 : memref<1x632x128xf32, #tpu.memory_space<hbm>> -> memref<632x128xf32, #tpu.memory_space<hbm>>
      %dma_start3A_17 = arith.constant 0 : i32
      %dma_start3A_18 = tpu.memref_slice %arg8[%mul3A_12, %dma_start3A_17] : memref<10112x128xf32, #tpu.memory_space<vmem_shared>> -> memref<632x128xf32, #tpu.memory_space<vmem_shared>>
      tpu.enqueue_dma source(%dma_start3A_18 : memref<632x128xf32, #tpu.memory_space<vmem_shared>>) target(%dma_start3A_16 : memref<632x128xf32, #tpu.memory_space<hbm>>) target_semaphore(%run_scoped3A : memref<!tpu.dma_semaphore, #tpu.memory_space<semaphore_mem>>)
      %dma_wait3A = arith.constant 0 : i32
      %dma_wait3A_19 = tpu.memref_slice %arg5[%arg0, %mul3A_14, %dma_wait3A] : memref<2x10112x128xf32, #tpu.memory_space<hbm>> -> memref<1x632x128xf32, #tpu.memory_space<hbm>>
      %dma_wait3A_20 = tpu.memref_squeeze %dma_wait3A_19 : memref<1x632x128xf32, #tpu.memory_space<hbm>> -> memref<632x128xf32, #tpu.memory_space<hbm>>
      %dma_wait3A_21 = arith.constant 0 : i32
      %dma_wait3A_22 = tpu.memref_slice %arg8[%mul3A_12, %dma_wait3A_21] : memref<10112x128xf32, #tpu.memory_space<vmem_shared>> -> memref<632x128xf32, #tpu.memory_space<vmem_shared>>
      tpu.wait_dma2 semaphore(%run_scoped3A : memref<!tpu.dma_semaphore, #tpu.memory_space<semaphore_mem>>) src(%dma_wait3A_22 : memref<632x128xf32, #tpu.memory_space<vmem_shared>>) dst(%dma_wait3A_20 : memref<632x128xf32, #tpu.memory_space<hbm>>)
      tpu.yield
    }) : () -> ()
    return
  }
}

#map = affine_map<(d0, d1) -> (0, 0)>
#map1 = affine_map<(d0, d1) -> (0, 0, 0)>
module attributes {stable_mosaic.version = 14 : i64} {
  func.func @_edge_body(%arg0: i32, %arg1: i32, %arg2: memref<10000x128xf32, #tpu.memory_space<hbm>>, %arg3: memref<160x16x128xi32, #tpu.memory_space<hbm>>, %arg4: memref<160x16x128xi32, #tpu.memory_space<hbm>>, %arg5: memref<632x128xf32, #tpu.memory_space<hbm>>, %arg6: memref<2x10112x128xf32, #tpu.memory_space<hbm>>, %arg7: memref<16x128xi32, #tpu.memory_space<vmem>>, %arg8: memref<16x128xi32, #tpu.memory_space<vmem>>, %arg9: memref<128x128xf32, #tpu.memory_space<vmem>>, %arg10: memref<128x128xf32, #tpu.memory_space<vmem>>, %arg11: memref<10112x128xf32, #tpu.memory_space<vmem_shared>>, %arg12: memref<!tpu.dma_semaphore, #tpu.memory_space<semaphore_mem>>, %arg13: memref<!tpu.dma_semaphore, #tpu.memory_space<semaphore_mem>>) attributes {dimension_semantics = [#tpu.dimension_semantics<core_parallel>, #tpu.dimension_semantics<subcore_parallel>], iteration_bounds = array<i64: 2, 16>, scalar_prefetch = 0 : i64, scratch_operands = 7 : i64, tpu.core_type = #tpu.core_type<sc_vector_subcore>, window_params = [{transform_indices = #map}, {transform_indices = #map1}, {transform_indices = #map1}, {transform_indices = #map}, {transform_indices = #map1}]} {
    %mul3A = arith.constant 0 : i32
    %mul3A_0 = arith.muli %arg0, %mul3A : i32
    %add3A = arith.constant 5 : i32
    %add3A_1 = arith.addi %add3A, %mul3A_0 : i32
    %mul3A_2 = arith.constant 16 : i32
    %mul3A_3 = arith.muli %arg0, %mul3A_2 : i32
    %mul3A_4 = arith.constant 5 : i32
    %mul3A_5 = arith.muli %mul3A_3, %mul3A_4 : i32
    %mul3A_6 = arith.muli %arg1, %add3A_1 : i32
    %add3A_7 = arith.addi %mul3A_5, %mul3A_6 : i32
    %mul3A_8 = arith.constant 632 : i32
    %mul3A_9 = arith.muli %arg1, %mul3A_8 : i32
    "tpu.region"() ({
      %run_scoped3A = tpu.sem_alloc : memref<!tpu.dma_semaphore, #tpu.memory_space<semaphore_mem>>
      %dma_start3A = arith.constant 0 : i32
      %dma_start3A_24 = tpu.memref_slice %arg11[%mul3A_9, %dma_start3A] : memref<10112x128xf32, #tpu.memory_space<vmem_shared>> -> memref<632x128xf32, #tpu.memory_space<vmem_shared>>
      tpu.enqueue_dma source(%arg5 : memref<632x128xf32, #tpu.memory_space<hbm>>) target(%dma_start3A_24 : memref<632x128xf32, #tpu.memory_space<vmem_shared>>) target_semaphore(%run_scoped3A : memref<!tpu.dma_semaphore, #tpu.memory_space<semaphore_mem>>)
      %dma_wait3A = arith.constant 0 : i32
      %dma_wait3A_25 = tpu.memref_slice %arg11[%mul3A_9, %dma_wait3A] : memref<10112x128xf32, #tpu.memory_space<vmem_shared>> -> memref<632x128xf32, #tpu.memory_space<vmem_shared>>
      tpu.wait_dma2 semaphore(%run_scoped3A : memref<!tpu.dma_semaphore, #tpu.memory_space<semaphore_mem>>) src(%arg5 : memref<632x128xf32, #tpu.memory_space<hbm>>) dst(%dma_wait3A_25 : memref<632x128xf32, #tpu.memory_space<vmem_shared>>)
      tpu.yield
    }) : () -> ()
    %barrier3A = arith.constant 0 : index
    tpu.barrier barrier_id(%barrier3A)
    %while3A = arith.constant 0 : i32
    %while3A_10 = arith.constant 0 : i32
    %while3A_11 = arith.subi %add3A_1, %while3A_10 : i32
    %while3A_12 = arith.addi %while3A_10, %while3A_11 : i32
    %while3A_13 = arith.constant 1 : i32
    %while3A_14 = arith.divsi %while3A_11, %while3A_13 : i32
    %while3A_15 = arith.muli %while3A_14, %while3A_13 : i32
    %while3A_16 = arith.addi %while3A_10, %while3A_15 : i32
    %while3A_17 = arith.constant 1 : i32
    scf.for %while3A_24 = %while3A_10 to %while3A_16 step %while3A_17  : i32 {
      %add3A_25 = arith.addi %add3A_7, %while3A_24 : i32
      "tpu.region"() ({
        %run_scoped3A = tpu.sem_alloc : memref<!tpu.dma_semaphore, #tpu.memory_space<semaphore_mem>>
        %dma_start3A = arith.constant 0 : i32
        %dma_start3A_32 = arith.constant 0 : i32
        %dma_start3A_33 = tpu.memref_slice %arg3[%add3A_25, %dma_start3A, %dma_start3A_32] : memref<160x16x128xi32, #tpu.memory_space<hbm>> -> memref<1x16x128xi32, #tpu.memory_space<hbm>>
        %dma_start3A_34 = tpu.memref_squeeze %dma_start3A_33 : memref<1x16x128xi32, #tpu.memory_space<hbm>> -> memref<16x128xi32, #tpu.memory_space<hbm>>
        %dma_start3A_35 = arith.constant 0 : i32
        %dma_start3A_36 = arith.constant 0 : i32
        %dma_start3A_37 = tpu.memref_slice %arg3[%add3A_25, %dma_start3A_35, %dma_start3A_36] : memref<160x16x128xi32, #tpu.memory_space<hbm>> -> memref<1x16x128xi32, #tpu.memory_space<hbm>>
        %dma_start3A_38 = tpu.memref_squeeze %dma_start3A_37 : memref<1x16x128xi32, #tpu.memory_space<hbm>> -> memref<16x128xi32, #tpu.memory_space<hbm>>
        tpu.enqueue_dma source(%dma_start3A_38 : memref<16x128xi32, #tpu.memory_space<hbm>>) target(%arg7 : memref<16x128xi32, #tpu.memory_space<vmem>>) target_semaphore(%run_scoped3A : memref<!tpu.dma_semaphore, #tpu.memory_space<semaphore_mem>>)
        %dma_wait3A = arith.constant 0 : i32
        %dma_wait3A_39 = arith.constant 0 : i32
        %dma_wait3A_40 = tpu.memref_slice %arg3[%add3A_25, %dma_wait3A, %dma_wait3A_39] : memref<160x16x128xi32, #tpu.memory_space<hbm>> -> memref<1x16x128xi32, #tpu.memory_space<hbm>>
        %dma_wait3A_41 = tpu.memref_squeeze %dma_wait3A_40 : memref<1x16x128xi32, #tpu.memory_space<hbm>> -> memref<16x128xi32, #tpu.memory_space<hbm>>
        %dma_wait3A_42 = arith.constant 0 : i32
        %dma_wait3A_43 = arith.constant 0 : i32
        %dma_wait3A_44 = tpu.memref_slice %arg3[%add3A_25, %dma_wait3A_42, %dma_wait3A_43] : memref<160x16x128xi32, #tpu.memory_space<hbm>> -> memref<1x16x128xi32, #tpu.memory_space<hbm>>
        %dma_wait3A_45 = tpu.memref_squeeze %dma_wait3A_44 : memref<1x16x128xi32, #tpu.memory_space<hbm>> -> memref<16x128xi32, #tpu.memory_space<hbm>>
        tpu.wait_dma2 semaphore(%run_scoped3A : memref<!tpu.dma_semaphore, #tpu.memory_space<semaphore_mem>>) src(%dma_wait3A_45 : memref<16x128xi32, #tpu.memory_space<hbm>>) dst(%arg7 : memref<16x128xi32, #tpu.memory_space<vmem>>)
        tpu.yield
      }) : () -> ()
      %add3A_26 = arith.addi %add3A_7, %while3A_24 : i32
      "tpu.region"() ({
        %run_scoped3A = tpu.sem_alloc : memref<!tpu.dma_semaphore, #tpu.memory_space<semaphore_mem>>
        %dma_start3A = arith.constant 0 : i32
        %dma_start3A_32 = arith.constant 0 : i32
        %dma_start3A_33 = tpu.memref_slice %arg4[%add3A_26, %dma_start3A, %dma_start3A_32] : memref<160x16x128xi32, #tpu.memory_space<hbm>> -> memref<1x16x128xi32, #tpu.memory_space<hbm>>
        %dma_start3A_34 = tpu.memref_squeeze %dma_start3A_33 : memref<1x16x128xi32, #tpu.memory_space<hbm>> -> memref<16x128xi32, #tpu.memory_space<hbm>>
        %dma_start3A_35 = arith.constant 0 : i32
        %dma_start3A_36 = arith.constant 0 : i32
        %dma_start3A_37 = tpu.memref_slice %arg4[%add3A_26, %dma_start3A_35, %dma_start3A_36] : memref<160x16x128xi32, #tpu.memory_space<hbm>> -> memref<1x16x128xi32, #tpu.memory_space<hbm>>
        %dma_start3A_38 = tpu.memref_squeeze %dma_start3A_37 : memref<1x16x128xi32, #tpu.memory_space<hbm>> -> memref<16x128xi32, #tpu.memory_space<hbm>>
        tpu.enqueue_dma source(%dma_start3A_38 : memref<16x128xi32, #tpu.memory_space<hbm>>) target(%arg8 : memref<16x128xi32, #tpu.memory_space<vmem>>) target_semaphore(%run_scoped3A : memref<!tpu.dma_semaphore, #tpu.memory_space<semaphore_mem>>)
        %dma_wait3A = arith.constant 0 : i32
        %dma_wait3A_39 = arith.constant 0 : i32
        %dma_wait3A_40 = tpu.memref_slice %arg4[%add3A_26, %dma_wait3A, %dma_wait3A_39] : memref<160x16x128xi32, #tpu.memory_space<hbm>> -> memref<1x16x128xi32, #tpu.memory_space<hbm>>
        %dma_wait3A_41 = tpu.memref_squeeze %dma_wait3A_40 : memref<1x16x128xi32, #tpu.memory_space<hbm>> -> memref<16x128xi32, #tpu.memory_space<hbm>>
        %dma_wait3A_42 = arith.constant 0 : i32
        %dma_wait3A_43 = arith.constant 0 : i32
        %dma_wait3A_44 = tpu.memref_slice %arg4[%add3A_26, %dma_wait3A_42, %dma_wait3A_43] : memref<160x16x128xi32, #tpu.memory_space<hbm>> -> memref<1x16x128xi32, #tpu.memory_space<hbm>>
        %dma_wait3A_45 = tpu.memref_squeeze %dma_wait3A_44 : memref<1x16x128xi32, #tpu.memory_space<hbm>> -> memref<16x128xi32, #tpu.memory_space<hbm>>
        tpu.wait_dma2 semaphore(%run_scoped3A : memref<!tpu.dma_semaphore, #tpu.memory_space<semaphore_mem>>) src(%dma_wait3A_45 : memref<16x128xi32, #tpu.memory_space<hbm>>) dst(%arg8 : memref<16x128xi32, #tpu.memory_space<vmem>>)
        tpu.yield
      }) : () -> ()
      %scan3A = arith.constant 0 : i32
      %scan3A_27 = arith.constant 0 : i32
      %scan3A_28 = arith.constant 8 : i32
      %scan3A_29 = arith.addi %scan3A_27, %scan3A_28 : i32
      %scan3A_30 = arith.constant 1 : i32
      scf.for %scan3A_32 = %scan3A_27 to %scan3A_29 step %scan3A_30  : i32 {
        %mul3A_33 = arith.constant 2 : i32
        %mul3A_34 = arith.muli %mul3A_33, %scan3A_32 : i32
        %dma_start3A = arith.constant 0 : i32
        %dma_start3A_35 = tpu.memref_slice %arg7[%mul3A_34, %dma_start3A] : memref<16x128xi32, #tpu.memory_space<vmem>> -> memref<1x128xi32, #tpu.memory_space<vmem>>
        %dma_start3A_36 = tpu.memref_squeeze %dma_start3A_35 : memref<1x128xi32, #tpu.memory_space<vmem>> -> memref<128xi32, #tpu.memory_space<vmem>>
        %dma_start3A_37 = arith.constant 0 : i32
        %dma_start3A_38 = arith.constant 0 : i32
        %dma_start3A_39 = tpu.memref_slice %arg2[%dma_start3A_37, %dma_start3A_38] : memref<10000x128xf32, #tpu.memory_space<hbm>> -> memref<10000x128xf32, #tpu.memory_space<hbm>>
        tpu.enqueue_indirect_dma source(%dma_start3A_39 : memref<10000x128xf32, #tpu.memory_space<hbm>>) target(%arg9 : memref<128x128xf32, #tpu.memory_space<vmem>>) offsets(%dma_start3A_36 : memref<128xi32, #tpu.memory_space<vmem>>) semaphore(%arg12 : memref<!tpu.dma_semaphore, #tpu.memory_space<semaphore_mem>>)
        %add3A_40 = arith.constant 1 : i32
        %add3A_41 = arith.addi %mul3A_34, %add3A_40 : i32
        %dma_start3A_42 = arith.constant 0 : i32
        %dma_start3A_43 = tpu.memref_slice %arg7[%add3A_41, %dma_start3A_42] : memref<16x128xi32, #tpu.memory_space<vmem>> -> memref<1x128xi32, #tpu.memory_space<vmem>>
        %dma_start3A_44 = tpu.memref_squeeze %dma_start3A_43 : memref<1x128xi32, #tpu.memory_space<vmem>> -> memref<128xi32, #tpu.memory_space<vmem>>
        %dma_start3A_45 = arith.constant 0 : i32
        %dma_start3A_46 = arith.constant 0 : i32
        %dma_start3A_47 = tpu.memref_slice %arg2[%dma_start3A_45, %dma_start3A_46] : memref<10000x128xf32, #tpu.memory_space<hbm>> -> memref<10000x128xf32, #tpu.memory_space<hbm>>
        tpu.enqueue_indirect_dma source(%dma_start3A_47 : memref<10000x128xf32, #tpu.memory_space<hbm>>) target(%arg10 : memref<128x128xf32, #tpu.memory_space<vmem>>) offsets(%dma_start3A_44 : memref<128xi32, #tpu.memory_space<vmem>>) semaphore(%arg13 : memref<!tpu.dma_semaphore, #tpu.memory_space<semaphore_mem>>)
        %dma_wait3A = arith.constant 0 : i32
        %dma_wait3A_48 = tpu.memref_slice %arg7[%mul3A_34, %dma_wait3A] : memref<16x128xi32, #tpu.memory_space<vmem>> -> memref<1x128xi32, #tpu.memory_space<vmem>>
        %dma_wait3A_49 = tpu.memref_squeeze %dma_wait3A_48 : memref<1x128xi32, #tpu.memory_space<vmem>> -> memref<128xi32, #tpu.memory_space<vmem>>
        %dma_wait3A_50 = arith.constant 0 : i32
        %dma_wait3A_51 = arith.constant 0 : i32
        %dma_wait3A_52 = tpu.memref_slice %arg2[%dma_wait3A_50, %dma_wait3A_51] : memref<10000x128xf32, #tpu.memory_space<hbm>> -> memref<10000x128xf32, #tpu.memory_space<hbm>>
        tpu.wait_indirect_dma semaphore(%arg12 : memref<!tpu.dma_semaphore, #tpu.memory_space<semaphore_mem>>) src(%dma_wait3A_52 : memref<10000x128xf32, #tpu.memory_space<hbm>>) dst(%arg9 : memref<128x128xf32, #tpu.memory_space<vmem>>)
        "tpu.region"() ({
          %run_scoped3A = tpu.sem_alloc : memref<!tpu.dma_semaphore, #tpu.memory_space<semaphore_mem>>
          %dma_start3A_61 = arith.constant 0 : i32
          %dma_start3A_62 = tpu.memref_slice %arg8[%mul3A_34, %dma_start3A_61] : memref<16x128xi32, #tpu.memory_space<vmem>> -> memref<1x128xi32, #tpu.memory_space<vmem>>
          %dma_start3A_63 = tpu.memref_squeeze %dma_start3A_62 : memref<1x128xi32, #tpu.memory_space<vmem>> -> memref<128xi32, #tpu.memory_space<vmem>>
          %dma_start3A_64 = arith.constant 0 : i32
          %dma_start3A_65 = arith.constant 0 : i32
          %dma_start3A_66 = tpu.memref_slice %arg11[%dma_start3A_64, %dma_start3A_65] : memref<10112x128xf32, #tpu.memory_space<vmem_shared>> -> memref<10112x128xf32, #tpu.memory_space<vmem_shared>>
          tpu.enqueue_indirect_dma source(%arg9 : memref<128x128xf32, #tpu.memory_space<vmem>>) target(%dma_start3A_66 : memref<10112x128xf32, #tpu.memory_space<vmem_shared>>) offsets(%dma_start3A_63 : memref<128xi32, #tpu.memory_space<vmem>>) semaphore(%run_scoped3A : memref<!tpu.dma_semaphore, #tpu.memory_space<semaphore_mem>>) {add = true}
          %dma_wait3A_67 = arith.constant 0 : i32
          %dma_wait3A_68 = tpu.memref_slice %arg8[%mul3A_34, %dma_wait3A_67] : memref<16x128xi32, #tpu.memory_space<vmem>> -> memref<1x128xi32, #tpu.memory_space<vmem>>
          %dma_wait3A_69 = tpu.memref_squeeze %dma_wait3A_68 : memref<1x128xi32, #tpu.memory_space<vmem>> -> memref<128xi32, #tpu.memory_space<vmem>>
          %dma_wait3A_70 = arith.constant 0 : i32
          %dma_wait3A_71 = arith.constant 0 : i32
          %dma_wait3A_72 = tpu.memref_slice %arg11[%dma_wait3A_70, %dma_wait3A_71] : memref<10112x128xf32, #tpu.memory_space<vmem_shared>> -> memref<10112x128xf32, #tpu.memory_space<vmem_shared>>
          tpu.wait_indirect_dma semaphore(%run_scoped3A : memref<!tpu.dma_semaphore, #tpu.memory_space<semaphore_mem>>) src(%arg9 : memref<128x128xf32, #tpu.memory_space<vmem>>) dst(%dma_wait3A_72 : memref<10112x128xf32, #tpu.memory_space<vmem_shared>>)
          tpu.yield
        }) : () -> ()
        %dma_wait3A_53 = arith.constant 0 : i32
        %dma_wait3A_54 = tpu.memref_slice %arg7[%add3A_41, %dma_wait3A_53] : memref<16x128xi32, #tpu.memory_space<vmem>> -> memref<1x128xi32, #tpu.memory_space<vmem>>
        %dma_wait3A_55 = tpu.memref_squeeze %dma_wait3A_54 : memref<1x128xi32, #tpu.memory_space<vmem>> -> memref<128xi32, #tpu.memory_space<vmem>>
        %dma_wait3A_56 = arith.constant 0 : i32
        %dma_wait3A_57 = arith.constant 0 : i32
        %dma_wait3A_58 = tpu.memref_slice %arg2[%dma_wait3A_56, %dma_wait3A_57] : memref<10000x128xf32, #tpu.memory_space<hbm>> -> memref<10000x128xf32, #tpu.memory_space<hbm>>
        tpu.wait_indirect_dma semaphore(%arg13 : memref<!tpu.dma_semaphore, #tpu.memory_space<semaphore_mem>>) src(%dma_wait3A_58 : memref<10000x128xf32, #tpu.memory_space<hbm>>) dst(%arg10 : memref<128x128xf32, #tpu.memory_space<vmem>>)
        %add3A_59 = arith.constant 1 : i32
        %add3A_60 = arith.addi %mul3A_34, %add3A_59 : i32
        "tpu.region"() ({
          %run_scoped3A = tpu.sem_alloc : memref<!tpu.dma_semaphore, #tpu.memory_space<semaphore_mem>>
          %dma_start3A_61 = arith.constant 0 : i32
          %dma_start3A_62 = tpu.memref_slice %arg8[%add3A_60, %dma_start3A_61] : memref<16x128xi32, #tpu.memory_space<vmem>> -> memref<1x128xi32, #tpu.memory_space<vmem>>
          %dma_start3A_63 = tpu.memref_squeeze %dma_start3A_62 : memref<1x128xi32, #tpu.memory_space<vmem>> -> memref<128xi32, #tpu.memory_space<vmem>>
          %dma_start3A_64 = arith.constant 0 : i32
          %dma_start3A_65 = arith.constant 0 : i32
          %dma_start3A_66 = tpu.memref_slice %arg11[%dma_start3A_64, %dma_start3A_65] : memref<10112x128xf32, #tpu.memory_space<vmem_shared>> -> memref<10112x128xf32, #tpu.memory_space<vmem_shared>>
          tpu.enqueue_indirect_dma source(%arg10 : memref<128x128xf32, #tpu.memory_space<vmem>>) target(%dma_start3A_66 : memref<10112x128xf32, #tpu.memory_space<vmem_shared>>) offsets(%dma_start3A_63 : memref<128xi32, #tpu.memory_space<vmem>>) semaphore(%run_scoped3A : memref<!tpu.dma_semaphore, #tpu.memory_space<semaphore_mem>>) {add = true}
          %dma_wait3A_67 = arith.constant 0 : i32
          %dma_wait3A_68 = tpu.memref_slice %arg8[%add3A_60, %dma_wait3A_67] : memref<16x128xi32, #tpu.memory_space<vmem>> -> memref<1x128xi32, #tpu.memory_space<vmem>>
          %dma_wait3A_69 = tpu.memref_squeeze %dma_wait3A_68 : memref<1x128xi32, #tpu.memory_space<vmem>> -> memref<128xi32, #tpu.memory_space<vmem>>
          %dma_wait3A_70 = arith.constant 0 : i32
          %dma_wait3A_71 = arith.constant 0 : i32
          %dma_wait3A_72 = tpu.memref_slice %arg11[%dma_wait3A_70, %dma_wait3A_71] : memref<10112x128xf32, #tpu.memory_space<vmem_shared>> -> memref<10112x128xf32, #tpu.memory_space<vmem_shared>>
          tpu.wait_indirect_dma semaphore(%run_scoped3A : memref<!tpu.dma_semaphore, #tpu.memory_space<semaphore_mem>>) src(%arg10 : memref<128x128xf32, #tpu.memory_space<vmem>>) dst(%dma_wait3A_72 : memref<10112x128xf32, #tpu.memory_space<vmem_shared>>)
          tpu.yield
        }) : () -> ()
      }
      %scan3A_31 = arith.constant 8 : i32
    }
    %while3A_18 = arith.constant 1 : i32
    scf.for %while3A_24 = %while3A_16 to %while3A_12 step %while3A_18  : i32 {
      %add3A_25 = arith.addi %add3A_7, %while3A_24 : i32
      "tpu.region"() ({
        %run_scoped3A = tpu.sem_alloc : memref<!tpu.dma_semaphore, #tpu.memory_space<semaphore_mem>>
        %dma_start3A = arith.constant 0 : i32
        %dma_start3A_32 = arith.constant 0 : i32
        %dma_start3A_33 = tpu.memref_slice %arg3[%add3A_25, %dma_start3A, %dma_start3A_32] : memref<160x16x128xi32, #tpu.memory_space<hbm>> -> memref<1x16x128xi32, #tpu.memory_space<hbm>>
        %dma_start3A_34 = tpu.memref_squeeze %dma_start3A_33 : memref<1x16x128xi32, #tpu.memory_space<hbm>> -> memref<16x128xi32, #tpu.memory_space<hbm>>
        %dma_start3A_35 = arith.constant 0 : i32
        %dma_start3A_36 = arith.constant 0 : i32
        %dma_start3A_37 = tpu.memref_slice %arg3[%add3A_25, %dma_start3A_35, %dma_start3A_36] : memref<160x16x128xi32, #tpu.memory_space<hbm>> -> memref<1x16x128xi32, #tpu.memory_space<hbm>>
        %dma_start3A_38 = tpu.memref_squeeze %dma_start3A_37 : memref<1x16x128xi32, #tpu.memory_space<hbm>> -> memref<16x128xi32, #tpu.memory_space<hbm>>
        tpu.enqueue_dma source(%dma_start3A_38 : memref<16x128xi32, #tpu.memory_space<hbm>>) target(%arg7 : memref<16x128xi32, #tpu.memory_space<vmem>>) target_semaphore(%run_scoped3A : memref<!tpu.dma_semaphore, #tpu.memory_space<semaphore_mem>>)
        %dma_wait3A = arith.constant 0 : i32
        %dma_wait3A_39 = arith.constant 0 : i32
        %dma_wait3A_40 = tpu.memref_slice %arg3[%add3A_25, %dma_wait3A, %dma_wait3A_39] : memref<160x16x128xi32, #tpu.memory_space<hbm>> -> memref<1x16x128xi32, #tpu.memory_space<hbm>>
        %dma_wait3A_41 = tpu.memref_squeeze %dma_wait3A_40 : memref<1x16x128xi32, #tpu.memory_space<hbm>> -> memref<16x128xi32, #tpu.memory_space<hbm>>
        %dma_wait3A_42 = arith.constant 0 : i32
        %dma_wait3A_43 = arith.constant 0 : i32
        %dma_wait3A_44 = tpu.memref_slice %arg3[%add3A_25, %dma_wait3A_42, %dma_wait3A_43] : memref<160x16x128xi32, #tpu.memory_space<hbm>> -> memref<1x16x128xi32, #tpu.memory_space<hbm>>
        %dma_wait3A_45 = tpu.memref_squeeze %dma_wait3A_44 : memref<1x16x128xi32, #tpu.memory_space<hbm>> -> memref<16x128xi32, #tpu.memory_space<hbm>>
        tpu.wait_dma2 semaphore(%run_scoped3A : memref<!tpu.dma_semaphore, #tpu.memory_space<semaphore_mem>>) src(%dma_wait3A_45 : memref<16x128xi32, #tpu.memory_space<hbm>>) dst(%arg7 : memref<16x128xi32, #tpu.memory_space<vmem>>)
        tpu.yield
      }) : () -> ()
      %add3A_26 = arith.addi %add3A_7, %while3A_24 : i32
      "tpu.region"() ({
        %run_scoped3A = tpu.sem_alloc : memref<!tpu.dma_semaphore, #tpu.memory_space<semaphore_mem>>
        %dma_start3A = arith.constant 0 : i32
        %dma_start3A_32 = arith.constant 0 : i32
        %dma_start3A_33 = tpu.memref_slice %arg4[%add3A_26, %dma_start3A, %dma_start3A_32] : memref<160x16x128xi32, #tpu.memory_space<hbm>> -> memref<1x16x128xi32, #tpu.memory_space<hbm>>
        %dma_start3A_34 = tpu.memref_squeeze %dma_start3A_33 : memref<1x16x128xi32, #tpu.memory_space<hbm>> -> memref<16x128xi32, #tpu.memory_space<hbm>>
        %dma_start3A_35 = arith.constant 0 : i32
        %dma_start3A_36 = arith.constant 0 : i32
        %dma_start3A_37 = tpu.memref_slice %arg4[%add3A_26, %dma_start3A_35, %dma_start3A_36] : memref<160x16x128xi32, #tpu.memory_space<hbm>> -> memref<1x16x128xi32, #tpu.memory_space<hbm>>
        %dma_start3A_38 = tpu.memref_squeeze %dma_start3A_37 : memref<1x16x128xi32, #tpu.memory_space<hbm>> -> memref<16x128xi32, #tpu.memory_space<hbm>>
        tpu.enqueue_dma source(%dma_start3A_38 : memref<16x128xi32, #tpu.memory_space<hbm>>) target(%arg8 : memref<16x128xi32, #tpu.memory_space<vmem>>) target_semaphore(%run_scoped3A : memref<!tpu.dma_semaphore, #tpu.memory_space<semaphore_mem>>)
        %dma_wait3A = arith.constant 0 : i32
        %dma_wait3A_39 = arith.constant 0 : i32
        %dma_wait3A_40 = tpu.memref_slice %arg4[%add3A_26, %dma_wait3A, %dma_wait3A_39] : memref<160x16x128xi32, #tpu.memory_space<hbm>> -> memref<1x16x128xi32, #tpu.memory_space<hbm>>
        %dma_wait3A_41 = tpu.memref_squeeze %dma_wait3A_40 : memref<1x16x128xi32, #tpu.memory_space<hbm>> -> memref<16x128xi32, #tpu.memory_space<hbm>>
        %dma_wait3A_42 = arith.constant 0 : i32
        %dma_wait3A_43 = arith.constant 0 : i32
        %dma_wait3A_44 = tpu.memref_slice %arg4[%add3A_26, %dma_wait3A_42, %dma_wait3A_43] : memref<160x16x128xi32, #tpu.memory_space<hbm>> -> memref<1x16x128xi32, #tpu.memory_space<hbm>>
        %dma_wait3A_45 = tpu.memref_squeeze %dma_wait3A_44 : memref<1x16x128xi32, #tpu.memory_space<hbm>> -> memref<16x128xi32, #tpu.memory_space<hbm>>
        tpu.wait_dma2 semaphore(%run_scoped3A : memref<!tpu.dma_semaphore, #tpu.memory_space<semaphore_mem>>) src(%dma_wait3A_45 : memref<16x128xi32, #tpu.memory_space<hbm>>) dst(%arg8 : memref<16x128xi32, #tpu.memory_space<vmem>>)
        tpu.yield
      }) : () -> ()
      %scan3A = arith.constant 0 : i32
      %scan3A_27 = arith.constant 0 : i32
      %scan3A_28 = arith.constant 8 : i32
      %scan3A_29 = arith.addi %scan3A_27, %scan3A_28 : i32
      %scan3A_30 = arith.constant 1 : i32
      scf.for %scan3A_32 = %scan3A_27 to %scan3A_29 step %scan3A_30  : i32 {
        %mul3A_33 = arith.constant 2 : i32
        %mul3A_34 = arith.muli %mul3A_33, %scan3A_32 : i32
        %dma_start3A = arith.constant 0 : i32
        %dma_start3A_35 = tpu.memref_slice %arg7[%mul3A_34, %dma_start3A] : memref<16x128xi32, #tpu.memory_space<vmem>> -> memref<1x128xi32, #tpu.memory_space<vmem>>
        %dma_start3A_36 = tpu.memref_squeeze %dma_start3A_35 : memref<1x128xi32, #tpu.memory_space<vmem>> -> memref<128xi32, #tpu.memory_space<vmem>>
        %dma_start3A_37 = arith.constant 0 : i32
        %dma_start3A_38 = arith.constant 0 : i32
        %dma_start3A_39 = tpu.memref_slice %arg2[%dma_start3A_37, %dma_start3A_38] : memref<10000x128xf32, #tpu.memory_space<hbm>> -> memref<10000x128xf32, #tpu.memory_space<hbm>>
        tpu.enqueue_indirect_dma source(%dma_start3A_39 : memref<10000x128xf32, #tpu.memory_space<hbm>>) target(%arg9 : memref<128x128xf32, #tpu.memory_space<vmem>>) offsets(%dma_start3A_36 : memref<128xi32, #tpu.memory_space<vmem>>) semaphore(%arg12 : memref<!tpu.dma_semaphore, #tpu.memory_space<semaphore_mem>>)
        %add3A_40 = arith.constant 1 : i32
        %add3A_41 = arith.addi %mul3A_34, %add3A_40 : i32
        %dma_start3A_42 = arith.constant 0 : i32
        %dma_start3A_43 = tpu.memref_slice %arg7[%add3A_41, %dma_start3A_42] : memref<16x128xi32, #tpu.memory_space<vmem>> -> memref<1x128xi32, #tpu.memory_space<vmem>>
        %dma_start3A_44 = tpu.memref_squeeze %dma_start3A_43 : memref<1x128xi32, #tpu.memory_space<vmem>> -> memref<128xi32, #tpu.memory_space<vmem>>
        %dma_start3A_45 = arith.constant 0 : i32
        %dma_start3A_46 = arith.constant 0 : i32
        %dma_start3A_47 = tpu.memref_slice %arg2[%dma_start3A_45, %dma_start3A_46] : memref<10000x128xf32, #tpu.memory_space<hbm>> -> memref<10000x128xf32, #tpu.memory_space<hbm>>
        tpu.enqueue_indirect_dma source(%dma_start3A_47 : memref<10000x128xf32, #tpu.memory_space<hbm>>) target(%arg10 : memref<128x128xf32, #tpu.memory_space<vmem>>) offsets(%dma_start3A_44 : memref<128xi32, #tpu.memory_space<vmem>>) semaphore(%arg13 : memref<!tpu.dma_semaphore, #tpu.memory_space<semaphore_mem>>)
        %dma_wait3A = arith.constant 0 : i32
        %dma_wait3A_48 = tpu.memref_slice %arg7[%mul3A_34, %dma_wait3A] : memref<16x128xi32, #tpu.memory_space<vmem>> -> memref<1x128xi32, #tpu.memory_space<vmem>>
        %dma_wait3A_49 = tpu.memref_squeeze %dma_wait3A_48 : memref<1x128xi32, #tpu.memory_space<vmem>> -> memref<128xi32, #tpu.memory_space<vmem>>
        %dma_wait3A_50 = arith.constant 0 : i32
        %dma_wait3A_51 = arith.constant 0 : i32
        %dma_wait3A_52 = tpu.memref_slice %arg2[%dma_wait3A_50, %dma_wait3A_51] : memref<10000x128xf32, #tpu.memory_space<hbm>> -> memref<10000x128xf32, #tpu.memory_space<hbm>>
        tpu.wait_indirect_dma semaphore(%arg12 : memref<!tpu.dma_semaphore, #tpu.memory_space<semaphore_mem>>) src(%dma_wait3A_52 : memref<10000x128xf32, #tpu.memory_space<hbm>>) dst(%arg9 : memref<128x128xf32, #tpu.memory_space<vmem>>)
        "tpu.region"() ({
          %run_scoped3A = tpu.sem_alloc : memref<!tpu.dma_semaphore, #tpu.memory_space<semaphore_mem>>
          %dma_start3A_61 = arith.constant 0 : i32
          %dma_start3A_62 = tpu.memref_slice %arg8[%mul3A_34, %dma_start3A_61] : memref<16x128xi32, #tpu.memory_space<vmem>> -> memref<1x128xi32, #tpu.memory_space<vmem>>
          %dma_start3A_63 = tpu.memref_squeeze %dma_start3A_62 : memref<1x128xi32, #tpu.memory_space<vmem>> -> memref<128xi32, #tpu.memory_space<vmem>>
          %dma_start3A_64 = arith.constant 0 : i32
          %dma_start3A_65 = arith.constant 0 : i32
          %dma_start3A_66 = tpu.memref_slice %arg11[%dma_start3A_64, %dma_start3A_65] : memref<10112x128xf32, #tpu.memory_space<vmem_shared>> -> memref<10112x128xf32, #tpu.memory_space<vmem_shared>>
          tpu.enqueue_indirect_dma source(%arg9 : memref<128x128xf32, #tpu.memory_space<vmem>>) target(%dma_start3A_66 : memref<10112x128xf32, #tpu.memory_space<vmem_shared>>) offsets(%dma_start3A_63 : memref<128xi32, #tpu.memory_space<vmem>>) semaphore(%run_scoped3A : memref<!tpu.dma_semaphore, #tpu.memory_space<semaphore_mem>>) {add = true}
          %dma_wait3A_67 = arith.constant 0 : i32
          %dma_wait3A_68 = tpu.memref_slice %arg8[%mul3A_34, %dma_wait3A_67] : memref<16x128xi32, #tpu.memory_space<vmem>> -> memref<1x128xi32, #tpu.memory_space<vmem>>
          %dma_wait3A_69 = tpu.memref_squeeze %dma_wait3A_68 : memref<1x128xi32, #tpu.memory_space<vmem>> -> memref<128xi32, #tpu.memory_space<vmem>>
          %dma_wait3A_70 = arith.constant 0 : i32
          %dma_wait3A_71 = arith.constant 0 : i32
          %dma_wait3A_72 = tpu.memref_slice %arg11[%dma_wait3A_70, %dma_wait3A_71] : memref<10112x128xf32, #tpu.memory_space<vmem_shared>> -> memref<10112x128xf32, #tpu.memory_space<vmem_shared>>
          tpu.wait_indirect_dma semaphore(%run_scoped3A : memref<!tpu.dma_semaphore, #tpu.memory_space<semaphore_mem>>) src(%arg9 : memref<128x128xf32, #tpu.memory_space<vmem>>) dst(%dma_wait3A_72 : memref<10112x128xf32, #tpu.memory_space<vmem_shared>>)
          tpu.yield
        }) : () -> ()
        %dma_wait3A_53 = arith.constant 0 : i32
        %dma_wait3A_54 = tpu.memref_slice %arg7[%add3A_41, %dma_wait3A_53] : memref<16x128xi32, #tpu.memory_space<vmem>> -> memref<1x128xi32, #tpu.memory_space<vmem>>
        %dma_wait3A_55 = tpu.memref_squeeze %dma_wait3A_54 : memref<1x128xi32, #tpu.memory_space<vmem>> -> memref<128xi32, #tpu.memory_space<vmem>>
        %dma_wait3A_56 = arith.constant 0 : i32
        %dma_wait3A_57 = arith.constant 0 : i32
        %dma_wait3A_58 = tpu.memref_slice %arg2[%dma_wait3A_56, %dma_wait3A_57] : memref<10000x128xf32, #tpu.memory_space<hbm>> -> memref<10000x128xf32, #tpu.memory_space<hbm>>
        tpu.wait_indirect_dma semaphore(%arg13 : memref<!tpu.dma_semaphore, #tpu.memory_space<semaphore_mem>>) src(%dma_wait3A_58 : memref<10000x128xf32, #tpu.memory_space<hbm>>) dst(%arg10 : memref<128x128xf32, #tpu.memory_space<vmem>>)
        %add3A_59 = arith.constant 1 : i32
        %add3A_60 = arith.addi %mul3A_34, %add3A_59 : i32
        "tpu.region"() ({
          %run_scoped3A = tpu.sem_alloc : memref<!tpu.dma_semaphore, #tpu.memory_space<semaphore_mem>>
          %dma_start3A_61 = arith.constant 0 : i32
          %dma_start3A_62 = tpu.memref_slice %arg8[%add3A_60, %dma_start3A_61] : memref<16x128xi32, #tpu.memory_space<vmem>> -> memref<1x128xi32, #tpu.memory_space<vmem>>
          %dma_start3A_63 = tpu.memref_squeeze %dma_start3A_62 : memref<1x128xi32, #tpu.memory_space<vmem>> -> memref<128xi32, #tpu.memory_space<vmem>>
          %dma_start3A_64 = arith.constant 0 : i32
          %dma_start3A_65 = arith.constant 0 : i32
          %dma_start3A_66 = tpu.memref_slice %arg11[%dma_start3A_64, %dma_start3A_65] : memref<10112x128xf32, #tpu.memory_space<vmem_shared>> -> memref<10112x128xf32, #tpu.memory_space<vmem_shared>>
          tpu.enqueue_indirect_dma source(%arg10 : memref<128x128xf32, #tpu.memory_space<vmem>>) target(%dma_start3A_66 : memref<10112x128xf32, #tpu.memory_space<vmem_shared>>) offsets(%dma_start3A_63 : memref<128xi32, #tpu.memory_space<vmem>>) semaphore(%run_scoped3A : memref<!tpu.dma_semaphore, #tpu.memory_space<semaphore_mem>>) {add = true}
          %dma_wait3A_67 = arith.constant 0 : i32
          %dma_wait3A_68 = tpu.memref_slice %arg8[%add3A_60, %dma_wait3A_67] : memref<16x128xi32, #tpu.memory_space<vmem>> -> memref<1x128xi32, #tpu.memory_space<vmem>>
          %dma_wait3A_69 = tpu.memref_squeeze %dma_wait3A_68 : memref<1x128xi32, #tpu.memory_space<vmem>> -> memref<128xi32, #tpu.memory_space<vmem>>
          %dma_wait3A_70 = arith.constant 0 : i32
          %dma_wait3A_71 = arith.constant 0 : i32
          %dma_wait3A_72 = tpu.memref_slice %arg11[%dma_wait3A_70, %dma_wait3A_71] : memref<10112x128xf32, #tpu.memory_space<vmem_shared>> -> memref<10112x128xf32, #tpu.memory_space<vmem_shared>>
          tpu.wait_indirect_dma semaphore(%run_scoped3A : memref<!tpu.dma_semaphore, #tpu.memory_space<semaphore_mem>>) src(%arg10 : memref<128x128xf32, #tpu.memory_space<vmem>>) dst(%dma_wait3A_72 : memref<10112x128xf32, #tpu.memory_space<vmem_shared>>)
          tpu.yield
        }) : () -> ()
      }
      %scan3A_31 = arith.constant 8 : i32
    }
    %barrier3A_19 = arith.constant 0 : index
    tpu.barrier barrier_id(%barrier3A_19)
    %mul3A_20 = arith.constant 632 : i32
    %mul3A_21 = arith.muli %arg1, %mul3A_20 : i32
    %mul3A_22 = arith.constant 632 : i32
    %mul3A_23 = arith.muli %arg1, %mul3A_22 : i32
    "tpu.region"() ({
      %run_scoped3A = tpu.sem_alloc : memref<!tpu.dma_semaphore, #tpu.memory_space<semaphore_mem>>
      %dma_start3A = arith.constant 0 : i32
      %dma_start3A_24 = tpu.memref_slice %arg6[%arg0, %mul3A_23, %dma_start3A] : memref<2x10112x128xf32, #tpu.memory_space<hbm>> -> memref<1x632x128xf32, #tpu.memory_space<hbm>>
      %dma_start3A_25 = tpu.memref_squeeze %dma_start3A_24 : memref<1x632x128xf32, #tpu.memory_space<hbm>> -> memref<632x128xf32, #tpu.memory_space<hbm>>
      %dma_start3A_26 = arith.constant 0 : i32
      %dma_start3A_27 = tpu.memref_slice %arg11[%mul3A_21, %dma_start3A_26] : memref<10112x128xf32, #tpu.memory_space<vmem_shared>> -> memref<632x128xf32, #tpu.memory_space<vmem_shared>>
      tpu.enqueue_dma source(%dma_start3A_27 : memref<632x128xf32, #tpu.memory_space<vmem_shared>>) target(%dma_start3A_25 : memref<632x128xf32, #tpu.memory_space<hbm>>) target_semaphore(%run_scoped3A : memref<!tpu.dma_semaphore, #tpu.memory_space<semaphore_mem>>)
      %dma_wait3A = arith.constant 0 : i32
      %dma_wait3A_28 = tpu.memref_slice %arg6[%arg0, %mul3A_23, %dma_wait3A] : memref<2x10112x128xf32, #tpu.memory_space<hbm>> -> memref<1x632x128xf32, #tpu.memory_space<hbm>>
      %dma_wait3A_29 = tpu.memref_squeeze %dma_wait3A_28 : memref<1x632x128xf32, #tpu.memory_space<hbm>> -> memref<632x128xf32, #tpu.memory_space<hbm>>
      %dma_wait3A_30 = arith.constant 0 : i32
      %dma_wait3A_31 = tpu.memref_slice %arg11[%mul3A_21, %dma_wait3A_30] : memref<10112x128xf32, #tpu.memory_space<vmem_shared>> -> memref<632x128xf32, #tpu.memory_space<vmem_shared>>
      tpu.wait_dma2 semaphore(%run_scoped3A : memref<!tpu.dma_semaphore, #tpu.memory_space<semaphore_mem>>) src(%dma_wait3A_31 : memref<632x128xf32, #tpu.memory_space<vmem_shared>>) dst(%dma_wait3A_29 : memref<632x128xf32, #tpu.memory_space<hbm>>)
      tpu.yield
    }) : () -> ()
    return
  }
}

#map = affine_map<(d0, d1) -> (0, 0)>
#map1 = affine_map<(d0, d1) -> (0, 0, 0)>
module attributes {stable_mosaic.version = 14 : i64} {
  func.func @_edge_body(%arg0: i32, %arg1: i32, %arg2: memref<10000x128xf32, #tpu.memory_space<hbm>>, %arg3: memref<160x16x128xi32, #tpu.memory_space<hbm>>, %arg4: memref<160x16x128xi32, #tpu.memory_space<hbm>>, %arg5: memref<632x128xf32, #tpu.memory_space<hbm>>, %arg6: memref<2x10112x128xf32, #tpu.memory_space<hbm>>, %arg7: memref<16x128xi32, #tpu.memory_space<vmem>>, %arg8: memref<16x128xi32, #tpu.memory_space<vmem>>, %arg9: memref<128x128xf32, #tpu.memory_space<vmem>>, %arg10: memref<128x128xf32, #tpu.memory_space<vmem>>, %arg11: memref<10112x128xf32, #tpu.memory_space<vmem_shared>>, %arg12: memref<!tpu.dma_semaphore, #tpu.memory_space<semaphore_mem>>, %arg13: memref<!tpu.dma_semaphore, #tpu.memory_space<semaphore_mem>>) attributes {dimension_semantics = [#tpu.dimension_semantics<core_parallel>, #tpu.dimension_semantics<subcore_parallel>], iteration_bounds = array<i64: 2, 16>, scalar_prefetch = 0 : i64, scratch_operands = 7 : i64, tpu.core_type = #tpu.core_type<sc_vector_subcore>, window_params = [{transform_indices = #map}, {transform_indices = #map1}, {transform_indices = #map1}, {transform_indices = #map}, {transform_indices = #map1}]} {
    %mul3A = arith.constant 0 : i32
    %mul3A_0 = arith.muli %arg0, %mul3A : i32
    %add3A = arith.constant 5 : i32
    %add3A_1 = arith.addi %add3A, %mul3A_0 : i32
    %mul3A_2 = arith.constant 16 : i32
    %mul3A_3 = arith.muli %arg0, %mul3A_2 : i32
    %mul3A_4 = arith.constant 5 : i32
    %mul3A_5 = arith.muli %mul3A_3, %mul3A_4 : i32
    %mul3A_6 = arith.muli %arg1, %add3A_1 : i32
    %add3A_7 = arith.addi %mul3A_5, %mul3A_6 : i32
    %mul3A_8 = arith.constant 632 : i32
    %mul3A_9 = arith.muli %arg1, %mul3A_8 : i32
    "tpu.region"() ({
      %run_scoped3A = tpu.sem_alloc : memref<!tpu.dma_semaphore, #tpu.memory_space<semaphore_mem>>
      %dma_start3A = arith.constant 0 : i32
      %dma_start3A_24 = tpu.memref_slice %arg11[%mul3A_9, %dma_start3A] : memref<10112x128xf32, #tpu.memory_space<vmem_shared>> -> memref<632x128xf32, #tpu.memory_space<vmem_shared>>
      tpu.enqueue_dma source(%arg5 : memref<632x128xf32, #tpu.memory_space<hbm>>) target(%dma_start3A_24 : memref<632x128xf32, #tpu.memory_space<vmem_shared>>) target_semaphore(%run_scoped3A : memref<!tpu.dma_semaphore, #tpu.memory_space<semaphore_mem>>)
      %dma_wait3A = arith.constant 0 : i32
      %dma_wait3A_25 = tpu.memref_slice %arg11[%mul3A_9, %dma_wait3A] : memref<10112x128xf32, #tpu.memory_space<vmem_shared>> -> memref<632x128xf32, #tpu.memory_space<vmem_shared>>
      tpu.wait_dma2 semaphore(%run_scoped3A : memref<!tpu.dma_semaphore, #tpu.memory_space<semaphore_mem>>) src(%arg5 : memref<632x128xf32, #tpu.memory_space<hbm>>) dst(%dma_wait3A_25 : memref<632x128xf32, #tpu.memory_space<vmem_shared>>)
      tpu.yield
    }) : () -> ()
    %barrier3A = arith.constant 0 : index
    tpu.barrier barrier_id(%barrier3A)
    %while3A = arith.constant 0 : i32
    %while3A_10 = arith.constant 0 : i32
    %while3A_11 = arith.subi %add3A_1, %while3A_10 : i32
    %while3A_12 = arith.addi %while3A_10, %while3A_11 : i32
    %while3A_13 = arith.constant 1 : i32
    %while3A_14 = arith.divsi %while3A_11, %while3A_13 : i32
    %while3A_15 = arith.muli %while3A_14, %while3A_13 : i32
    %while3A_16 = arith.addi %while3A_10, %while3A_15 : i32
    %while3A_17 = arith.constant 1 : i32
    scf.for %while3A_24 = %while3A_10 to %while3A_16 step %while3A_17  : i32 {
      %add3A_25 = arith.addi %add3A_7, %while3A_24 : i32
      "tpu.region"() ({
        %run_scoped3A = tpu.sem_alloc : memref<!tpu.dma_semaphore, #tpu.memory_space<semaphore_mem>>
        %dma_start3A = arith.constant 0 : i32
        %dma_start3A_32 = arith.constant 0 : i32
        %dma_start3A_33 = tpu.memref_slice %arg3[%add3A_25, %dma_start3A, %dma_start3A_32] : memref<160x16x128xi32, #tpu.memory_space<hbm>> -> memref<1x16x128xi32, #tpu.memory_space<hbm>>
        %dma_start3A_34 = tpu.memref_squeeze %dma_start3A_33 : memref<1x16x128xi32, #tpu.memory_space<hbm>> -> memref<16x128xi32, #tpu.memory_space<hbm>>
        %dma_start3A_35 = arith.constant 0 : i32
        %dma_start3A_36 = arith.constant 0 : i32
        %dma_start3A_37 = tpu.memref_slice %arg3[%add3A_25, %dma_start3A_35, %dma_start3A_36] : memref<160x16x128xi32, #tpu.memory_space<hbm>> -> memref<1x16x128xi32, #tpu.memory_space<hbm>>
        %dma_start3A_38 = tpu.memref_squeeze %dma_start3A_37 : memref<1x16x128xi32, #tpu.memory_space<hbm>> -> memref<16x128xi32, #tpu.memory_space<hbm>>
        tpu.enqueue_dma source(%dma_start3A_38 : memref<16x128xi32, #tpu.memory_space<hbm>>) target(%arg7 : memref<16x128xi32, #tpu.memory_space<vmem>>) target_semaphore(%run_scoped3A : memref<!tpu.dma_semaphore, #tpu.memory_space<semaphore_mem>>)
        %dma_wait3A = arith.constant 0 : i32
        %dma_wait3A_39 = arith.constant 0 : i32
        %dma_wait3A_40 = tpu.memref_slice %arg3[%add3A_25, %dma_wait3A, %dma_wait3A_39] : memref<160x16x128xi32, #tpu.memory_space<hbm>> -> memref<1x16x128xi32, #tpu.memory_space<hbm>>
        %dma_wait3A_41 = tpu.memref_squeeze %dma_wait3A_40 : memref<1x16x128xi32, #tpu.memory_space<hbm>> -> memref<16x128xi32, #tpu.memory_space<hbm>>
        %dma_wait3A_42 = arith.constant 0 : i32
        %dma_wait3A_43 = arith.constant 0 : i32
        %dma_wait3A_44 = tpu.memref_slice %arg3[%add3A_25, %dma_wait3A_42, %dma_wait3A_43] : memref<160x16x128xi32, #tpu.memory_space<hbm>> -> memref<1x16x128xi32, #tpu.memory_space<hbm>>
        %dma_wait3A_45 = tpu.memref_squeeze %dma_wait3A_44 : memref<1x16x128xi32, #tpu.memory_space<hbm>> -> memref<16x128xi32, #tpu.memory_space<hbm>>
        tpu.wait_dma2 semaphore(%run_scoped3A : memref<!tpu.dma_semaphore, #tpu.memory_space<semaphore_mem>>) src(%dma_wait3A_45 : memref<16x128xi32, #tpu.memory_space<hbm>>) dst(%arg7 : memref<16x128xi32, #tpu.memory_space<vmem>>)
        tpu.yield
      }) : () -> ()
      %add3A_26 = arith.addi %add3A_7, %while3A_24 : i32
      "tpu.region"() ({
        %run_scoped3A = tpu.sem_alloc : memref<!tpu.dma_semaphore, #tpu.memory_space<semaphore_mem>>
        %dma_start3A = arith.constant 0 : i32
        %dma_start3A_32 = arith.constant 0 : i32
        %dma_start3A_33 = tpu.memref_slice %arg4[%add3A_26, %dma_start3A, %dma_start3A_32] : memref<160x16x128xi32, #tpu.memory_space<hbm>> -> memref<1x16x128xi32, #tpu.memory_space<hbm>>
        %dma_start3A_34 = tpu.memref_squeeze %dma_start3A_33 : memref<1x16x128xi32, #tpu.memory_space<hbm>> -> memref<16x128xi32, #tpu.memory_space<hbm>>
        %dma_start3A_35 = arith.constant 0 : i32
        %dma_start3A_36 = arith.constant 0 : i32
        %dma_start3A_37 = tpu.memref_slice %arg4[%add3A_26, %dma_start3A_35, %dma_start3A_36] : memref<160x16x128xi32, #tpu.memory_space<hbm>> -> memref<1x16x128xi32, #tpu.memory_space<hbm>>
        %dma_start3A_38 = tpu.memref_squeeze %dma_start3A_37 : memref<1x16x128xi32, #tpu.memory_space<hbm>> -> memref<16x128xi32, #tpu.memory_space<hbm>>
        tpu.enqueue_dma source(%dma_start3A_38 : memref<16x128xi32, #tpu.memory_space<hbm>>) target(%arg8 : memref<16x128xi32, #tpu.memory_space<vmem>>) target_semaphore(%run_scoped3A : memref<!tpu.dma_semaphore, #tpu.memory_space<semaphore_mem>>)
        %dma_wait3A = arith.constant 0 : i32
        %dma_wait3A_39 = arith.constant 0 : i32
        %dma_wait3A_40 = tpu.memref_slice %arg4[%add3A_26, %dma_wait3A, %dma_wait3A_39] : memref<160x16x128xi32, #tpu.memory_space<hbm>> -> memref<1x16x128xi32, #tpu.memory_space<hbm>>
        %dma_wait3A_41 = tpu.memref_squeeze %dma_wait3A_40 : memref<1x16x128xi32, #tpu.memory_space<hbm>> -> memref<16x128xi32, #tpu.memory_space<hbm>>
        %dma_wait3A_42 = arith.constant 0 : i32
        %dma_wait3A_43 = arith.constant 0 : i32
        %dma_wait3A_44 = tpu.memref_slice %arg4[%add3A_26, %dma_wait3A_42, %dma_wait3A_43] : memref<160x16x128xi32, #tpu.memory_space<hbm>> -> memref<1x16x128xi32, #tpu.memory_space<hbm>>
        %dma_wait3A_45 = tpu.memref_squeeze %dma_wait3A_44 : memref<1x16x128xi32, #tpu.memory_space<hbm>> -> memref<16x128xi32, #tpu.memory_space<hbm>>
        tpu.wait_dma2 semaphore(%run_scoped3A : memref<!tpu.dma_semaphore, #tpu.memory_space<semaphore_mem>>) src(%dma_wait3A_45 : memref<16x128xi32, #tpu.memory_space<hbm>>) dst(%arg8 : memref<16x128xi32, #tpu.memory_space<vmem>>)
        tpu.yield
      }) : () -> ()
      %scan3A = arith.constant 0 : i32
      %scan3A_27 = arith.constant 0 : i32
      %scan3A_28 = arith.constant 8 : i32
      %scan3A_29 = arith.addi %scan3A_27, %scan3A_28 : i32
      %scan3A_30 = arith.constant 1 : i32
      scf.for %scan3A_32 = %scan3A_27 to %scan3A_29 step %scan3A_30  : i32 {
        %mul3A_33 = arith.constant 2 : i32
        %mul3A_34 = arith.muli %mul3A_33, %scan3A_32 : i32
        %dma_start3A = arith.constant 0 : i32
        %dma_start3A_35 = tpu.memref_slice %arg7[%mul3A_34, %dma_start3A] : memref<16x128xi32, #tpu.memory_space<vmem>> -> memref<1x128xi32, #tpu.memory_space<vmem>>
        %dma_start3A_36 = tpu.memref_squeeze %dma_start3A_35 : memref<1x128xi32, #tpu.memory_space<vmem>> -> memref<128xi32, #tpu.memory_space<vmem>>
        %dma_start3A_37 = arith.constant 0 : i32
        %dma_start3A_38 = arith.constant 0 : i32
        %dma_start3A_39 = tpu.memref_slice %arg2[%dma_start3A_37, %dma_start3A_38] : memref<10000x128xf32, #tpu.memory_space<hbm>> -> memref<10000x128xf32, #tpu.memory_space<hbm>>
        tpu.enqueue_indirect_dma source(%dma_start3A_39 : memref<10000x128xf32, #tpu.memory_space<hbm>>) target(%arg9 : memref<128x128xf32, #tpu.memory_space<vmem>>) offsets(%dma_start3A_36 : memref<128xi32, #tpu.memory_space<vmem>>) semaphore(%arg12 : memref<!tpu.dma_semaphore, #tpu.memory_space<semaphore_mem>>)
        %add3A_40 = arith.constant 1 : i32
        %add3A_41 = arith.addi %mul3A_34, %add3A_40 : i32
        %dma_start3A_42 = arith.constant 0 : i32
        %dma_start3A_43 = tpu.memref_slice %arg7[%add3A_41, %dma_start3A_42] : memref<16x128xi32, #tpu.memory_space<vmem>> -> memref<1x128xi32, #tpu.memory_space<vmem>>
        %dma_start3A_44 = tpu.memref_squeeze %dma_start3A_43 : memref<1x128xi32, #tpu.memory_space<vmem>> -> memref<128xi32, #tpu.memory_space<vmem>>
        %dma_start3A_45 = arith.constant 0 : i32
        %dma_start3A_46 = arith.constant 0 : i32
        %dma_start3A_47 = tpu.memref_slice %arg2[%dma_start3A_45, %dma_start3A_46] : memref<10000x128xf32, #tpu.memory_space<hbm>> -> memref<10000x128xf32, #tpu.memory_space<hbm>>
        tpu.enqueue_indirect_dma source(%dma_start3A_47 : memref<10000x128xf32, #tpu.memory_space<hbm>>) target(%arg10 : memref<128x128xf32, #tpu.memory_space<vmem>>) offsets(%dma_start3A_44 : memref<128xi32, #tpu.memory_space<vmem>>) semaphore(%arg13 : memref<!tpu.dma_semaphore, #tpu.memory_space<semaphore_mem>>)
        %dma_wait3A = arith.constant 0 : i32
        %dma_wait3A_48 = tpu.memref_slice %arg7[%mul3A_34, %dma_wait3A] : memref<16x128xi32, #tpu.memory_space<vmem>> -> memref<1x128xi32, #tpu.memory_space<vmem>>
        %dma_wait3A_49 = tpu.memref_squeeze %dma_wait3A_48 : memref<1x128xi32, #tpu.memory_space<vmem>> -> memref<128xi32, #tpu.memory_space<vmem>>
        %dma_wait3A_50 = arith.constant 0 : i32
        %dma_wait3A_51 = arith.constant 0 : i32
        %dma_wait3A_52 = tpu.memref_slice %arg2[%dma_wait3A_50, %dma_wait3A_51] : memref<10000x128xf32, #tpu.memory_space<hbm>> -> memref<10000x128xf32, #tpu.memory_space<hbm>>
        tpu.wait_indirect_dma semaphore(%arg12 : memref<!tpu.dma_semaphore, #tpu.memory_space<semaphore_mem>>) src(%dma_wait3A_52 : memref<10000x128xf32, #tpu.memory_space<hbm>>) dst(%arg9 : memref<128x128xf32, #tpu.memory_space<vmem>>)
        "tpu.region"() ({
          %run_scoped3A = tpu.sem_alloc : memref<!tpu.dma_semaphore, #tpu.memory_space<semaphore_mem>>
          %dma_start3A_61 = arith.constant 0 : i32
          %dma_start3A_62 = tpu.memref_slice %arg8[%mul3A_34, %dma_start3A_61] : memref<16x128xi32, #tpu.memory_space<vmem>> -> memref<1x128xi32, #tpu.memory_space<vmem>>
          %dma_start3A_63 = tpu.memref_squeeze %dma_start3A_62 : memref<1x128xi32, #tpu.memory_space<vmem>> -> memref<128xi32, #tpu.memory_space<vmem>>
          %dma_start3A_64 = arith.constant 0 : i32
          %dma_start3A_65 = arith.constant 0 : i32
          %dma_start3A_66 = tpu.memref_slice %arg11[%dma_start3A_64, %dma_start3A_65] : memref<10112x128xf32, #tpu.memory_space<vmem_shared>> -> memref<10112x128xf32, #tpu.memory_space<vmem_shared>>
          tpu.enqueue_indirect_dma source(%arg9 : memref<128x128xf32, #tpu.memory_space<vmem>>) target(%dma_start3A_66 : memref<10112x128xf32, #tpu.memory_space<vmem_shared>>) offsets(%dma_start3A_63 : memref<128xi32, #tpu.memory_space<vmem>>) semaphore(%run_scoped3A : memref<!tpu.dma_semaphore, #tpu.memory_space<semaphore_mem>>) {add = true}
          %dma_wait3A_67 = arith.constant 0 : i32
          %dma_wait3A_68 = tpu.memref_slice %arg8[%mul3A_34, %dma_wait3A_67] : memref<16x128xi32, #tpu.memory_space<vmem>> -> memref<1x128xi32, #tpu.memory_space<vmem>>
          %dma_wait3A_69 = tpu.memref_squeeze %dma_wait3A_68 : memref<1x128xi32, #tpu.memory_space<vmem>> -> memref<128xi32, #tpu.memory_space<vmem>>
          %dma_wait3A_70 = arith.constant 0 : i32
          %dma_wait3A_71 = arith.constant 0 : i32
          %dma_wait3A_72 = tpu.memref_slice %arg11[%dma_wait3A_70, %dma_wait3A_71] : memref<10112x128xf32, #tpu.memory_space<vmem_shared>> -> memref<10112x128xf32, #tpu.memory_space<vmem_shared>>
          tpu.wait_indirect_dma semaphore(%run_scoped3A : memref<!tpu.dma_semaphore, #tpu.memory_space<semaphore_mem>>) src(%arg9 : memref<128x128xf32, #tpu.memory_space<vmem>>) dst(%dma_wait3A_72 : memref<10112x128xf32, #tpu.memory_space<vmem_shared>>)
          tpu.yield
        }) : () -> ()
        %dma_wait3A_53 = arith.constant 0 : i32
        %dma_wait3A_54 = tpu.memref_slice %arg7[%add3A_41, %dma_wait3A_53] : memref<16x128xi32, #tpu.memory_space<vmem>> -> memref<1x128xi32, #tpu.memory_space<vmem>>
        %dma_wait3A_55 = tpu.memref_squeeze %dma_wait3A_54 : memref<1x128xi32, #tpu.memory_space<vmem>> -> memref<128xi32, #tpu.memory_space<vmem>>
        %dma_wait3A_56 = arith.constant 0 : i32
        %dma_wait3A_57 = arith.constant 0 : i32
        %dma_wait3A_58 = tpu.memref_slice %arg2[%dma_wait3A_56, %dma_wait3A_57] : memref<10000x128xf32, #tpu.memory_space<hbm>> -> memref<10000x128xf32, #tpu.memory_space<hbm>>
        tpu.wait_indirect_dma semaphore(%arg13 : memref<!tpu.dma_semaphore, #tpu.memory_space<semaphore_mem>>) src(%dma_wait3A_58 : memref<10000x128xf32, #tpu.memory_space<hbm>>) dst(%arg10 : memref<128x128xf32, #tpu.memory_space<vmem>>)
        %add3A_59 = arith.constant 1 : i32
        %add3A_60 = arith.addi %mul3A_34, %add3A_59 : i32
        "tpu.region"() ({
          %run_scoped3A = tpu.sem_alloc : memref<!tpu.dma_semaphore, #tpu.memory_space<semaphore_mem>>
          %dma_start3A_61 = arith.constant 0 : i32
          %dma_start3A_62 = tpu.memref_slice %arg8[%add3A_60, %dma_start3A_61] : memref<16x128xi32, #tpu.memory_space<vmem>> -> memref<1x128xi32, #tpu.memory_space<vmem>>
          %dma_start3A_63 = tpu.memref_squeeze %dma_start3A_62 : memref<1x128xi32, #tpu.memory_space<vmem>> -> memref<128xi32, #tpu.memory_space<vmem>>
          %dma_start3A_64 = arith.constant 0 : i32
          %dma_start3A_65 = arith.constant 0 : i32
          %dma_start3A_66 = tpu.memref_slice %arg11[%dma_start3A_64, %dma_start3A_65] : memref<10112x128xf32, #tpu.memory_space<vmem_shared>> -> memref<10112x128xf32, #tpu.memory_space<vmem_shared>>
          tpu.enqueue_indirect_dma source(%arg10 : memref<128x128xf32, #tpu.memory_space<vmem>>) target(%dma_start3A_66 : memref<10112x128xf32, #tpu.memory_space<vmem_shared>>) offsets(%dma_start3A_63 : memref<128xi32, #tpu.memory_space<vmem>>) semaphore(%run_scoped3A : memref<!tpu.dma_semaphore, #tpu.memory_space<semaphore_mem>>) {add = true}
          %dma_wait3A_67 = arith.constant 0 : i32
          %dma_wait3A_68 = tpu.memref_slice %arg8[%add3A_60, %dma_wait3A_67] : memref<16x128xi32, #tpu.memory_space<vmem>> -> memref<1x128xi32, #tpu.memory_space<vmem>>
          %dma_wait3A_69 = tpu.memref_squeeze %dma_wait3A_68 : memref<1x128xi32, #tpu.memory_space<vmem>> -> memref<128xi32, #tpu.memory_space<vmem>>
          %dma_wait3A_70 = arith.constant 0 : i32
          %dma_wait3A_71 = arith.constant 0 : i32
          %dma_wait3A_72 = tpu.memref_slice %arg11[%dma_wait3A_70, %dma_wait3A_71] : memref<10112x128xf32, #tpu.memory_space<vmem_shared>> -> memref<10112x128xf32, #tpu.memory_space<vmem_shared>>
          tpu.wait_indirect_dma semaphore(%run_scoped3A : memref<!tpu.dma_semaphore, #tpu.memory_space<semaphore_mem>>) src(%arg10 : memref<128x128xf32, #tpu.memory_space<vmem>>) dst(%dma_wait3A_72 : memref<10112x128xf32, #tpu.memory_space<vmem_shared>>)
          tpu.yield
        }) : () -> ()
      }
      %scan3A_31 = arith.constant 8 : i32
    }
    %while3A_18 = arith.constant 1 : i32
    scf.for %while3A_24 = %while3A_16 to %while3A_12 step %while3A_18  : i32 {
      %add3A_25 = arith.addi %add3A_7, %while3A_24 : i32
      "tpu.region"() ({
        %run_scoped3A = tpu.sem_alloc : memref<!tpu.dma_semaphore, #tpu.memory_space<semaphore_mem>>
        %dma_start3A = arith.constant 0 : i32
        %dma_start3A_32 = arith.constant 0 : i32
        %dma_start3A_33 = tpu.memref_slice %arg3[%add3A_25, %dma_start3A, %dma_start3A_32] : memref<160x16x128xi32, #tpu.memory_space<hbm>> -> memref<1x16x128xi32, #tpu.memory_space<hbm>>
        %dma_start3A_34 = tpu.memref_squeeze %dma_start3A_33 : memref<1x16x128xi32, #tpu.memory_space<hbm>> -> memref<16x128xi32, #tpu.memory_space<hbm>>
        %dma_start3A_35 = arith.constant 0 : i32
        %dma_start3A_36 = arith.constant 0 : i32
        %dma_start3A_37 = tpu.memref_slice %arg3[%add3A_25, %dma_start3A_35, %dma_start3A_36] : memref<160x16x128xi32, #tpu.memory_space<hbm>> -> memref<1x16x128xi32, #tpu.memory_space<hbm>>
        %dma_start3A_38 = tpu.memref_squeeze %dma_start3A_37 : memref<1x16x128xi32, #tpu.memory_space<hbm>> -> memref<16x128xi32, #tpu.memory_space<hbm>>
        tpu.enqueue_dma source(%dma_start3A_38 : memref<16x128xi32, #tpu.memory_space<hbm>>) target(%arg7 : memref<16x128xi32, #tpu.memory_space<vmem>>) target_semaphore(%run_scoped3A : memref<!tpu.dma_semaphore, #tpu.memory_space<semaphore_mem>>)
        %dma_wait3A = arith.constant 0 : i32
        %dma_wait3A_39 = arith.constant 0 : i32
        %dma_wait3A_40 = tpu.memref_slice %arg3[%add3A_25, %dma_wait3A, %dma_wait3A_39] : memref<160x16x128xi32, #tpu.memory_space<hbm>> -> memref<1x16x128xi32, #tpu.memory_space<hbm>>
        %dma_wait3A_41 = tpu.memref_squeeze %dma_wait3A_40 : memref<1x16x128xi32, #tpu.memory_space<hbm>> -> memref<16x128xi32, #tpu.memory_space<hbm>>
        %dma_wait3A_42 = arith.constant 0 : i32
        %dma_wait3A_43 = arith.constant 0 : i32
        %dma_wait3A_44 = tpu.memref_slice %arg3[%add3A_25, %dma_wait3A_42, %dma_wait3A_43] : memref<160x16x128xi32, #tpu.memory_space<hbm>> -> memref<1x16x128xi32, #tpu.memory_space<hbm>>
        %dma_wait3A_45 = tpu.memref_squeeze %dma_wait3A_44 : memref<1x16x128xi32, #tpu.memory_space<hbm>> -> memref<16x128xi32, #tpu.memory_space<hbm>>
        tpu.wait_dma2 semaphore(%run_scoped3A : memref<!tpu.dma_semaphore, #tpu.memory_space<semaphore_mem>>) src(%dma_wait3A_45 : memref<16x128xi32, #tpu.memory_space<hbm>>) dst(%arg7 : memref<16x128xi32, #tpu.memory_space<vmem>>)
        tpu.yield
      }) : () -> ()
      %add3A_26 = arith.addi %add3A_7, %while3A_24 : i32
      "tpu.region"() ({
        %run_scoped3A = tpu.sem_alloc : memref<!tpu.dma_semaphore, #tpu.memory_space<semaphore_mem>>
        %dma_start3A = arith.constant 0 : i32
        %dma_start3A_32 = arith.constant 0 : i32
        %dma_start3A_33 = tpu.memref_slice %arg4[%add3A_26, %dma_start3A, %dma_start3A_32] : memref<160x16x128xi32, #tpu.memory_space<hbm>> -> memref<1x16x128xi32, #tpu.memory_space<hbm>>
        %dma_start3A_34 = tpu.memref_squeeze %dma_start3A_33 : memref<1x16x128xi32, #tpu.memory_space<hbm>> -> memref<16x128xi32, #tpu.memory_space<hbm>>
        %dma_start3A_35 = arith.constant 0 : i32
        %dma_start3A_36 = arith.constant 0 : i32
        %dma_start3A_37 = tpu.memref_slice %arg4[%add3A_26, %dma_start3A_35, %dma_start3A_36] : memref<160x16x128xi32, #tpu.memory_space<hbm>> -> memref<1x16x128xi32, #tpu.memory_space<hbm>>
        %dma_start3A_38 = tpu.memref_squeeze %dma_start3A_37 : memref<1x16x128xi32, #tpu.memory_space<hbm>> -> memref<16x128xi32, #tpu.memory_space<hbm>>
        tpu.enqueue_dma source(%dma_start3A_38 : memref<16x128xi32, #tpu.memory_space<hbm>>) target(%arg8 : memref<16x128xi32, #tpu.memory_space<vmem>>) target_semaphore(%run_scoped3A : memref<!tpu.dma_semaphore, #tpu.memory_space<semaphore_mem>>)
        %dma_wait3A = arith.constant 0 : i32
        %dma_wait3A_39 = arith.constant 0 : i32
        %dma_wait3A_40 = tpu.memref_slice %arg4[%add3A_26, %dma_wait3A, %dma_wait3A_39] : memref<160x16x128xi32, #tpu.memory_space<hbm>> -> memref<1x16x128xi32, #tpu.memory_space<hbm>>
        %dma_wait3A_41 = tpu.memref_squeeze %dma_wait3A_40 : memref<1x16x128xi32, #tpu.memory_space<hbm>> -> memref<16x128xi32, #tpu.memory_space<hbm>>
        %dma_wait3A_42 = arith.constant 0 : i32
        %dma_wait3A_43 = arith.constant 0 : i32
        %dma_wait3A_44 = tpu.memref_slice %arg4[%add3A_26, %dma_wait3A_42, %dma_wait3A_43] : memref<160x16x128xi32, #tpu.memory_space<hbm>> -> memref<1x16x128xi32, #tpu.memory_space<hbm>>
        %dma_wait3A_45 = tpu.memref_squeeze %dma_wait3A_44 : memref<1x16x128xi32, #tpu.memory_space<hbm>> -> memref<16x128xi32, #tpu.memory_space<hbm>>
        tpu.wait_dma2 semaphore(%run_scoped3A : memref<!tpu.dma_semaphore, #tpu.memory_space<semaphore_mem>>) src(%dma_wait3A_45 : memref<16x128xi32, #tpu.memory_space<hbm>>) dst(%arg8 : memref<16x128xi32, #tpu.memory_space<vmem>>)
        tpu.yield
      }) : () -> ()
      %scan3A = arith.constant 0 : i32
      %scan3A_27 = arith.constant 0 : i32
      %scan3A_28 = arith.constant 8 : i32
      %scan3A_29 = arith.addi %scan3A_27, %scan3A_28 : i32
      %scan3A_30 = arith.constant 1 : i32
      scf.for %scan3A_32 = %scan3A_27 to %scan3A_29 step %scan3A_30  : i32 {
        %mul3A_33 = arith.constant 2 : i32
        %mul3A_34 = arith.muli %mul3A_33, %scan3A_32 : i32
        %dma_start3A = arith.constant 0 : i32
        %dma_start3A_35 = tpu.memref_slice %arg7[%mul3A_34, %dma_start3A] : memref<16x128xi32, #tpu.memory_space<vmem>> -> memref<1x128xi32, #tpu.memory_space<vmem>>
        %dma_start3A_36 = tpu.memref_squeeze %dma_start3A_35 : memref<1x128xi32, #tpu.memory_space<vmem>> -> memref<128xi32, #tpu.memory_space<vmem>>
        %dma_start3A_37 = arith.constant 0 : i32
        %dma_start3A_38 = arith.constant 0 : i32
        %dma_start3A_39 = tpu.memref_slice %arg2[%dma_start3A_37, %dma_start3A_38] : memref<10000x128xf32, #tpu.memory_space<hbm>> -> memref<10000x128xf32, #tpu.memory_space<hbm>>
        tpu.enqueue_indirect_dma source(%dma_start3A_39 : memref<10000x128xf32, #tpu.memory_space<hbm>>) target(%arg9 : memref<128x128xf32, #tpu.memory_space<vmem>>) offsets(%dma_start3A_36 : memref<128xi32, #tpu.memory_space<vmem>>) semaphore(%arg12 : memref<!tpu.dma_semaphore, #tpu.memory_space<semaphore_mem>>)
        %add3A_40 = arith.constant 1 : i32
        %add3A_41 = arith.addi %mul3A_34, %add3A_40 : i32
        %dma_start3A_42 = arith.constant 0 : i32
        %dma_start3A_43 = tpu.memref_slice %arg7[%add3A_41, %dma_start3A_42] : memref<16x128xi32, #tpu.memory_space<vmem>> -> memref<1x128xi32, #tpu.memory_space<vmem>>
        %dma_start3A_44 = tpu.memref_squeeze %dma_start3A_43 : memref<1x128xi32, #tpu.memory_space<vmem>> -> memref<128xi32, #tpu.memory_space<vmem>>
        %dma_start3A_45 = arith.constant 0 : i32
        %dma_start3A_46 = arith.constant 0 : i32
        %dma_start3A_47 = tpu.memref_slice %arg2[%dma_start3A_45, %dma_start3A_46] : memref<10000x128xf32, #tpu.memory_space<hbm>> -> memref<10000x128xf32, #tpu.memory_space<hbm>>
        tpu.enqueue_indirect_dma source(%dma_start3A_47 : memref<10000x128xf32, #tpu.memory_space<hbm>>) target(%arg10 : memref<128x128xf32, #tpu.memory_space<vmem>>) offsets(%dma_start3A_44 : memref<128xi32, #tpu.memory_space<vmem>>) semaphore(%arg13 : memref<!tpu.dma_semaphore, #tpu.memory_space<semaphore_mem>>)
        %dma_wait3A = arith.constant 0 : i32
        %dma_wait3A_48 = tpu.memref_slice %arg7[%mul3A_34, %dma_wait3A] : memref<16x128xi32, #tpu.memory_space<vmem>> -> memref<1x128xi32, #tpu.memory_space<vmem>>
        %dma_wait3A_49 = tpu.memref_squeeze %dma_wait3A_48 : memref<1x128xi32, #tpu.memory_space<vmem>> -> memref<128xi32, #tpu.memory_space<vmem>>
        %dma_wait3A_50 = arith.constant 0 : i32
        %dma_wait3A_51 = arith.constant 0 : i32
        %dma_wait3A_52 = tpu.memref_slice %arg2[%dma_wait3A_50, %dma_wait3A_51] : memref<10000x128xf32, #tpu.memory_space<hbm>> -> memref<10000x128xf32, #tpu.memory_space<hbm>>
        tpu.wait_indirect_dma semaphore(%arg12 : memref<!tpu.dma_semaphore, #tpu.memory_space<semaphore_mem>>) src(%dma_wait3A_52 : memref<10000x128xf32, #tpu.memory_space<hbm>>) dst(%arg9 : memref<128x128xf32, #tpu.memory_space<vmem>>)
        "tpu.region"() ({
          %run_scoped3A = tpu.sem_alloc : memref<!tpu.dma_semaphore, #tpu.memory_space<semaphore_mem>>
          %dma_start3A_61 = arith.constant 0 : i32
          %dma_start3A_62 = tpu.memref_slice %arg8[%mul3A_34, %dma_start3A_61] : memref<16x128xi32, #tpu.memory_space<vmem>> -> memref<1x128xi32, #tpu.memory_space<vmem>>
          %dma_start3A_63 = tpu.memref_squeeze %dma_start3A_62 : memref<1x128xi32, #tpu.memory_space<vmem>> -> memref<128xi32, #tpu.memory_space<vmem>>
          %dma_start3A_64 = arith.constant 0 : i32
          %dma_start3A_65 = arith.constant 0 : i32
          %dma_start3A_66 = tpu.memref_slice %arg11[%dma_start3A_64, %dma_start3A_65] : memref<10112x128xf32, #tpu.memory_space<vmem_shared>> -> memref<10112x128xf32, #tpu.memory_space<vmem_shared>>
          tpu.enqueue_indirect_dma source(%arg9 : memref<128x128xf32, #tpu.memory_space<vmem>>) target(%dma_start3A_66 : memref<10112x128xf32, #tpu.memory_space<vmem_shared>>) offsets(%dma_start3A_63 : memref<128xi32, #tpu.memory_space<vmem>>) semaphore(%run_scoped3A : memref<!tpu.dma_semaphore, #tpu.memory_space<semaphore_mem>>) {add = true}
          %dma_wait3A_67 = arith.constant 0 : i32
          %dma_wait3A_68 = tpu.memref_slice %arg8[%mul3A_34, %dma_wait3A_67] : memref<16x128xi32, #tpu.memory_space<vmem>> -> memref<1x128xi32, #tpu.memory_space<vmem>>
          %dma_wait3A_69 = tpu.memref_squeeze %dma_wait3A_68 : memref<1x128xi32, #tpu.memory_space<vmem>> -> memref<128xi32, #tpu.memory_space<vmem>>
          %dma_wait3A_70 = arith.constant 0 : i32
          %dma_wait3A_71 = arith.constant 0 : i32
          %dma_wait3A_72 = tpu.memref_slice %arg11[%dma_wait3A_70, %dma_wait3A_71] : memref<10112x128xf32, #tpu.memory_space<vmem_shared>> -> memref<10112x128xf32, #tpu.memory_space<vmem_shared>>
          tpu.wait_indirect_dma semaphore(%run_scoped3A : memref<!tpu.dma_semaphore, #tpu.memory_space<semaphore_mem>>) src(%arg9 : memref<128x128xf32, #tpu.memory_space<vmem>>) dst(%dma_wait3A_72 : memref<10112x128xf32, #tpu.memory_space<vmem_shared>>)
          tpu.yield
        }) : () -> ()
        %dma_wait3A_53 = arith.constant 0 : i32
        %dma_wait3A_54 = tpu.memref_slice %arg7[%add3A_41, %dma_wait3A_53] : memref<16x128xi32, #tpu.memory_space<vmem>> -> memref<1x128xi32, #tpu.memory_space<vmem>>
        %dma_wait3A_55 = tpu.memref_squeeze %dma_wait3A_54 : memref<1x128xi32, #tpu.memory_space<vmem>> -> memref<128xi32, #tpu.memory_space<vmem>>
        %dma_wait3A_56 = arith.constant 0 : i32
        %dma_wait3A_57 = arith.constant 0 : i32
        %dma_wait3A_58 = tpu.memref_slice %arg2[%dma_wait3A_56, %dma_wait3A_57] : memref<10000x128xf32, #tpu.memory_space<hbm>> -> memref<10000x128xf32, #tpu.memory_space<hbm>>
        tpu.wait_indirect_dma semaphore(%arg13 : memref<!tpu.dma_semaphore, #tpu.memory_space<semaphore_mem>>) src(%dma_wait3A_58 : memref<10000x128xf32, #tpu.memory_space<hbm>>) dst(%arg10 : memref<128x128xf32, #tpu.memory_space<vmem>>)
        %add3A_59 = arith.constant 1 : i32
        %add3A_60 = arith.addi %mul3A_34, %add3A_59 : i32
        "tpu.region"() ({
          %run_scoped3A = tpu.sem_alloc : memref<!tpu.dma_semaphore, #tpu.memory_space<semaphore_mem>>
          %dma_start3A_61 = arith.constant 0 : i32
          %dma_start3A_62 = tpu.memref_slice %arg8[%add3A_60, %dma_start3A_61] : memref<16x128xi32, #tpu.memory_space<vmem>> -> memref<1x128xi32, #tpu.memory_space<vmem>>
          %dma_start3A_63 = tpu.memref_squeeze %dma_start3A_62 : memref<1x128xi32, #tpu.memory_space<vmem>> -> memref<128xi32, #tpu.memory_space<vmem>>
          %dma_start3A_64 = arith.constant 0 : i32
          %dma_start3A_65 = arith.constant 0 : i32
          %dma_start3A_66 = tpu.memref_slice %arg11[%dma_start3A_64, %dma_start3A_65] : memref<10112x128xf32, #tpu.memory_space<vmem_shared>> -> memref<10112x128xf32, #tpu.memory_space<vmem_shared>>
          tpu.enqueue_indirect_dma source(%arg10 : memref<128x128xf32, #tpu.memory_space<vmem>>) target(%dma_start3A_66 : memref<10112x128xf32, #tpu.memory_space<vmem_shared>>) offsets(%dma_start3A_63 : memref<128xi32, #tpu.memory_space<vmem>>) semaphore(%run_scoped3A : memref<!tpu.dma_semaphore, #tpu.memory_space<semaphore_mem>>) {add = true}
          %dma_wait3A_67 = arith.constant 0 : i32
          %dma_wait3A_68 = tpu.memref_slice %arg8[%add3A_60, %dma_wait3A_67] : memref<16x128xi32, #tpu.memory_space<vmem>> -> memref<1x128xi32, #tpu.memory_space<vmem>>
          %dma_wait3A_69 = tpu.memref_squeeze %dma_wait3A_68 : memref<1x128xi32, #tpu.memory_space<vmem>> -> memref<128xi32, #tpu.memory_space<vmem>>
          %dma_wait3A_70 = arith.constant 0 : i32
          %dma_wait3A_71 = arith.constant 0 : i32
          %dma_wait3A_72 = tpu.memref_slice %arg11[%dma_wait3A_70, %dma_wait3A_71] : memref<10112x128xf32, #tpu.memory_space<vmem_shared>> -> memref<10112x128xf32, #tpu.memory_space<vmem_shared>>
          tpu.wait_indirect_dma semaphore(%run_scoped3A : memref<!tpu.dma_semaphore, #tpu.memory_space<semaphore_mem>>) src(%arg10 : memref<128x128xf32, #tpu.memory_space<vmem>>) dst(%dma_wait3A_72 : memref<10112x128xf32, #tpu.memory_space<vmem_shared>>)
          tpu.yield
        }) : () -> ()
      }
      %scan3A_31 = arith.constant 8 : i32
    }
    %barrier3A_19 = arith.constant 0 : index
    tpu.barrier barrier_id(%barrier3A_19)
    %mul3A_20 = arith.constant 632 : i32
    %mul3A_21 = arith.muli %arg1, %mul3A_20 : i32
    %mul3A_22 = arith.constant 632 : i32
    %mul3A_23 = arith.muli %arg1, %mul3A_22 : i32
    "tpu.region"() ({
      %run_scoped3A = tpu.sem_alloc : memref<!tpu.dma_semaphore, #tpu.memory_space<semaphore_mem>>
      %dma_start3A = arith.constant 0 : i32
      %dma_start3A_24 = tpu.memref_slice %arg6[%arg0, %mul3A_23, %dma_start3A] : memref<2x10112x128xf32, #tpu.memory_space<hbm>> -> memref<1x632x128xf32, #tpu.memory_space<hbm>>
      %dma_start3A_25 = tpu.memref_squeeze %dma_start3A_24 : memref<1x632x128xf32, #tpu.memory_space<hbm>> -> memref<632x128xf32, #tpu.memory_space<hbm>>
      %dma_start3A_26 = arith.constant 0 : i32
      %dma_start3A_27 = tpu.memref_slice %arg11[%mul3A_21, %dma_start3A_26] : memref<10112x128xf32, #tpu.memory_space<vmem_shared>> -> memref<632x128xf32, #tpu.memory_space<vmem_shared>>
      tpu.enqueue_dma source(%dma_start3A_27 : memref<632x128xf32, #tpu.memory_space<vmem_shared>>) target(%dma_start3A_25 : memref<632x128xf32, #tpu.memory_space<hbm>>) target_semaphore(%run_scoped3A : memref<!tpu.dma_semaphore, #tpu.memory_space<semaphore_mem>>)
      %dma_wait3A = arith.constant 0 : i32
      %dma_wait3A_28 = tpu.memref_slice %arg6[%arg0, %mul3A_23, %dma_wait3A] : memref<2x10112x128xf32, #tpu.memory_space<hbm>> -> memref<1x632x128xf32, #tpu.memory_space<hbm>>
      %dma_wait3A_29 = tpu.memref_squeeze %dma_wait3A_28 : memref<1x632x128xf32, #tpu.memory_space<hbm>> -> memref<632x128xf32, #tpu.memory_space<hbm>>
      %dma_wait3A_30 = arith.constant 0 : i32
      %dma_wait3A_31 = tpu.memref_slice %arg11[%mul3A_21, %dma_wait3A_30] : memref<10112x128xf32, #tpu.memory_space<vmem_shared>> -> memref<632x128xf32, #tpu.memory_space<vmem_shared>>
      tpu.wait_dma2 semaphore(%run_scoped3A : memref<!tpu.dma_semaphore, #tpu.memory_space<semaphore_mem>>) src(%dma_wait3A_31 : memref<632x128xf32, #tpu.memory_space<vmem_shared>>) dst(%dma_wait3A_29 : memref<632x128xf32, #tpu.memory_space<hbm>>)
      tpu.yield
    }) : () -> ()
    return
  }
}

module attributes {stable_mosaic.version = 14 : i64} {
  func.func @_mm1raw_body(%arg0: i32, %arg1: memref<1000x128xf32, #tpu.memory_space<vmem>>, %arg2: memref<128x128xf32, #tpu.memory_space<vmem>>, %arg3: memref<1000x128xf32, #tpu.memory_space<vmem>>) attributes {dimension_semantics = [#tpu.dimension_semantics<arbitrary>], iteration_bounds = array<i64: 10>, scalar_prefetch = 0 : i64, scratch_operands = 0 : i64, tpu.core_type = #tpu.core_type<tc>, window_params = [{transform_indices = @transform_0, window_bounds = array<i64: 1000, 128>}, {pipeline_mode = #tpu.pipeline_mode<synchronous>, transform_indices = @transform_1, window_bounds = array<i64: 128, 128>}, {transform_indices = @transform_2, window_bounds = array<i64: 1000, 128>}]} {
    %get3A = arith.constant 0 : index
    %get3A_0 = arith.constant 0 : index
    %get3A_1 = vector.load %arg1[%get3A, %get3A_0] : memref<1000x128xf32, #tpu.memory_space<vmem>>, vector<1000x128xf32>
    %get3A_2 = arith.constant 0 : index
    %get3A_3 = arith.constant 0 : index
    %get3A_4 = vector.load %arg2[%get3A_2, %get3A_3] : memref<128x128xf32, #tpu.memory_space<vmem>>, vector<128x128xf32>
    %dot_general3A = arith.constant dense<0.000000e+00> : vector<1000x128xf32>
    %dot_general3A_5 = tpu.matmul %get3A_1, %get3A_4, %dot_general3A {dimension_numbers = #tpu.dot_dimension_numbers<[1], [0], [0], [1], [0, 0, 1, 1], [], []>, transpose_lhs_hint = false} : vector<1000x128xf32>, vector<128x128xf32>, vector<1000x128xf32> -> vector<1000x128xf32>
    %swap3A = arith.constant 0 : index
    %swap3A_6 = arith.constant 0 : index
    %swap3A_7 = vector.load %arg3[%swap3A, %swap3A_6] : memref<1000x128xf32, #tpu.memory_space<vmem>>, vector<1000x128xf32>
    tpu.vector_store %arg3[%swap3A, %swap3A_6], %dot_general3A_5 {strides = array<i32>} : memref<1000x128xf32, #tpu.memory_space<vmem>>, vector<1000x128xf32>,
    return
  }
  func.func @transform_0(%arg0: i32) -> (i32, i32) {
    %c0_i32 = arith.constant 0 : i32
    %c0_i32_0 = arith.constant 0 : i32
    return %arg0, %c0_i32 : i32, i32
  }
  func.func @transform_1(%arg0: i32) -> (i32, i32) {
    %c0_i32 = arith.constant 0 : i32
    %c0_i32_0 = arith.constant 0 : i32
    %c0_i32_1 = arith.constant 0 : i32
    return %c0_i32, %c0_i32_0 : i32, i32
  }
  func.func @transform_2(%arg0: i32) -> (i32, i32) {
    %c0_i32 = arith.constant 0 : i32
    %c0_i32_0 = arith.constant 0 : i32
    return %arg0, %c0_i32 : i32, i32
  }
}

module attributes {stable_mosaic.version = 14 : i64} {
  func.func @_scale_body(%arg0: i32, %arg1: memref<1000x128xf32, #tpu.memory_space<vmem>>, %arg2: memref<1x1000x128xf32, #tpu.memory_space<vmem>>, %arg3: memref<1x1000x128xf32, #tpu.memory_space<vmem>>, %arg4: memref<1000x128xf32, #tpu.memory_space<vmem>>) attributes {dimension_semantics = [#tpu.dimension_semantics<arbitrary>], iteration_bounds = array<i64: 10>, scalar_prefetch = 0 : i64, scratch_operands = 0 : i64, tpu.core_type = #tpu.core_type<tc>, window_params = [{transform_indices = @transform_0, window_bounds = array<i64: 1000, 128>}, {transform_indices = @transform_1, window_bounds = array<i64: 1, 1000, 128>}, {transform_indices = @transform_2, window_bounds = array<i64: 1, 1000, 128>}, {transform_indices = @transform_3, window_bounds = array<i64: 1000, 128>}]} {
    %get3A = arith.constant 0 : index
    %get3A_0 = arith.constant 0 : index
    %get3A_1 = vector.load %arg1[%get3A, %get3A_0] : memref<1000x128xf32, #tpu.memory_space<vmem>>, vector<1000x128xf32>
    %get3A_2 = arith.constant 0 : index
    %get3A_3 = arith.constant 0 : index
    %get3A_4 = arith.constant 0 : index
    %get3A_5 = vector.load %arg2[%get3A_2, %get3A_3, %get3A_4] : memref<1x1000x128xf32, #tpu.memory_space<vmem>>, vector<1x1000x1xf32>
    %get3A_6 = vector.shape_cast %get3A_5 : vector<1x1000x1xf32> to vector<1000x1xf32>
    %get3A_7 = arith.constant 0 : index
    %get3A_8 = arith.constant 0 : index
    %get3A_9 = arith.constant 0 : index
    %get3A_10 = vector.load %arg3[%get3A_7, %get3A_8, %get3A_9] : memref<1x1000x128xf32, #tpu.memory_space<vmem>>, vector<1x1000x1xf32>
    %get3A_11 = vector.shape_cast %get3A_10 : vector<1x1000x1xf32> to vector<1000x1xf32>
    %add3A = arith.addf %get3A_6, %get3A_11 : vector<1000x1xf32>
    %add3A_12 = arith.constant 1.000000e+00 : f32
    %add3A_13 = vector.broadcast %add3A_12 : f32 to vector<1000x1xf32>
    %add3A_14 = arith.addf %add3A, %add3A_13 : vector<1000x1xf32>
    %rsqrt3A = math.rsqrt %add3A_14 : vector<1000x1xf32>
    %mul3A = vector.broadcast %rsqrt3A : vector<1000x1xf32> to vector<1000x128xf32>
    %mul3A_15 = arith.mulf %get3A_1, %mul3A : vector<1000x128xf32>
    %swap3A = arith.constant 0 : index
    %swap3A_16 = arith.constant 0 : index
    %swap3A_17 = vector.load %arg4[%swap3A, %swap3A_16] : memref<1000x128xf32, #tpu.memory_space<vmem>>, vector<1000x128xf32>
    tpu.vector_store %arg4[%swap3A, %swap3A_16], %mul3A_15 {strides = array<i32>} : memref<1000x128xf32, #tpu.memory_space<vmem>>, vector<1000x128xf32>,
    return
  }
  func.func @transform_0(%arg0: i32) -> (i32, i32) {
    %c0_i32 = arith.constant 0 : i32
    %c0_i32_0 = arith.constant 0 : i32
    return %arg0, %c0_i32 : i32, i32
  }
  func.func @transform_1(%arg0: i32) -> (i32, i32, i32) {
    %c0_i32 = arith.constant 0 : i32
    %c0_i32_0 = arith.constant 0 : i32
    %c0_i32_1 = arith.constant 0 : i32
    return %c0_i32, %arg0, %c0_i32_0 : i32, i32, i32
  }
  func.func @transform_2(%arg0: i32) -> (i32, i32, i32) {
    %c1_i32 = arith.constant 1 : i32
    %c0_i32 = arith.constant 0 : i32
    %c0_i32_0 = arith.constant 0 : i32
    return %c1_i32, %arg0, %c0_i32 : i32, i32, i32
  }
  func.func @transform_3(%arg0: i32) -> (i32, i32) {
    %c0_i32 = arith.constant 0 : i32
    %c0_i32_0 = arith.constant 0 : i32
    return %arg0, %c0_i32 : i32, i32
  }
}

module attributes {stable_mosaic.version = 14 : i64} {
  func.func @_mm2_body(%arg0: i32, %arg1: memref<1x1000x128xf32, #tpu.memory_space<vmem>>, %arg2: memref<1x1000x128xf32, #tpu.memory_space<vmem>>, %arg3: memref<1000x128xf32, #tpu.memory_space<vmem>>, %arg4: memref<1x1000x128xf32, #tpu.memory_space<vmem>>, %arg5: memref<1x1000x128xf32, #tpu.memory_space<vmem>>, %arg6: memref<128x128xf32, #tpu.memory_space<vmem>>, %arg7: memref<1x128xf32, #tpu.memory_space<vmem>>, %arg8: memref<1000x128xf32, #tpu.memory_space<vmem>>) attributes {dimension_semantics = [#tpu.dimension_semantics<arbitrary>], iteration_bounds = array<i64: 10>, scalar_prefetch = 0 : i64, scratch_operands = 0 : i64, tpu.core_type = #tpu.core_type<tc>, window_params = [{transform_indices = @transform_0, window_bounds = array<i64: 1, 1000, 128>}, {transform_indices = @transform_1, window_bounds = array<i64: 1, 1000, 128>}, {transform_indices = @transform_2, window_bounds = array<i64: 1000, 128>}, {transform_indices = @transform_3, window_bounds = array<i64: 1, 1000, 128>}, {transform_indices = @transform_4, window_bounds = array<i64: 1, 1000, 128>}, {pipeline_mode = #tpu.pipeline_mode<synchronous>, transform_indices = @transform_5, window_bounds = array<i64: 128, 128>}, {pipeline_mode = #tpu.pipeline_mode<synchronous>, transform_indices = @transform_6, window_bounds = array<i64: 1, 128>}, {transform_indices = @transform_7, window_bounds = array<i64: 1000, 128>}]} {
    %get3A = arith.constant 0 : index
    %get3A_0 = arith.constant 0 : index
    %get3A_1 = arith.constant 0 : index
    %get3A_2 = vector.load %arg4[%get3A, %get3A_0, %get3A_1] : memref<1x1000x128xf32, #tpu.memory_space<vmem>>, vector<1x1000x1xf32>
    %get3A_3 = vector.shape_cast %get3A_2 : vector<1x1000x1xf32> to vector<1000x1xf32>
    %get3A_4 = arith.constant 0 : index
    %get3A_5 = arith.constant 0 : index
    %get3A_6 = arith.constant 0 : index
    %get3A_7 = vector.load %arg5[%get3A_4, %get3A_5, %get3A_6] : memref<1x1000x128xf32, #tpu.memory_space<vmem>>, vector<1x1000x1xf32>
    %get3A_8 = vector.shape_cast %get3A_7 : vector<1x1000x1xf32> to vector<1000x1xf32>
    %add3A = arith.addf %get3A_3, %get3A_8 : vector<1000x1xf32>
    %add3A_9 = arith.constant 1.000000e+00 : f32
    %add3A_10 = vector.broadcast %add3A_9 : f32 to vector<1000x1xf32>
    %add3A_11 = arith.addf %add3A, %add3A_10 : vector<1000x1xf32>
    %rsqrt3A = math.rsqrt %add3A_11 : vector<1000x1xf32>
    %get3A_12 = arith.constant 0 : index
    %get3A_13 = arith.constant 0 : index
    %get3A_14 = arith.constant 0 : index
    %get3A_15 = vector.load %arg1[%get3A_12, %get3A_13, %get3A_14] : memref<1x1000x128xf32, #tpu.memory_space<vmem>>, vector<1x1000x128xf32>
    %get3A_16 = vector.shape_cast %get3A_15 : vector<1x1000x128xf32> to vector<1000x128xf32>
    %get3A_17 = arith.constant 0 : index
    %get3A_18 = arith.constant 0 : index
    %get3A_19 = arith.constant 0 : index
    %get3A_20 = vector.load %arg2[%get3A_17, %get3A_18, %get3A_19] : memref<1x1000x128xf32, #tpu.memory_space<vmem>>, vector<1x1000x128xf32>
    %get3A_21 = vector.shape_cast %get3A_20 : vector<1x1000x128xf32> to vector<1000x128xf32>
    %add3A_22 = arith.addf %get3A_16, %get3A_21 : vector<1000x128xf32>
    %get3A_23 = arith.constant 0 : index
    %get3A_24 = arith.constant 0 : index
    %get3A_25 = vector.load %arg3[%get3A_23, %get3A_24] : memref<1000x128xf32, #tpu.memory_space<vmem>>, vector<1000x128xf32>
    %add3A_26 = arith.addf %add3A_22, %get3A_25 : vector<1000x128xf32>
    %mul3A = vector.broadcast %rsqrt3A : vector<1000x1xf32> to vector<1000x128xf32>
    %mul3A_27 = arith.mulf %add3A_26, %mul3A : vector<1000x128xf32>
    %get3A_28 = arith.constant 0 : index
    %get3A_29 = arith.constant 0 : index
    %get3A_30 = vector.load %arg7[%get3A_28, %get3A_29] : memref<1x128xf32, #tpu.memory_space<vmem>>, vector<1x128xf32>
    %add3A_31 = vector.broadcast %get3A_30 : vector<1x128xf32> to vector<1000x128xf32>
    %add3A_32 = arith.addf %mul3A_27, %add3A_31 : vector<1000x128xf32>
    %max3A = arith.constant 0.000000e+00 : f32
    %max3A_33 = vector.broadcast %max3A : f32 to vector<1000x128xf32>
    %max3A_34 = arith.maximumf %add3A_32, %max3A_33 : vector<1000x128xf32>
    %get3A_35 = arith.constant 0 : index
    %get3A_36 = arith.constant 0 : index
    %get3A_37 = vector.load %arg6[%get3A_35, %get3A_36] : memref<128x128xf32, #tpu.memory_space<vmem>>, vector<128x128xf32>
    %dot_general3A = arith.constant dense<0.000000e+00> : vector<1000x128xf32>
    %dot_general3A_38 = tpu.matmul %max3A_34, %get3A_37, %dot_general3A {dimension_numbers = #tpu.dot_dimension_numbers<[1], [0], [0], [1], [0, 0, 1, 1], [], []>, transpose_lhs_hint = false} : vector<1000x128xf32>, vector<128x128xf32>, vector<1000x128xf32> -> vector<1000x128xf32>
    %mul3A_39 = vector.broadcast %rsqrt3A : vector<1000x1xf32> to vector<1000x128xf32>
    %mul3A_40 = arith.mulf %dot_general3A_38, %mul3A_39 : vector<1000x128xf32>
    %swap3A = arith.constant 0 : index
    %swap3A_41 = arith.constant 0 : index
    %swap3A_42 = vector.load %arg8[%swap3A, %swap3A_41] : memref<1000x128xf32, #tpu.memory_space<vmem>>, vector<1000x128xf32>
    tpu.vector_store %arg8[%swap3A, %swap3A_41], %mul3A_40 {strides = array<i32>} : memref<1000x128xf32, #tpu.memory_space<vmem>>, vector<1000x128xf32>,
    return
  }
  func.func @transform_0(%arg0: i32) -> (i32, i32, i32) {
    %c0_i32 = arith.constant 0 : i32
    %c0_i32_0 = arith.constant 0 : i32
    %c0_i32_1 = arith.constant 0 : i32
    return %c0_i32, %arg0, %c0_i32_0 : i32, i32, i32
  }
  func.func @transform_1(%arg0: i32) -> (i32, i32, i32) {
    %c1_i32 = arith.constant 1 : i32
    %c0_i32 = arith.constant 0 : i32
    %c0_i32_0 = arith.constant 0 : i32
    return %c1_i32, %arg0, %c0_i32 : i32, i32, i32
  }
  func.func @transform_2(%arg0: i32) -> (i32, i32) {
    %c0_i32 = arith.constant 0 : i32
    %c0_i32_0 = arith.constant 0 : i32
    return %arg0, %c0_i32 : i32, i32
  }
  func.func @transform_3(%arg0: i32) -> (i32, i32, i32) {
    %c0_i32 = arith.constant 0 : i32
    %c0_i32_0 = arith.constant 0 : i32
    %c0_i32_1 = arith.constant 0 : i32
    return %c0_i32, %arg0, %c0_i32_0 : i32, i32, i32
  }
  func.func @transform_4(%arg0: i32) -> (i32, i32, i32) {
    %c1_i32 = arith.constant 1 : i32
    %c0_i32 = arith.constant 0 : i32
    %c0_i32_0 = arith.constant 0 : i32
    return %c1_i32, %arg0, %c0_i32 : i32, i32, i32
  }
  func.func @transform_5(%arg0: i32) -> (i32, i32) {
    %c0_i32 = arith.constant 0 : i32
    %c0_i32_0 = arith.constant 0 : i32
    %c0_i32_1 = arith.constant 0 : i32
    return %c0_i32, %c0_i32_0 : i32, i32
  }
  func.func @transform_6(%arg0: i32) -> (i32, i32) {
    %c0_i32 = arith.constant 0 : i32
    %c0_i32_0 = arith.constant 0 : i32
    %c0_i32_1 = arith.constant 0 : i32
    return %c0_i32, %c0_i32_0 : i32, i32
  }
  func.func @transform_7(%arg0: i32) -> (i32, i32) {
    %c0_i32 = arith.constant 0 : i32
    %c0_i32_0 = arith.constant 0 : i32
    return %arg0, %c0_i32 : i32, i32
  }
}

module attributes {stable_mosaic.version = 14 : i64} {
  func.func @_final_body(%arg0: i32, %arg1: memref<1x1000x128xf32, #tpu.memory_space<vmem>>, %arg2: memref<1x1000x128xf32, #tpu.memory_space<vmem>>, %arg3: memref<1000x128xf32, #tpu.memory_space<vmem>>, %arg4: memref<1x1000x128xf32, #tpu.memory_space<vmem>>, %arg5: memref<1x1000x128xf32, #tpu.memory_space<vmem>>, %arg6: memref<1x128xf32, #tpu.memory_space<vmem>>, %arg7: memref<1000x128xf32, #tpu.memory_space<vmem>>) attributes {dimension_semantics = [#tpu.dimension_semantics<arbitrary>], iteration_bounds = array<i64: 10>, scalar_prefetch = 0 : i64, scratch_operands = 0 : i64, tpu.core_type = #tpu.core_type<tc>, window_params = [{transform_indices = @transform_0, window_bounds = array<i64: 1, 1000, 128>}, {transform_indices = @transform_1, window_bounds = array<i64: 1, 1000, 128>}, {transform_indices = @transform_2, window_bounds = array<i64: 1000, 128>}, {transform_indices = @transform_3, window_bounds = array<i64: 1, 1000, 128>}, {transform_indices = @transform_4, window_bounds = array<i64: 1, 1000, 128>}, {pipeline_mode = #tpu.pipeline_mode<synchronous>, transform_indices = @transform_5, window_bounds = array<i64: 1, 128>}, {transform_indices = @transform_6, window_bounds = array<i64: 1000, 128>}]} {
    %get3A = arith.constant 0 : index
    %get3A_0 = arith.constant 0 : index
    %get3A_1 = arith.constant 0 : index
    %get3A_2 = vector.load %arg4[%get3A, %get3A_0, %get3A_1] : memref<1x1000x128xf32, #tpu.memory_space<vmem>>, vector<1x1000x1xf32>
    %get3A_3 = vector.shape_cast %get3A_2 : vector<1x1000x1xf32> to vector<1000x1xf32>
    %get3A_4 = arith.constant 0 : index
    %get3A_5 = arith.constant 0 : index
    %get3A_6 = arith.constant 0 : index
    %get3A_7 = vector.load %arg5[%get3A_4, %get3A_5, %get3A_6] : memref<1x1000x128xf32, #tpu.memory_space<vmem>>, vector<1x1000x1xf32>
    %get3A_8 = vector.shape_cast %get3A_7 : vector<1x1000x1xf32> to vector<1000x1xf32>
    %add3A = arith.addf %get3A_3, %get3A_8 : vector<1000x1xf32>
    %add3A_9 = arith.constant 1.000000e+00 : f32
    %add3A_10 = vector.broadcast %add3A_9 : f32 to vector<1000x1xf32>
    %add3A_11 = arith.addf %add3A, %add3A_10 : vector<1000x1xf32>
    %rsqrt3A = math.rsqrt %add3A_11 : vector<1000x1xf32>
    %get3A_12 = arith.constant 0 : index
    %get3A_13 = arith.constant 0 : index
    %get3A_14 = arith.constant 0 : index
    %get3A_15 = vector.load %arg1[%get3A_12, %get3A_13, %get3A_14] : memref<1x1000x128xf32, #tpu.memory_space<vmem>>, vector<1x1000x128xf32>
    %get3A_16 = vector.shape_cast %get3A_15 : vector<1x1000x128xf32> to vector<1000x128xf32>
    %get3A_17 = arith.constant 0 : index
    %get3A_18 = arith.constant 0 : index
    %get3A_19 = arith.constant 0 : index
    %get3A_20 = vector.load %arg2[%get3A_17, %get3A_18, %get3A_19] : memref<1x1000x128xf32, #tpu.memory_space<vmem>>, vector<1x1000x128xf32>
    %get3A_21 = vector.shape_cast %get3A_20 : vector<1x1000x128xf32> to vector<1000x128xf32>
    %add3A_22 = arith.addf %get3A_16, %get3A_21 : vector<1000x128xf32>
    %get3A_23 = arith.constant 0 : index
    %get3A_24 = arith.constant 0 : index
    %get3A_25 = vector.load %arg3[%get3A_23, %get3A_24] : memref<1000x128xf32, #tpu.memory_space<vmem>>, vector<1000x128xf32>
    %add3A_26 = arith.addf %add3A_22, %get3A_25 : vector<1000x128xf32>
    %mul3A = vector.broadcast %rsqrt3A : vector<1000x1xf32> to vector<1000x128xf32>
    %mul3A_27 = arith.mulf %add3A_26, %mul3A : vector<1000x128xf32>
    %get3A_28 = arith.constant 0 : index
    %get3A_29 = arith.constant 0 : index
    %get3A_30 = vector.load %arg6[%get3A_28, %get3A_29] : memref<1x128xf32, #tpu.memory_space<vmem>>, vector<1x128xf32>
    %add3A_31 = vector.broadcast %get3A_30 : vector<1x128xf32> to vector<1000x128xf32>
    %add3A_32 = arith.addf %mul3A_27, %add3A_31 : vector<1000x128xf32>
    %max3A = arith.constant 0.000000e+00 : f32
    %max3A_33 = vector.broadcast %max3A : f32 to vector<1000x128xf32>
    %max3A_34 = arith.maximumf %add3A_32, %max3A_33 : vector<1000x128xf32>
    %swap3A = arith.constant 0 : index
    %swap3A_35 = arith.constant 0 : index
    %swap3A_36 = vector.load %arg7[%swap3A, %swap3A_35] : memref<1000x128xf32, #tpu.memory_space<vmem>>, vector<1000x128xf32>
    tpu.vector_store %arg7[%swap3A, %swap3A_35], %max3A_34 {strides = array<i32>} : memref<1000x128xf32, #tpu.memory_space<vmem>>, vector<1000x128xf32>,
    return
  }
  func.func @transform_0(%arg0: i32) -> (i32, i32, i32) {
    %c0_i32 = arith.constant 0 : i32
    %c0_i32_0 = arith.constant 0 : i32
    %c0_i32_1 = arith.constant 0 : i32
    return %c0_i32, %arg0, %c0_i32_0 : i32, i32, i32
  }
  func.func @transform_1(%arg0: i32) -> (i32, i32, i32) {
    %c1_i32 = arith.constant 1 : i32
    %c0_i32 = arith.constant 0 : i32
    %c0_i32_0 = arith.constant 0 : i32
    return %c1_i32, %arg0, %c0_i32 : i32, i32, i32
  }
  func.func @transform_2(%arg0: i32) -> (i32, i32) {
    %c0_i32 = arith.constant 0 : i32
    %c0_i32_0 = arith.constant 0 : i32
    return %arg0, %c0_i32 : i32, i32
  }
  func.func @transform_3(%arg0: i32) -> (i32, i32, i32) {
    %c0_i32 = arith.constant 0 : i32
    %c0_i32_0 = arith.constant 0 : i32
    %c0_i32_1 = arith.constant 0 : i32
    return %c0_i32, %arg0, %c0_i32_0 : i32, i32, i32
  }
  func.func @transform_4(%arg0: i32) -> (i32, i32, i32) {
    %c1_i32 = arith.constant 1 : i32
    %c0_i32 = arith.constant 0 : i32
    %c0_i32_0 = arith.constant 0 : i32
    return %c1_i32, %arg0, %c0_i32 : i32, i32, i32
  }
  func.func @transform_5(%arg0: i32) -> (i32, i32) {
    %c0_i32 = arith.constant 0 : i32
    %c0_i32_0 = arith.constant 0 : i32
    %c0_i32_1 = arith.constant 0 : i32
    return %c0_i32, %c0_i32_0 : i32, i32
  }
  func.func @transform_6(%arg0: i32) -> (i32, i32) {
    %c0_i32 = arith.constant 0 : i32
    %c0_i32_0 = arith.constant 0 : i32
    return %arg0, %c0_i32 : i32, i32
  }
}

</mosaic_0001>

<sc_bundles>
// kernel: kernel.12.cloned.1.call-start
scs
__scs_entry_jumppad:
0x0: {  	(pc) =	sbr.rel $0x88, $3  }
0x1: {  	(tag) =	ssettag $0x0;
	lr =	simm.s32 $0x1  }
0x2: {  	[smem:$0x3F9B] =	sst lr;
	_ =	strace $0xD0000000  }
0x3: {  	_ = 	snop  }
0x4: {  	_ = 	snop  }
0x5: {  	_ = 	snop  }
0x6: {  	_ = 	snop  }
0x7: {  	_ = 	snop  }
__scs_overlays_trampoline_lowered:
0x8: {  	[smem:$0x3FAA] =	sst s0  }
0x9: {  	[smem:$0x3FAB] =	sst s1  }
0xa: {  	[smem:$0x3FAC] =	sst s2  }
0xb: {  	[smem:$0x3FAD] =	sst s3  }
0xc: {  	[smem:$0x3FAE] =	sst s4  }
0xd: {  	[smem:$0x3FAF] =	sst s5  }
0xe: {  	[smem:$0x3FB0] =	sst s6  }
0xf: {  	[smem:$0x3FB1] =	sst s7  }
0x10: {  	[smem:$0x3FB2] =	sst s8  }
0x11: {  	[smem:$0x3FB3] =	sst s9;
	s0 =	simm.s32 @!p0 $0x0  }
0x12: {  	s1 =	sld [smem:$0x3F99];
	s0 =	simm.s32 @p0 $0x1  }
0x13: {  	[smem:$0x3FB4] =	sst s0;
	s0 =	simm.s32 @!p1 $0x0  }
0x14: {  	s2 =	sld [smem:$0x3F98];
	s0 =	simm.s32 @p1 $0x1  }
0x15: {  	[smem:$0x3FB5] =	sst s0;
	s0 =	simm.s32 @!p2 $0x0  }
0x16: {  	s3 =	sld [smem:$0x3FDB];
	s0 =	simm.s32 @p2 $0x1  }
0x17: {  	s4 =	simm.s32 $0x1BF5;
	[smem:$0x3FB7] =	sst s0  }
0x18: {  	s0 =	sld [smem:$0x3F9A];
	_ =	swait.ge [sflag:s4], $0x0  }
0x19: {  	s7 =	sld [smem:$0x3F9B]  }
0x1a: {  	s8 =	sadd.s32 $0xFFFFE003, lr  }
0x1b: {  	s9 =	sadd.s32 $0xFFFFFEF7, lr;
	s5 =	simm.s32 $0xFFFFFFFF;
	p2 =	slt.u32 s8, $0xFFFFF086  }
0x1c: {  	p1 =	slt.u32 s9, $0xF7A;
	s5 =	simm.s32 @!p2 $0x0  }
0x1d: {  	s5 =	simm.s32 @p1 $0x1;
	p0 =	seq.s32 s7, s2  }
0x1e: {  	s7 =	smul.u32 @!p0 $0xF7A, s2;
	p2 =	seq.s32 @!p0 s5, $0x0  }
0x1f: {  	s9 =	smul.u32 $0xF7A, s1;
	s8 =	simm.s32 @!p0 $0x1BF5;
	p2 =	por !p2, p0  }
0x20: {  	[sflag:s8] =	ssyncset.s32 @!p0 $0xFFFFF086;
	s6 =	sadd.s32 @!p0 s3, s7;
	s7 =	simm.s32 @!p0 $0x108  }
0x21: {  	s3 =	sadd.s32 s3, s9;
	s6 =	sadd.s32 @!p0 $0x88, s6;
	s7 =	simm.s32 @p2 $0x1082  }
0x22: {  	[simem:s7], [sflag:s8] =	dma.local @!p0 [hbm:s6], $0xF7A  }
0x23: {  	s9 =	sor.u32 $0xD0000000, s2;
	s6 =	simm.s32 $0x108;
	_ =	swait.ge @!p0 [sflag:s8], $0x0  }
0x24: {  	s3 =	sadd.s32 $0x88, s3;
	s6 =	simm.s32 @!p1 $0x1082;
	[sflag:s4] =	ssyncset.s32 $0xFFFFF086  }
0x25: {  	[simem:s6], [sflag:s4] =	dma.local [hbm:s3], $0xF7A  }
0x26: {  	[smem:$0x3F9B] =	sst s1;
	(tag) =	ssettag s2;
	_ =	strace s9  }
0x27: {  	s1 =	sld [smem:$0x3FAB]  }
0x28: {  	s2 =	sld [smem:$0x3FAC]  }
0x29: {  	s4 =	sld [smem:$0x3FAE]  }
0x2a: {  	p0 =	seq.s32 s5, $0x0;
	s5 =	sld [smem:$0x3FAF]  }
0x2b: {  	s6 =	sld [smem:$0x3FB0]  }
0x2c: {  	s7 =	sld [smem:$0x3FB1]  }
0x2d: {  	s3 =	simm.s32 $0x108;
	s8 =	sld [smem:$0x3FB2]  }
0x2e: {  	s3 =	simm.s32 @!p0 $0x1082;
	s9 =	sld [smem:$0x3FB3]  }
0x2f: {  	lr =	sadd.s32 s0, s3;
	s0 =	sld [smem:$0x3FAA]  }
0x30: {  	s3 =	sld [smem:$0x3FAD]  }
0x31: {  	[smem:$0x3FB6] =	sst s10  }
0x32: {  	s10 =	sld [smem:$0x3FB4];
	_ =	sdelay $0x3  }
0x33: {  	p0 =	seq.s32 s10, $0x1;
	s10 =	sld [smem:$0x3FB6];
	_ =	sdelay $0x3  }
0x34: {  	[smem:$0x3FB6] =	sst s10  }
0x35: {  	s10 =	sld [smem:$0x3FB5];
	_ =	sdelay $0x3  }
0x36: {  	p1 =	seq.s32 s10, $0x1;
	s10 =	sld [smem:$0x3FB6];
	_ =	sdelay $0x3  }
0x37: {  	[smem:$0x3FB6] =	sst s10  }
0x38: {  	s10 =	sld [smem:$0x3FB7]  }
0x39: {  	_ = 	snop;
	(pc) =	sbr.ind lr, $3  }
0x3a: {  	_ = 	snop  }
0x3b: {  	_ = 	snop  }
0x3c: {  	p2 =	seq.s32 s10, $0x1;
	s10 =	sld [smem:$0x3FB6]  }
0x3d: {  	_ =	shalt  }
0x3e: {  	_ =	shalt  }
0x3f: {  	_ =	shalt  }
0x40: {  	_ =	shalt  }
0x41: {  	_ =	shalt  }
0x42: {  	_ =	shalt  }
0x43: {  	_ =	shalt  }
0x44: {  	_ =	shalt  }
0x45: {  	_ =	shalt  }
0x46: {  	_ =	shalt  }
0x47: {  	_ =	shalt  }
0x48: {  	_ =	shalt  }
0x49: {  	_ =	shalt  }
0x4a: {  	_ =	shalt  }
0x4b: {  	_ =	shalt  }
0x4c: {  	_ =	shalt  }
0x4d: {  	_ =	shalt  }
0x4e: {  	_ =	shalt  }
0x4f: {  	_ =	shalt  }
0x50: {  	_ =	shalt  }
0x51: {  	_ =	shalt  }
0x52: {  	_ =	shalt  }
0x53: {  	_ =	shalt  }
0x54: {  	_ =	shalt  }
0x55: {  	_ =	shalt  }
0x56: {  	_ =	shalt  }
0x57: {  	_ =	shalt  }
0x58: {  	_ =	shalt  }
0x59: {  	_ =	shalt  }
0x5a: {  	_ =	shalt  }
0x5b: {  	_ =	shalt  }
0x5c: {  	_ =	shalt  }
0x5d: {  	_ =	shalt  }
0x5e: {  	_ =	shalt  }
0x5f: {  	_ =	shalt  }
0x60: {  	_ =	shalt  }
0x61: {  	_ =	shalt  }
0x62: {  	_ =	shalt  }
0x63: {  	_ =	shalt  }
0x64: {  	_ =	shalt  }
0x65: {  	_ =	shalt  }
0x66: {  	_ =	shalt  }
0x67: {  	_ =	shalt  }
0x68: {  	_ =	shalt  }
0x69: {  	_ =	shalt  }
0x6a: {  	_ =	shalt  }
0x6b: {  	_ =	shalt  }
0x6c: {  	_ =	shalt  }
0x6d: {  	_ =	shalt  }
0x6e: {  	_ =	shalt  }
0x6f: {  	_ =	shalt  }
0x70: {  	_ =	shalt  }
0x71: {  	_ =	shalt  }
0x72: {  	_ =	shalt  }
0x73: {  	_ =	shalt  }
0x74: {  	_ =	shalt  }
0x75: {  	_ =	shalt  }
0x76: {  	_ =	shalt  }
0x77: {  	_ =	shalt  }
0x78: {  	_ =	shalt  }
0x79: {  	_ =	shalt  }
0x7a: {  	_ =	shalt  }
0x7b: {  	_ =	shalt  }
0x7c: {  	_ =	shalt  }
0x7d: {  	_ =	shalt  }
0x7e: {  	_ =	shalt  }
0x7f: {  	_ =	shalt  }
0x80: {  	_ =	shalt  }
0x81: {  	_ =	shalt  }
0x82: {  	_ =	shalt  }
0x83: {  	_ =	shalt  }
0x84: {  	_ =	shalt  }
0x85: {  	_ =	shalt  }
0x86: {  	_ =	shalt  }
0x87: {  	_ =	shalt  }
.Lfunc_end0:
.L_simem_size_0:
called_computation.1_lowered:
.L_overlay_start_0:
0x88: {  	s2 =	sld [smem:$0x3FD9]  }
0x89: {  	s3 =	sld [smem:$0x3FFE];
	_ =	sdelay $0x1  }
0x8a: {  	s1 =	srdreg.scid  }
0x8b: {  	s0 =	sand.u32 $0x1, s1  }
0x8c: {  	s17 =	sshll.u32 s0, $0xA;
	s2 =	sadd.s32 s3, s2  }
0x8d: {  	s2 =	sadd.s32 s2, s17  }
0x8e: {  	[smem:$0x3FC2] =	sst s2  }
0x8f: {  	_ = 	snop  }
0x90: {  	s2 =	sld [smem:$0x3FD0];
	(tm) =	ssettm $0x1  }
0x91: {  	s18 =	sld [smem:$0x3FFB];
	_ =	sdelay $0x3  }
0x92: {  	_ =	strace s18  }
0x93: {  	s3 =	sld [smem:$0x3FFC];
	_ =	sdelay $0x3  }
0x94: {  	_ =	strace s3  }
0x95: {  	s3 =	sld [smem:$0x3FFD];
	_ =	sdelay $0x3  }
0x96: {  	_ =	strace s3  }
0x97: {  	_ =	strace $0x8FFFFFFF  }
0x98: {  	s19 =	sld [smem:$0x3FDB];
	_ =	sdelay $0x1  }
0x99: {  	s4 =	simm.s32 $_scs_section_size  }
0x9a: {  	s5 =	simm.s32 $_size__tile_overlayer_lowered;
	s6 =	simm.s32 $_tile_overlayer_lowered  }
0x9b: {  	s22 =	simm.s32 $0x1BFF;
	s21 =	sshll.u32 s6, $0x1;
	s3 =	sadd.s32 s4, s19  }
0x9c: {  	s7 =	simm.s32 $0x0;
	s20 =	sshll.u32 s5, $0x1;
	s5 =	sadd.s32 s21, s3  }
0x9d: {  	[timem:s7], [sflag:s22] =	dma.local [hbm:s5], s20  }
0x9e: {  	_ =	swait.ge [sflag:s22], s20  }
0x9f: {  	s4 =	ssub.s32 $0x0, s20;
	[sflag:s22] =	ssyncset.done $0x0  }
0xa0: {  	[sflag:s22] =	ssyncadd.s32 s4;
	_ =	sdelay $0x1  }
0xa1: {  	s23 =	simm.s32 $0x1B8B  }
0xa2: {  	_ =	swait.ge [sflag:s23], $0x1  }
0xa3: {  	[sflag:s23] =	ssyncset.done $0x0  }
0xa4: {  	s25 =	simm.s32 $0x1B8E;
	s24 =	sld [smem:$0x3FFE];
	[sflag:s23] =	ssyncadd.s32 $0xFFFFFFFF  }
0xa5: {  	s26 =	simm.s32 $execute0_lowered;
	[smem:$0x3FD2] =	sst s25  }
0xa6: {  	s5 =	sshll.u32 s26, $0x1;
	_ =	strace $0x80000049;
	[dreg:$0x1] =	wrdreg $0xFFFFFFFF  }
0xa7: {  	s28 =	simm.s32 $_size_execute0_lowered;
	s3 =	sadd.s32 s3, s5;
	[dreg:$0x0] =	wrdreg $0x0  }
0xa8: {  	s5 =	sshll.u32 s28, $0x1;
	[dreg:$0x2] =	wrdreg s3  }
0xa9: {  	[dreg:$0x3] =	wrdreg s5  }
0xaa: {  	[dreg:$0x4] =	wrdreg $0xC0  }
0xab: {  	_ =	task [dreg:s7], $0x5FFFF  }
0xac: {  	[dreg:$0x1] =	wrdreg $0xFFFFFFFF  }
0xad: {  	[dreg:$0x0] =	wrdreg $0x60  }
0xae: {  	[dreg:$0x2] =	wrdreg s2  }
0xaf: {  	[dreg:$0x3] =	wrdreg s24  }
0xb0: {  	[dreg:$0x4] =	wrdreg $0x90000  }
0xb1: {  	[dreg:$0x5] =	wrdreg $0x9  }
0xb2: {  	_ =	task.clear_ibuf [dreg:s7], $0x6FFFF;
	_ =	strace $0x90000049  }
0xb3: {  	s29 =	simm.s32 $0x9;
	_ =	strace $0x8000004B  }
0xb4: {  	_ =	swait.ge [sflag:s29], $0x1  }
0xb5: {  	[sflag:s29] =	ssyncadd.s32 $0xFFFFFFFF  }
0xb6: {  	_ =	strace $0x9000004B  }
0xb7: {  	_ =	sfence  }
0xb8: {  	s30 =	sld [smem:$0x0];
	_ =	sdelay $0x2  }
0xb9: {  	s31 =	sshll.u32 s1, $0xD;
	s1 =	sshrl.u32 s1, $0x2  }
0xba: {  	s3 =	sand.u32 $0x4000, s31;
	s1 =	sadd.s32 s1, s30  }
0xbb: {  	s0 =	sor.u32 s3, s0;
	s1 =	sshll.u32 s1, $0x11  }
0xbc: {  	s0 =	sor.u32 s1, s0  }
0xbd: {  	s0 =	sadd.s32 $0x8F2B, s0  }
0xbe: {  	[sflag:s0] =	ssyncadd.remote.s32 $0x1  }
0xbf: {  	_ =	sfence.sel $0xFFFF  }
0xc0: {  	[dreg:$0x0] =	wrdreg $0xFFFFFFFF;
	(pc) =	sbr.abs _section_cstart, $3  }
0xc1: {  	[dreg:$0x1] =	wrdreg $0xFFFFFFFF  }
0xc2: {  	_ =	task.clear_ibuf [dreg:s7], $0x2FFFF;
	_ =	strace $0x9FFFFFFF  }
0xc3: {  	(tm) =	ssettm $0x7FFFFFFF  }
tec
execute0_lowered:
.L_overlay_start_1:
0x0: {  	(tag) =	ssettag $0x1  }
0x1: {  	s0 =	rddreg [dreg:$0x0]  }
0x2: {  	s1 =	rddreg [dreg:$0x1]  }
0x3: {  	s2 =	srdreg.scid;
	s3 =	rddreg [dreg:$0x2]  }
0x4: {  	s9 =	stileid.u32;
	s4 =	simm.s32 $0x0;
	s14 =	simm.s32 $0x880  }
0x5: {  	s15 =	simm.s32 $0x100;
	[smem:$0x7FF] =	sst s4;
	s8 =	sadd.s32 $0xC800, s1  }
0x6: {  	s17 =	simm.s32 $0x180;
	_ =	strace $0x8000004A;
	[dreg:$0x12] =	wrdreg s8  }
0x7: {  	s18 =	simm.s32 $0x900;
	s19 =	simm.s32 $0x980;
	[dreg:$0x6] =	wrdreg s14  }
0x8: {  	s20 =	simm.s32 $0x200;
	s21 =	simm.s32 $0x280;
	[dreg:$0x7] =	wrdreg s15  }
0x9: {  	s22 =	simm.s32 $0xA00;
	s23 =	simm.s32 $0xA80;
	[dreg:$0x8] =	wrdreg s17  }
0xa: {  	s24 =	simm.s32 $0x300;
	s25 =	simm.s32 $0x380;
	[dreg:$0x9] =	wrdreg s18  }
0xb: {  	s28 =	simm.s32 $0x680;
	s29 =	simm.s32 $0xE00;
	[dreg:$0xa] =	wrdreg s19  }
0xc: {  	s30 =	simm.s32 $0xE80;
	s6 =	smul.u32 $0x13C00, s9;
	[dreg:$0xb] =	wrdreg s20  }
0xd: {  	s31 =	simm.s32 $0x700;
	s26 =	smul.u32 $0x500, s9;
	[dreg:$0xc] =	wrdreg s21  }
0xe: {  	s2 =	sand.u32 $0x1, s2;
	s11 =	smul.u32 $0x4F000, s9;
	[dreg:$0xd] =	wrdreg s22  }
0xf: {  	s16 =	sshll.u32 s9, $0x6;
	s5 =	smul.u32 $0x13C000, s2;
	[dreg:$0xe] =	wrdreg s23  }
0x10: {  	s9 =	simm.s32 $0x0;
	s7 =	smul.u32 $0x5000, s2;
	[dreg:$0xf] =	wrdreg s24  }
0x11: {  	s2 =	ssub.s32 $0x2, s2;
	s14 =	simm.s32 $0x5000;
	[dreg:$0x10] =	wrdreg s25  }
0x12: {  	s15 =	simm.s32 $0x1;
	s17 =	simm.s32 $0xB80;
	s18 =	simm.s32 $0x400  }
0x13: {  	s19 =	simm.s32 $0x480;
	s20 =	simm.s32 $0xC00;
	s21 =	simm.s32 $0xC80  }
0x14: {  	s22 =	simm.s32 $0x500;
	s23 =	simm.s32 $0x580;
	s24 =	simm.s32 $0xD00  }
0x15: {  	s25 =	simm.s32 $0xD80;
	s10 =	sshrl.u32 s2, $0x1;
	s13 =	sshrl.u32 s11, $0x2  }
0x16: {  	s11 =	simm.s32 $0x800;
	s5 =	sadd.s32 s6, s5;
	s7 =	sadd.s32 s7, s1  }
0x17: {  	s2 =	ssub.s32 s2, s10;
	s6 =	sadd.s32 s13, s3;
	s10 =	simm.s32 $0x3  }
0x18: {  	s13 =	simm.s32 $0x1000;
	s5 =	sshrl.u32 s5, $0x3;
	s2 =	smax.u32 s2, $0x1  }
0x19: {  	s7 =	sadd.s32 s26, s7;
	s26 =	simm.s32 $0xB00;
	[dreg:$0x15] =	wrdreg s2  }
0x1a: {  	s8 =	sshrl.u32 s6, $0x3;
	s1 =	sadd.s32 s5, s1;
	[dreg:$0x11] =	wrdreg s26  }
0x1b: {  	s12 =	sadd.s32 $0x2800, s7;
	s5 =	sadd.s32 $0x5E000, s7;
	[dreg:$0x16] =	wrdreg s8  }
0x1c: {  	s7 =	sor.u32 $0x1C03, s16;
	s16 =	simm.s32 $0x2;
	[dreg:$0x4] =	wrdreg s12  }
0x1d: {  	s26 =	simm.s32 $0x600;
	s2 =	simm.s32 $0xF00;
	[dreg:$0x5] =	wrdreg s5  }
0x1e: {  	s1 =	sadd.s32 $0x68000, s1;
	s12 =	simm.s32 $0x80;
	[dreg:$0x13] =	wrdreg s7  }
0x1f: {  	s5 =	simm.s32 $0xF80;
	[dreg:$0x14] =	wrdreg s1;
	s1 =	simm.s32 $0x780  }
.LBB2_1:
0x20: {  	[dreg:$0x17] =	wrdreg s9  }
0x21: {  	s6 =	rddreg [dreg:$0x12]  }
0x22: {  	[spmem:s8], [sflag:s7] =	dma.local [hbm:s6], $0x2780  }
0x23: {  	_ =	swait.ge [sflag:s10], $0x2780  }
0x24: {  	[sflag:s10] =	ssyncset.done $0x0  }
0x25: {  	[sflag:s10] =	ssyncadd.s32 $0xFFFFD880  }
0x26: {  	[bflag:$0x0] =	sbarrier.arrive $0xFFFF  }
0x27: {  	s9 =	rddreg [dreg:$0x5]  }
0x28: {  	s6 =	sadd.s32 $0x0, s9  }
0x29: {  	[tilespmem:s4], [sflag:$0x3] =	stream.linear.gather [hbm4b:s6+s4], $0x800, $0x38;
	[tilespmem:$0x1CC00] =	vst v63  }
0x2a: {  	_ =	swait.ge [sflag:s10], $0x800  }
0x2b: {  	s7 =	rddreg [dreg:$0x4];
	[sflag:s10] =	ssyncset.done $0x0  }
0x2c: {  	[sflag:s10] =	ssyncadd.s32 $0xFFFFF800;
	s6 =	sadd.s32 $0x0, s7  }
0x2d: {  	[tilespmem:s11], [sflag:$0x3] =	stream.linear.gather [hbm4b:s6+s4], $0x800, $0x38;
	[tilespmem:$0x1CC00] =	vst v63  }
0x2e: {  	_ =	swait.ge [sflag:s10], $0x800  }
0x2f: {  	[sflag:s10] =	ssyncset.done $0x0  }
0x30: {  	[sflag:s10] =	ssyncadd.s32 $0xFFFFF800  }
0x31: {  	[tilespmem:s13], [sflag:$0x1] =	stream.indirect.gather [hbm4b:s0+s12], $0x80, s4, s12, $0xb8;
	[tilespmem:$0x1CC00] =	vst v63  }
0x32: {  	_ = 	snop  }
0x33: {  	[tilespmem:s14], [sflag:$0x2] =	stream.indirect.gather [hbm4b:s0+s12], $0x80, s12, s12, $0xb8;
	[tilespmem:$0x1CC00] =	vst v63  }
0x34: {  	_ =	swait.ge [sflag:s15], $0x4000  }
0x35: {  	[sflag:s15] =	ssyncset.done $0x0  }
0x36: {  	[sflag:s15] =	ssyncadd.s32 $0xFFFFC000  }
0x37: {  	[spmem:s3] =	stream.indirect.scatter.add.f32 [tilespmem:s13], [sflag:$0x3], $0x80, s11, s12, $0xb8;
	[tilespmem:$0x1CC00] =	vst v63  }
0x38: {  	_ =	swait.ge [sflag:s10], $0x4000  }
0x39: {  	[sflag:s10] =	ssyncset.done $0x0  }
0x3a: {  	[sflag:s10] =	ssyncadd.s32 $0xFFFFC000  }
0x3b: {  	_ =	swait.ge [sflag:s16], $0x4000  }
0x3c: {  	[sflag:s16] =	ssyncset.done $0x0  }
0x3d: {  	s8 =	rddreg [dreg:$0x6];
	[sflag:s16] =	ssyncadd.s32 $0xFFFFC000  }
0x3e: {  	[spmem:s3] =	stream.indirect.scatter.add.f32 [tilespmem:s14], [sflag:$0x3], $0x80, s8, s12, $0xb8;
	[tilespmem:$0x1CC00] =	vst v63  }
0x3f: {  	_ =	swait.ge [sflag:s10], $0x4000  }
0x40: {  	[sflag:s10] =	ssyncset.done $0x0  }
0x41: {  	s9 =	rddreg [dreg:$0x7];
	[sflag:s10] =	ssyncadd.s32 $0xFFFFC000  }
0x42: {  	[tilespmem:s13], [sflag:$0x1] =	stream.indirect.gather [hbm4b:s0+s12], $0x80, s9, s12, $0xb8;
	[tilespmem:$0x1CC00] =	vst v63  }
0x43: {  	s7 =	rddreg [dreg:$0x8]  }
0x44: {  	[tilespmem:s14], [sflag:$0x2] =	stream.indirect.gather [hbm4b:s0+s12], $0x80, s7, s12, $0xb8;
	[tilespmem:$0x1CC00] =	vst v63  }
0x45: {  	_ =	swait.ge [sflag:s15], $0x4000  }
0x46: {  	[sflag:s15] =	ssyncset.done $0x0  }
0x47: {  	s9 =	rddreg [dreg:$0x9];
	[sflag:s15] =	ssyncadd.s32 $0xFFFFC000  }
0x48: {  	[spmem:s3] =	stream.indirect.scatter.add.f32 [tilespmem:s13], [sflag:$0x3], $0x80, s9, s12, $0xb8;
	[tilespmem:$0x1CC00] =	vst v63  }
0x49: {  	_ =	swait.ge [sflag:s10], $0x4000  }
0x4a: {  	[sflag:s10] =	ssyncset.done $0x0  }
0x4b: {  	[sflag:s10] =	ssyncadd.s32 $0xFFFFC000  }
0x4c: {  	_ =	swait.ge [sflag:s16], $0x4000  }
0x4d: {  	[sflag:s16] =	ssyncset.done $0x0  }
0x4e: {  	s7 =	rddreg [dreg:$0xa];
	[sflag:s16] =	ssyncadd.s32 $0xFFFFC000  }
0x4f: {  	[spmem:s3] =	stream.indirect.scatter.add.f32 [tilespmem:s14], [sflag:$0x3], $0x80, s7, s12, $0xb8;
	[tilespmem:$0x1CC00] =	vst v63  }
0x50: {  	_ =	swait.ge [sflag:s10], $0x4000  }
0x51: {  	[sflag:s10] =	ssyncset.done $0x0  }
0x52: {  	s8 =	rddreg [dreg:$0xb];
	[sflag:s10] =	ssyncadd.s32 $0xFFFFC000  }
0x53: {  	[tilespmem:s13], [sflag:$0x1] =	stream.indirect.gather [hbm4b:s0+s12], $0x80, s8, s12, $0xb8;
	[tilespmem:$0x1CC00] =	vst v63  }
0x54: {  	s9 =	rddreg [dreg:$0xc]  }
0x55: {  	[tilespmem:s14], [sflag:$0x2] =	stream.indirect.gather [hbm4b:s0+s12], $0x80, s9, s12, $0xb8;
	[tilespmem:$0x1CC00] =	vst v63  }
0x56: {  	_ =	swait.ge [sflag:s15], $0x4000  }
0x57: {  	[sflag:s15] =	ssyncset.done $0x0  }
0x58: {  	s7 =	rddreg [dreg:$0xd];
	[sflag:s15] =	ssyncadd.s32 $0xFFFFC000  }
0x59: {  	[spmem:s3] =	stream.indirect.scatter.add.f32 [tilespmem:s13], [sflag:$0x3], $0x80, s7, s12, $0xb8;
	[tilespmem:$0x1CC00] =	vst v63  }
0x5a: {  	_ =	swait.ge [sflag:s10], $0x4000  }
0x5b: {  	[sflag:s10] =	ssyncset.done $0x0  }
0x5c: {  	[sflag:s10] =	ssyncadd.s32 $0xFFFFC000  }
0x5d: {  	_ =	swait.ge [sflag:s16], $0x4000  }
0x5e: {  	[sflag:s16] =	ssyncset.done $0x0  }
0x5f: {  	s8 =	rddreg [dreg:$0xe];
	[sflag:s16] =	ssyncadd.s32 $0xFFFFC000  }
0x60: {  	[spmem:s3] =	stream.indirect.scatter.add.f32 [tilespmem:s14], [sflag:$0x3], $0x80, s8, s12, $0xb8;
	[tilespmem:$0x1CC00] =	vst v63  }
0x61: {  	_ =	swait.ge [sflag:s10], $0x4000  }
0x62: {  	[sflag:s10] =	ssyncset.done $0x0  }
0x63: {  	s9 =	rddreg [dreg:$0xf];
	[sflag:s10] =	ssyncadd.s32 $0xFFFFC000  }
0x64: {  	[tilespmem:s13], [sflag:$0x1] =	stream.indirect.gather [hbm4b:s0+s12], $0x80, s9, s12, $0xb8;
	[tilespmem:$0x1CC00] =	vst v63  }
0x65: {  	s7 =	rddreg [dreg:$0x10]  }
0x66: {  	[tilespmem:s14], [sflag:$0x2] =	stream.indirect.gather [hbm4b:s0+s12], $0x80, s7, s12, $0xb8;
	[tilespmem:$0x1CC00] =	vst v63  }
0x67: {  	_ =	swait.ge [sflag:s15], $0x4000  }
0x68: {  	[sflag:s15] =	ssyncset.done $0x0  }
0x69: {  	s9 =	rddreg [dreg:$0x11];
	[sflag:s15] =	ssyncadd.s32 $0xFFFFC000  }
0x6a: {  	[spmem:s3] =	stream.indirect.scatter.add.f32 [tilespmem:s13], [sflag:$0x3], $0x80, s9, s12, $0xb8;
	[tilespmem:$0x1CC00] =	vst v63  }
0x6b: {  	_ =	swait.ge [sflag:s10], $0x4000  }
0x6c: {  	[sflag:s10] =	ssyncset.done $0x0  }
0x6d: {  	[sflag:s10] =	ssyncadd.s32 $0xFFFFC000  }
0x6e: {  	_ =	swait.ge [sflag:s16], $0x4000  }
0x6f: {  	[sflag:s16] =	ssyncset.done $0x0  }
0x70: {  	[sflag:s16] =	ssyncadd.s32 $0xFFFFC000  }
0x71: {  	[spmem:s3] =	stream.indirect.scatter.add.f32 [tilespmem:s14], [sflag:$0x3], $0x80, s17, s12, $0xb8;
	[tilespmem:$0x1CC00] =	vst v63  }
0x72: {  	_ =	swait.ge [sflag:s10], $0x4000  }
0x73: {  	[sflag:s10] =	ssyncset.done $0x0  }
0x74: {  	[sflag:s10] =	ssyncadd.s32 $0xFFFFC000  }
0x75: {  	[tilespmem:s13], [sflag:$0x1] =	stream.indirect.gather [hbm4b:s0+s12], $0x80, s18, s12, $0xb8;
	[tilespmem:$0x1CC00] =	vst v63  }
0x76: {  	_ = 	snop  }
0x77: {  	[tilespmem:s14], [sflag:$0x2] =	stream.indirect.gather [hbm4b:s0+s12], $0x80, s19, s12, $0xb8;
	[tilespmem:$0x1CC00] =	vst v63  }
0x78: {  	_ =	swait.ge [sflag:s15], $0x4000  }
0x79: {  	[sflag:s15] =	ssyncset.done $0x0  }
0x7a: {  	[sflag:s15] =	ssyncadd.s32 $0xFFFFC000  }
0x7b: {  	[spmem:s3] =	stream.indirect.scatter.add.f32 [tilespmem:s13], [sflag:$0x3], $0x80, s20, s12, $0xb8;
	[tilespmem:$0x1CC00] =	vst v63  }
0x7c: {  	_ =	swait.ge [sflag:s10], $0x4000  }
0x7d: {  	[sflag:s10] =	ssyncset.done $0x0  }
0x7e: {  	[sflag:s10] =	ssyncadd.s32 $0xFFFFC000  }
0x7f: {  	_ =	swait.ge [sflag:s16], $0x4000  }
0x80: {  	[sflag:s16] =	ssyncset.done $0x0  }
0x81: {  	[sflag:s16] =	ssyncadd.s32 $0xFFFFC000  }
0x82: {  	[spmem:s3] =	stream.indirect.scatter.add.f32 [tilespmem:s14], [sflag:$0x3], $0x80, s21, s12, $0xb8;
	[tilespmem:$0x1CC00] =	vst v63  }
0x83: {  	_ =	swait.ge [sflag:s10], $0x4000  }
0x84: {  	[sflag:s10] =	ssyncset.done $0x0  }
0x85: {  	[sflag:s10] =	ssyncadd.s32 $0xFFFFC000  }
0x86: {  	[tilespmem:s13], [sflag:$0x1] =	stream.indirect.gather [hbm4b:s0+s12], $0x80, s22, s12, $0xb8;
	[tilespmem:$0x1CC00] =	vst v63  }
0x87: {  	_ = 	snop  }
0x88: {  	[tilespmem:s14], [sflag:$0x2] =	stream.indirect.gather [hbm4b:s0+s12], $0x80, s23, s12, $0xb8;
	[tilespmem:$0x1CC00] =	vst v63  }
0x89: {  	_ =	swait.ge [sflag:s15], $0x4000  }
0x8a: {  	[sflag:s15] =	ssyncset.done $0x0  }
0x8b: {  	[sflag:s15] =	ssyncadd.s32 $0xFFFFC000  }
0x8c: {  	[spmem:s3] =	stream.indirect.scatter.add.f32 [tilespmem:s13], [sflag:$0x3], $0x80, s24, s12, $0xb8;
	[tilespmem:$0x1CC00] =	vst v63  }
0x8d: {  	_ =	swait.ge [sflag:s10], $0x4000  }
0x8e: {  	[sflag:s10] =	ssyncset.done $0x0  }
0x8f: {  	[sflag:s10] =	ssyncadd.s32 $0xFFFFC000  }
0x90: {  	_ =	swait.ge [sflag:s16], $0x4000  }
0x91: {  	[sflag:s16] =	ssyncset.done $0x0  }
0x92: {  	[sflag:s16] =	ssyncadd.s32 $0xFFFFC000  }
0x93: {  	[spmem:s3] =	stream.indirect.scatter.add.f32 [tilespmem:s14], [sflag:$0x3], $0x80, s25, s12, $0xb8;
	[tilespmem:$0x1CC00] =	vst v63  }
0x94: {  	_ =	swait.ge [sflag:s10], $0x4000  }
0x95: {  	[sflag:s10] =	ssyncset.done $0x0  }
0x96: {  	[sflag:s10] =	ssyncadd.s32 $0xFFFFC000  }
0x97: {  	[tilespmem:s13], [sflag:$0x1] =	stream.indirect.gather [hbm4b:s0+s12], $0x80, s26, s12, $0xb8;
	[tilespmem:$0x1CC00] =	vst v63  }
0x98: {  	_ = 	snop  }
0x99: {  	[tilespmem:s14], [sflag:$0x2] =	stream.indirect.gather [hbm4b:s0+s12], $0x80, s28, s12, $0xb8;
	[tilespmem:$0x1CC00] =	vst v63  }
0x9a: {  	_ =	swait.ge [sflag:s15], $0x4000  }
0x9b: {  	[sflag:s15] =	ssyncset.done $0x0  }
0x9c: {  	[sflag:s15] =	ssyncadd.s32 $0xFFFFC000  }
0x9d: {  	[spmem:s3] =	stream.indirect.scatter.add.f32 [tilespmem:s13], [sflag:$0x3], $0x80, s29, s12, $0xb8;
	[tilespmem:$0x1CC00] =	vst v63  }
0x9e: {  	_ =	swait.ge [sflag:s10], $0x4000  }
0x9f: {  	[sflag:s10] =	ssyncset.done $0x0  }
0xa0: {  	[sflag:s10] =	ssyncadd.s32 $0xFFFFC000  }
0xa1: {  	_ =	swait.ge [sflag:s16], $0x4000  }
0xa2: {  	[sflag:s16] =	ssyncset.done $0x0  }
0xa3: {  	[sflag:s16] =	ssyncadd.s32 $0xFFFFC000  }
0xa4: {  	[spmem:s3] =	stream.indirect.scatter.add.f32 [tilespmem:s14], [sflag:$0x3], $0x80, s30, s12, $0xb8;
	[tilespmem:$0x1CC00] =	vst v63  }
0xa5: {  	_ =	swait.ge [sflag:s10], $0x4000  }
0xa6: {  	[sflag:s10] =	ssyncset.done $0x0  }
0xa7: {  	[sflag:s10] =	ssyncadd.s32 $0xFFFFC000  }
0xa8: {  	[tilespmem:s13], [sflag:$0x1] =	stream.indirect.gather [hbm4b:s0+s12], $0x80, s31, s12, $0xb8;
	[tilespmem:$0x1CC00] =	vst v63  }
0xa9: {  	_ = 	snop  }
0xaa: {  	[tilespmem:s14], [sflag:$0x2] =	stream.indirect.gather [hbm4b:s0+s12], $0x80, s1, s12, $0xb8;
	[tilespmem:$0x1CC00] =	vst v63  }
0xab: {  	_ =	swait.ge [sflag:s15], $0x4000  }
0xac: {  	[sflag:s15] =	ssyncset.done $0x0  }
0xad: {  	[sflag:s15] =	ssyncadd.s32 $0xFFFFC000  }
0xae: {  	[spmem:s3] =	stream.indirect.scatter.add.f32 [tilespmem:s13], [sflag:$0x3], $0x80, s2, s12, $0xb8;
	[tilespmem:$0x1CC00] =	vst v63  }
0xaf: {  	_ =	swait.ge [sflag:s10], $0x4000  }
0xb0: {  	[sflag:s10] =	ssyncset.done $0x0  }
0xb1: {  	[sflag:s10] =	ssyncadd.s32 $0xFFFFC000  }
0xb2: {  	_ =	swait.ge [sflag:s16], $0x4000  }
0xb3: {  	[sflag:s16] =	ssyncset.done $0x0  }
0xb4: {  	[sflag:s16] =	ssyncadd.s32 $0xFFFFC000  }
0xb5: {  	[spmem:s3] =	stream.indirect.scatter.add.f32 [tilespmem:s14], [sflag:$0x3], $0x80, s5, s12, $0xb8;
	[tilespmem:$0x1CC00] =	vst v63  }
0xb6: {  	s6 =	simm.s32 $0x200;
	_ =	swait.ge [sflag:s10], $0x4000  }
0xb7: {  	s8 =	simm.s32 $0x100;
	s9 =	rddreg [dreg:$0x5];
	[sflag:s10] =	ssyncset.done $0x0  }
.LBB2_2:
0xb8: {  	[sflag:s10] =	ssyncadd.s32 $0xFFFFC000;
	s9 =	sadd.s32 s8, s9  }
0xb9: {  	[tilespmem:s4], [sflag:$0x3] =	stream.linear.gather [hbm4b:s9+s4], $0x800, $0x38;
	[tilespmem:$0x1CC00] =	vst v63  }
0xba: {  	_ =	swait.ge [sflag:s10], $0x800  }
0xbb: {  	s9 =	rddreg [dreg:$0x4];
	[sflag:s10] =	ssyncset.done $0x0  }
0xbc: {  	[sflag:s10] =	ssyncadd.s32 $0xFFFFF800;
	s9 =	sadd.s32 s8, s9  }
0xbd: {  	[tilespmem:s11], [sflag:$0x3] =	stream.linear.gather [hbm4b:s9+s4], $0x800, $0x38;
	[tilespmem:$0x1CC00] =	vst v63  }
0xbe: {  	_ =	swait.ge [sflag:s10], $0x800  }
0xbf: {  	[sflag:s10] =	ssyncset.done $0x0  }
0xc0: {  	[sflag:s10] =	ssyncadd.s32 $0xFFFFF800  }
0xc1: {  	[tilespmem:s13], [sflag:$0x1] =	stream.indirect.gather [hbm4b:s0+s12], $0x80, s4, s12, $0xb8;
	[tilespmem:$0x1CC00] =	vst v63  }
0xc2: {  	_ = 	snop  }
0xc3: {  	[tilespmem:s14], [sflag:$0x2] =	stream.indirect.gather [hbm4b:s0+s12], $0x80, s12, s12, $0xb8;
	[tilespmem:$0x1CC00] =	vst v63  }
0xc4: {  	_ =	swait.ge [sflag:s15], $0x4000  }
0xc5: {  	[sflag:s15] =	ssyncset.done $0x0  }
0xc6: {  	[sflag:s15] =	ssyncadd.s32 $0xFFFFC000  }
0xc7: {  	[spmem:s3] =	stream.indirect.scatter.add.f32 [tilespmem:s13], [sflag:$0x3], $0x80, s11, s12, $0xb8;
	[tilespmem:$0x1CC00] =	vst v63  }
0xc8: {  	_ =	swait.ge [sflag:s10], $0x4000  }
0xc9: {  	[sflag:s10] =	ssyncset.done $0x0  }
0xca: {  	[sflag:s10] =	ssyncadd.s32 $0xFFFFC000  }
0xcb: {  	_ =	swait.ge [sflag:s16], $0x4000  }
0xcc: {  	[sflag:s16] =	ssyncset.done $0x0  }
0xcd: {  	s9 =	rddreg [dreg:$0x6];
	[sflag:s16] =	ssyncadd.s32 $0xFFFFC000  }
0xce: {  	[spmem:s3] =	stream.indirect.scatter.add.f32 [tilespmem:s14], [sflag:$0x3], $0x80, s9, s12, $0xb8;
	[tilespmem:$0x1CC00] =	vst v63  }
0xcf: {  	_ =	swait.ge [sflag:s10], $0x4000  }
0xd0: {  	s7 =	smov.u32 s6;
	[sflag:s10] =	ssyncset.done $0x0  }
0xd1: {  	s8 =	smov.u32 s7;
	s7 =	rddreg [dreg:$0x7];
	[sflag:s10] =	ssyncadd.s32 $0xFFFFC000  }
0xd2: {  	[tilespmem:s13], [sflag:$0x1] =	stream.indirect.gather [hbm4b:s0+s12], $0x80, s7, s12, $0xb8;
	[tilespmem:$0x1CC00] =	vst v63  }
0xd3: {  	s9 =	rddreg [dreg:$0x8]  }
0xd4: {  	[tilespmem:s14], [sflag:$0x2] =	stream.indirect.gather [hbm4b:s0+s12], $0x80, s9, s12, $0xb8;
	[tilespmem:$0x1CC00] =	vst v63  }
0xd5: {  	_ =	swait.ge [sflag:s15], $0x4000  }
0xd6: {  	[sflag:s15] =	ssyncset.done $0x0  }
0xd7: {  	s9 =	rddreg [dreg:$0x9];
	[sflag:s15] =	ssyncadd.s32 $0xFFFFC000  }
0xd8: {  	[spmem:s3] =	stream.indirect.scatter.add.f32 [tilespmem:s13], [sflag:$0x3], $0x80, s9, s12, $0xb8;
	[tilespmem:$0x1CC00] =	vst v63  }
0xd9: {  	_ =	swait.ge [sflag:s10], $0x4000  }
0xda: {  	[sflag:s10] =	ssyncset.done $0x0  }
0xdb: {  	[sflag:s10] =	ssyncadd.s32 $0xFFFFC000  }
0xdc: {  	_ =	swait.ge [sflag:s16], $0x4000  }
0xdd: {  	[sflag:s16] =	ssyncset.done $0x0  }
0xde: {  	s9 =	rddreg [dreg:$0xa];
	[sflag:s16] =	ssyncadd.s32 $0xFFFFC000  }
0xdf: {  	[spmem:s3] =	stream.indirect.scatter.add.f32 [tilespmem:s14], [sflag:$0x3], $0x80, s9, s12, $0xb8;
	[tilespmem:$0x1CC00] =	vst v63  }
0xe0: {  	_ =	swait.ge [sflag:s10], $0x4000  }
0xe1: {  	[sflag:s10] =	ssyncset.done $0x0  }
0xe2: {  	s7 =	rddreg [dreg:$0xb];
	[sflag:s10] =	ssyncadd.s32 $0xFFFFC000  }
0xe3: {  	[tilespmem:s13], [sflag:$0x1] =	stream.indirect.gather [hbm4b:s0+s12], $0x80, s7, s12, $0xb8;
	[tilespmem:$0x1CC00] =	vst v63  }
0xe4: {  	s9 =	rddreg [dreg:$0xc]  }
0xe5: {  	[tilespmem:s14], [sflag:$0x2] =	stream.indirect.gather [hbm4b:s0+s12], $0x80, s9, s12, $0xb8;
	[tilespmem:$0x1CC00] =	vst v63  }
0xe6: {  	_ =	swait.ge [sflag:s15], $0x4000  }
0xe7: {  	[sflag:s15] =	ssyncset.done $0x0  }
0xe8: {  	s9 =	rddreg [dreg:$0xd];
	[sflag:s15] =	ssyncadd.s32 $0xFFFFC000  }
0xe9: {  	[spmem:s3] =	stream.indirect.scatter.add.f32 [tilespmem:s13], [sflag:$0x3], $0x80, s9, s12, $0xb8;
	[tilespmem:$0x1CC00] =	vst v63  }
0xea: {  	_ =	swait.ge [sflag:s10], $0x4000  }
0xeb: {  	[sflag:s10] =	ssyncset.done $0x0  }
0xec: {  	[sflag:s10] =	ssyncadd.s32 $0xFFFFC000  }
0xed: {  	_ =	swait.ge [sflag:s16], $0x4000  }
0xee: {  	[sflag:s16] =	ssyncset.done $0x0  }
0xef: {  	s9 =	rddreg [dreg:$0xe];
	[sflag:s16] =	ssyncadd.s32 $0xFFFFC000  }
0xf0: {  	[spmem:s3] =	stream.indirect.scatter.add.f32 [tilespmem:s14], [sflag:$0x3], $0x80, s9, s12, $0xb8;
	[tilespmem:$0x1CC00] =	vst v63  }
0xf1: {  	_ =	swait.ge [sflag:s10], $0x4000  }
0xf2: {  	[sflag:s10] =	ssyncset.done $0x0  }
0xf3: {  	s7 =	rddreg [dreg:$0xf];
	[sflag:s10] =	ssyncadd.s32 $0xFFFFC000  }
0xf4: {  	[tilespmem:s13], [sflag:$0x1] =	stream.indirect.gather [hbm4b:s0+s12], $0x80, s7, s12, $0xb8;
	[tilespmem:$0x1CC00] =	vst v63  }
0xf5: {  	s9 =	rddreg [dreg:$0x10]  }
0xf6: {  	[tilespmem:s14], [sflag:$0x2] =	stream.indirect.gather [hbm4b:s0+s12], $0x80, s9, s12, $0xb8;
	[tilespmem:$0x1CC00] =	vst v63  }
0xf7: {  	_ =	swait.ge [sflag:s15], $0x4000  }
0xf8: {  	[sflag:s15] =	ssyncset.done $0x0  }
0xf9: {  	s9 =	rddreg [dreg:$0x11];
	[sflag:s15] =	ssyncadd.s32 $0xFFFFC000  }
0xfa: {  	[spmem:s3] =	stream.indirect.scatter.add.f32 [tilespmem:s13], [sflag:$0x3], $0x80, s9, s12, $0xb8;
	[tilespmem:$0x1CC00] =	vst v63  }
0xfb: {  	_ =	swait.ge [sflag:s10], $0x4000  }
0xfc: {  	[sflag:s10] =	ssyncset.done $0x0  }
0xfd: {  	[sflag:s10] =	ssyncadd.s32 $0xFFFFC000  }
0xfe: {  	_ =	swait.ge [sflag:s16], $0x4000  }
0xff: {  	[sflag:s16] =	ssyncset.done $0x0  }
0x100: {  	[sflag:s16] =	ssyncadd.s32 $0xFFFFC000  }
0x101: {  	[spmem:s3] =	stream.indirect.scatter.add.f32 [tilespmem:s14], [sflag:$0x3], $0x80, s17, s12, $0xb8;
	[tilespmem:$0x1CC00] =	vst v63  }
0x102: {  	_ =	swait.ge [sflag:s10], $0x4000  }
0x103: {  	[sflag:s10] =	ssyncset.done $0x0  }
0x104: {  	[sflag:s10] =	ssyncadd.s32 $0xFFFFC000  }
0x105: {  	[tilespmem:s13], [sflag:$0x1] =	stream.indirect.gather [hbm4b:s0+s12], $0x80, s18, s12, $0xb8;
	[tilespmem:$0x1CC00] =	vst v63  }
0x106: {  	_ = 	snop  }
0x107: {  	[tilespmem:s14], [sflag:$0x2] =	stream.indirect.gather [hbm4b:s0+s12], $0x80, s19, s12, $0xb8;
	[tilespmem:$0x1CC00] =	vst v63  }
0x108: {  	_ =	swait.ge [sflag:s15], $0x4000  }
0x109: {  	[sflag:s15] =	ssyncset.done $0x0  }
0x10a: {  	[sflag:s15] =	ssyncadd.s32 $0xFFFFC000  }
0x10b: {  	[spmem:s3] =	stream.indirect.scatter.add.f32 [tilespmem:s13], [sflag:$0x3], $0x80, s20, s12, $0xb8;
	[tilespmem:$0x1CC00] =	vst v63  }
0x10c: {  	_ =	swait.ge [sflag:s10], $0x4000  }
0x10d: {  	[sflag:s10] =	ssyncset.done $0x0  }
0x10e: {  	[sflag:s10] =	ssyncadd.s32 $0xFFFFC000  }
0x10f: {  	_ =	swait.ge [sflag:s16], $0x4000  }
0x110: {  	[sflag:s16] =	ssyncset.done $0x0  }
0x111: {  	[sflag:s16] =	ssyncadd.s32 $0xFFFFC000  }
0x112: {  	[spmem:s3] =	stream.indirect.scatter.add.f32 [tilespmem:s14], [sflag:$0x3], $0x80, s21, s12, $0xb8;
	[tilespmem:$0x1CC00] =	vst v63  }
0x113: {  	_ =	swait.ge [sflag:s10], $0x4000  }
0x114: {  	[sflag:s10] =	ssyncset.done $0x0  }
0x115: {  	[sflag:s10] =	ssyncadd.s32 $0xFFFFC000  }
0x116: {  	[tilespmem:s13], [sflag:$0x1] =	stream.indirect.gather [hbm4b:s0+s12], $0x80, s22, s12, $0xb8;
	[tilespmem:$0x1CC00] =	vst v63  }
0x117: {  	_ = 	snop  }
0x118: {  	[tilespmem:s14], [sflag:$0x2] =	stream.indirect.gather [hbm4b:s0+s12], $0x80, s23, s12, $0xb8;
	[tilespmem:$0x1CC00] =	vst v63  }
0x119: {  	_ =	swait.ge [sflag:s15], $0x4000  }
0x11a: {  	[sflag:s15] =	ssyncset.done $0x0  }
0x11b: {  	[sflag:s15] =	ssyncadd.s32 $0xFFFFC000  }
0x11c: {  	[spmem:s3] =	stream.indirect.scatter.add.f32 [tilespmem:s13], [sflag:$0x3], $0x80, s24, s12, $0xb8;
	[tilespmem:$0x1CC00] =	vst v63  }
0x11d: {  	_ =	swait.ge [sflag:s10], $0x4000  }
0x11e: {  	[sflag:s10] =	ssyncset.done $0x0  }
0x11f: {  	[sflag:s10] =	ssyncadd.s32 $0xFFFFC000  }
0x120: {  	_ =	swait.ge [sflag:s16], $0x4000  }
0x121: {  	[sflag:s16] =	ssyncset.done $0x0  }
0x122: {  	[sflag:s16] =	ssyncadd.s32 $0xFFFFC000  }
0x123: {  	[spmem:s3] =	stream.indirect.scatter.add.f32 [tilespmem:s14], [sflag:$0x3], $0x80, s25, s12, $0xb8;
	[tilespmem:$0x1CC00] =	vst v63  }
0x124: {  	_ =	swait.ge [sflag:s10], $0x4000  }
0x125: {  	[sflag:s10] =	ssyncset.done $0x0  }
0x126: {  	[sflag:s10] =	ssyncadd.s32 $0xFFFFC000  }
0x127: {  	[tilespmem:s13], [sflag:$0x1] =	stream.indirect.gather [hbm4b:s0+s12], $0x80, s26, s12, $0xb8;
	[tilespmem:$0x1CC00] =	vst v63  }
0x128: {  	_ = 	snop  }
0x129: {  	[tilespmem:s14], [sflag:$0x2] =	stream.indirect.gather [hbm4b:s0+s12], $0x80, s28, s12, $0xb8;
	[tilespmem:$0x1CC00] =	vst v63  }
0x12a: {  	_ =	swait.ge [sflag:s15], $0x4000  }
0x12b: {  	[sflag:s15] =	ssyncset.done $0x0  }
0x12c: {  	[sflag:s15] =	ssyncadd.s32 $0xFFFFC000  }
0x12d: {  	[spmem:s3] =	stream.indirect.scatter.add.f32 [tilespmem:s13], [sflag:$0x3], $0x80, s29, s12, $0xb8;
	[tilespmem:$0x1CC00] =	vst v63  }
0x12e: {  	_ =	swait.ge [sflag:s10], $0x4000  }
0x12f: {  	[sflag:s10] =	ssyncset.done $0x0  }
0x130: {  	[sflag:s10] =	ssyncadd.s32 $0xFFFFC000  }
0x131: {  	_ =	swait.ge [sflag:s16], $0x4000  }
0x132: {  	[sflag:s16] =	ssyncset.done $0x0  }
0x133: {  	[sflag:s16] =	ssyncadd.s32 $0xFFFFC000  }
0x134: {  	[spmem:s3] =	stream.indirect.scatter.add.f32 [tilespmem:s14], [sflag:$0x3], $0x80, s30, s12, $0xb8;
	[tilespmem:$0x1CC00] =	vst v63  }
0x135: {  	_ =	swait.ge [sflag:s10], $0x4000  }
0x136: {  	[sflag:s10] =	ssyncset.done $0x0  }
0x137: {  	[sflag:s10] =	ssyncadd.s32 $0xFFFFC000  }
0x138: {  	[tilespmem:s13], [sflag:$0x1] =	stream.indirect.gather [hbm4b:s0+s12], $0x80, s31, s12, $0xb8;
	[tilespmem:$0x1CC00] =	vst v63  }
0x139: {  	_ = 	snop  }
0x13a: {  	[tilespmem:s14], [sflag:$0x2] =	stream.indirect.gather [hbm4b:s0+s12], $0x80, s1, s12, $0xb8;
	[tilespmem:$0x1CC00] =	vst v63  }
0x13b: {  	_ =	swait.ge [sflag:s15], $0x4000  }
0x13c: {  	[sflag:s15] =	ssyncset.done $0x0  }
0x13d: {  	[sflag:s15] =	ssyncadd.s32 $0xFFFFC000  }
0x13e: {  	[spmem:s3] =	stream.indirect.scatter.add.f32 [tilespmem:s13], [sflag:$0x3], $0x80, s2, s12, $0xb8;
	[tilespmem:$0x1CC00] =	vst v63  }
0x13f: {  	_ =	swait.ge [sflag:s10], $0x4000  }
0x140: {  	[sflag:s10] =	ssyncset.done $0x0  }
0x141: {  	[sflag:s10] =	ssyncadd.s32 $0xFFFFC000  }
0x142: {  	p0 =	sne.s32 s6, $0x400;
	_ =	swait.ge [sflag:s16], $0x4000  }
.Ltmp0:
0x143: {  	[sflag:s16] =	ssyncset.done $0x0;
	(pc) =	sbr.rel @p0 .LBB2_2-.Ltmp0, $4  }
0x144: {  	[sflag:s16] =	ssyncadd.s32 $0xFFFFC000  }
0x145: {  	[spmem:s3] =	stream.indirect.scatter.add.f32 [tilespmem:s14], [sflag:$0x3], $0x80, s5, s12, $0xb8;
	[tilespmem:$0x1CC00] =	vst v63  }
0x146: {  	_ =	swait.ge [sflag:s10], $0x4000  }
0x147: {  	s6 =	sadd.s32 $0x100, s6;
	s9 =	rddreg [dreg:$0x5];
	[sflag:s10] =	ssyncset.done $0x0  }
0x148: {  	[sflag:s10] =	ssyncadd.s32 $0xFFFFC000;
	s6 =	sadd.s32 s8, s9  }
0x149: {  	[tilespmem:s4], [sflag:$0x3] =	stream.linear.gather [hbm4b:s6+s4], $0x800, $0x38;
	[tilespmem:$0x1CC00] =	vst v63  }
0x14a: {  	_ =	swait.ge [sflag:s10], $0x800  }
0x14b: {  	s7 =	rddreg [dreg:$0x4];
	[sflag:s10] =	ssyncset.done $0x0  }
0x14c: {  	[sflag:s10] =	ssyncadd.s32 $0xFFFFF800;
	s6 =	sadd.s32 s8, s7  }
0x14d: {  	[tilespmem:s11], [sflag:$0x3] =	stream.linear.gather [hbm4b:s6+s4], $0x800, $0x38;
	[tilespmem:$0x1CC00] =	vst v63  }
0x14e: {  	_ =	swait.ge [sflag:s10], $0x800  }
0x14f: {  	[sflag:s10] =	ssyncset.done $0x0  }
0x150: {  	[sflag:s10] =	ssyncadd.s32 $0xFFFFF800  }
0x151: {  	[tilespmem:s13], [sflag:$0x1] =	stream.indirect.gather [hbm4b:s0+s12], $0x80, s4, s12, $0xb8;
	[tilespmem:$0x1CC00] =	vst v63  }
0x152: {  	_ = 	snop  }
0x153: {  	[tilespmem:s14], [sflag:$0x2] =	stream.indirect.gather [hbm4b:s0+s12], $0x80, s12, s12, $0xb8;
	[tilespmem:$0x1CC00] =	vst v63  }
0x154: {  	_ =	swait.ge [sflag:s15], $0x4000  }
0x155: {  	[sflag:s15] =	ssyncset.done $0x0  }
0x156: {  	[sflag:s15] =	ssyncadd.s32 $0xFFFFC000  }
0x157: {  	[spmem:s3] =	stream.indirect.scatter.add.f32 [tilespmem:s13], [sflag:$0x3], $0x80, s11, s12, $0xb8;
	[tilespmem:$0x1CC00] =	vst v63  }
0x158: {  	_ =	swait.ge [sflag:s10], $0x4000  }
0x159: {  	[sflag:s10] =	ssyncset.done $0x0  }
0x15a: {  	[sflag:s10] =	ssyncadd.s32 $0xFFFFC000  }
0x15b: {  	_ =	swait.ge [sflag:s16], $0x4000  }
0x15c: {  	[sflag:s16] =	ssyncset.done $0x0  }
0x15d: {  	s8 =	rddreg [dreg:$0x6];
	[sflag:s16] =	ssyncadd.s32 $0xFFFFC000  }
0x15e: {  	[spmem:s3] =	stream.indirect.scatter.add.f32 [tilespmem:s14], [sflag:$0x3], $0x80, s8, s12, $0xb8;
	[tilespmem:$0x1CC00] =	vst v63  }
0x15f: {  	_ =	swait.ge [sflag:s10], $0x4000  }
0x160: {  	[sflag:s10] =	ssyncset.done $0x0  }
0x161: {  	s9 =	rddreg [dreg:$0x7];
	[sflag:s10] =	ssyncadd.s32 $0xFFFFC000  }
0x162: {  	[tilespmem:s13], [sflag:$0x1] =	stream.indirect.gather [hbm4b:s0+s12], $0x80, s9, s12, $0xb8;
	[tilespmem:$0x1CC00] =	vst v63  }
0x163: {  	s7 =	rddreg [dreg:$0x8]  }
0x164: {  	[tilespmem:s14], [sflag:$0x2] =	stream.indirect.gather [hbm4b:s0+s12], $0x80, s7, s12, $0xb8;
	[tilespmem:$0x1CC00] =	vst v63  }
0x165: {  	_ =	swait.ge [sflag:s15], $0x4000  }
0x166: {  	[sflag:s15] =	ssyncset.done $0x0  }
0x167: {  	s8 =	rddreg [dreg:$0x9];
	[sflag:s15] =	ssyncadd.s32 $0xFFFFC000  }
0x168: {  	[spmem:s3] =	stream.indirect.scatter.add.f32 [tilespmem:s13], [sflag:$0x3], $0x80, s8, s12, $0xb8;
	[tilespmem:$0x1CC00] =	vst v63  }
0x169: {  	_ =	swait.ge [sflag:s10], $0x4000  }
0x16a: {  	[sflag:s10] =	ssyncset.done $0x0  }
0x16b: {  	[sflag:s10] =	ssyncadd.s32 $0xFFFFC000  }
0x16c: {  	_ =	swait.ge [sflag:s16], $0x4000  }
0x16d: {  	[sflag:s16] =	ssyncset.done $0x0  }
0x16e: {  	s9 =	rddreg [dreg:$0xa];
	[sflag:s16] =	ssyncadd.s32 $0xFFFFC000  }
0x16f: {  	[spmem:s3] =	stream.indirect.scatter.add.f32 [tilespmem:s14], [sflag:$0x3], $0x80, s9, s12, $0xb8;
	[tilespmem:$0x1CC00] =	vst v63  }
0x170: {  	_ =	swait.ge [sflag:s10], $0x4000  }
0x171: {  	[sflag:s10] =	ssyncset.done $0x0  }
0x172: {  	s7 =	rddreg [dreg:$0xb];
	[sflag:s10] =	ssyncadd.s32 $0xFFFFC000  }
0x173: {  	[tilespmem:s13], [sflag:$0x1] =	stream.indirect.gather [hbm4b:s0+s12], $0x80, s7, s12, $0xb8;
	[tilespmem:$0x1CC00] =	vst v63  }
0x174: {  	s8 =	rddreg [dreg:$0xc]  }
0x175: {  	[tilespmem:s14], [sflag:$0x2] =	stream.indirect.gather [hbm4b:s0+s12], $0x80, s8, s12, $0xb8;
	[tilespmem:$0x1CC00] =	vst v63  }
0x176: {  	_ =	swait.ge [sflag:s15], $0x4000  }
0x177: {  	[sflag:s15] =	ssyncset.done $0x0  }
0x178: {  	s9 =	rddreg [dreg:$0xd];
	[sflag:s15] =	ssyncadd.s32 $0xFFFFC000  }
0x179: {  	[spmem:s3] =	stream.indirect.scatter.add.f32 [tilespmem:s13], [sflag:$0x3], $0x80, s9, s12, $0xb8;
	[tilespmem:$0x1CC00] =	vst v63  }
0x17a: {  	_ =	swait.ge [sflag:s10], $0x4000  }
0x17b: {  	[sflag:s10] =	ssyncset.done $0x0  }
0x17c: {  	[sflag:s10] =	ssyncadd.s32 $0xFFFFC000  }
0x17d: {  	_ =	swait.ge [sflag:s16], $0x4000  }
0x17e: {  	[sflag:s16] =	ssyncset.done $0x0  }
0x17f: {  	s7 =	rddreg [dreg:$0xe];
	[sflag:s16] =	ssyncadd.s32 $0xFFFFC000  }
0x180: {  	[spmem:s3] =	stream.indirect.scatter.add.f32 [tilespmem:s14], [sflag:$0x3], $0x80, s7, s12, $0xb8;
	[tilespmem:$0x1CC00] =	vst v63  }
0x181: {  	_ =	swait.ge [sflag:s10], $0x4000  }
0x182: {  	[sflag:s10] =	ssyncset.done $0x0  }
0x183: {  	s8 =	rddreg [dreg:$0xf];
	[sflag:s10] =	ssyncadd.s32 $0xFFFFC000  }
0x184: {  	[tilespmem:s13], [sflag:$0x1] =	stream.indirect.gather [hbm4b:s0+s12], $0x80, s8, s12, $0xb8;
	[tilespmem:$0x1CC00] =	vst v63  }
0x185: {  	s9 =	rddreg [dreg:$0x10]  }
0x186: {  	[tilespmem:s14], [sflag:$0x2] =	stream.indirect.gather [hbm4b:s0+s12], $0x80, s9, s12, $0xb8;
	[tilespmem:$0x1CC00] =	vst v63  }
0x187: {  	_ =	swait.ge [sflag:s15], $0x4000  }
0x188: {  	[sflag:s15] =	ssyncset.done $0x0  }
0x189: {  	s8 =	rddreg [dreg:$0x11];
	[sflag:s15] =	ssyncadd.s32 $0xFFFFC000  }
0x18a: {  	[spmem:s3] =	stream.indirect.scatter.add.f32 [tilespmem:s13], [sflag:$0x3], $0x80, s8, s12, $0xb8;
	[tilespmem:$0x1CC00] =	vst v63  }
0x18b: {  	_ =	swait.ge [sflag:s10], $0x4000  }
0x18c: {  	[sflag:s10] =	ssyncset.done $0x0  }
0x18d: {  	[sflag:s10] =	ssyncadd.s32 $0xFFFFC000  }
0x18e: {  	_ =	swait.ge [sflag:s16], $0x4000  }
0x18f: {  	[sflag:s16] =	ssyncset.done $0x0  }
0x190: {  	[sflag:s16] =	ssyncadd.s32 $0xFFFFC000  }
0x191: {  	[spmem:s3] =	stream.indirect.scatter.add.f32 [tilespmem:s14], [sflag:$0x3], $0x80, s17, s12, $0xb8;
	[tilespmem:$0x1CC00] =	vst v63  }
0x192: {  	_ =	swait.ge [sflag:s10], $0x4000  }
0x193: {  	[sflag:s10] =	ssyncset.done $0x0  }
0x194: {  	[sflag:s10] =	ssyncadd.s32 $0xFFFFC000  }
0x195: {  	[tilespmem:s13], [sflag:$0x1] =	stream.indirect.gather [hbm4b:s0+s12], $0x80, s18, s12, $0xb8;
	[tilespmem:$0x1CC00] =	vst v63  }
0x196: {  	_ = 	snop  }
0x197: {  	[tilespmem:s14], [sflag:$0x2] =	stream.indirect.gather [hbm4b:s0+s12], $0x80, s19, s12, $0xb8;
	[tilespmem:$0x1CC00] =	vst v63  }
0x198: {  	_ =	swait.ge [sflag:s15], $0x4000  }
0x199: {  	[sflag:s15] =	ssyncset.done $0x0  }
0x19a: {  	[sflag:s15] =	ssyncadd.s32 $0xFFFFC000  }
0x19b: {  	[spmem:s3] =	stream.indirect.scatter.add.f32 [tilespmem:s13], [sflag:$0x3], $0x80, s20, s12, $0xb8;
	[tilespmem:$0x1CC00] =	vst v63  }
0x19c: {  	_ =	swait.ge [sflag:s10], $0x4000  }
0x19d: {  	[sflag:s10] =	ssyncset.done $0x0  }
0x19e: {  	[sflag:s10] =	ssyncadd.s32 $0xFFFFC000  }
0x19f: {  	_ =	swait.ge [sflag:s16], $0x4000  }
0x1a0: {  	[sflag:s16] =	ssyncset.done $0x0  }
0x1a1: {  	[sflag:s16] =	ssyncadd.s32 $0xFFFFC000  }
0x1a2: {  	[spmem:s3] =	stream.indirect.scatter.add.f32 [tilespmem:s14], [sflag:$0x3], $0x80, s21, s12, $0xb8;
	[tilespmem:$0x1CC00] =	vst v63  }
0x1a3: {  	_ =	swait.ge [sflag:s10], $0x4000  }
0x1a4: {  	[sflag:s10] =	ssyncset.done $0x0  }
0x1a5: {  	[sflag:s10] =	ssyncadd.s32 $0xFFFFC000  }
0x1a6: {  	[tilespmem:s13], [sflag:$0x1] =	stream.indirect.gather [hbm4b:s0+s12], $0x80, s22, s12, $0xb8;
	[tilespmem:$0x1CC00] =	vst v63  }
0x1a7: {  	_ = 	snop  }
0x1a8: {  	[tilespmem:s14], [sflag:$0x2] =	stream.indirect.gather [hbm4b:s0+s12], $0x80, s23, s12, $0xb8;
	[tilespmem:$0x1CC00] =	vst v63  }
0x1a9: {  	_ =	swait.ge [sflag:s15], $0x4000  }
0x1aa: {  	[sflag:s15] =	ssyncset.done $0x0  }
0x1ab: {  	[sflag:s15] =	ssyncadd.s32 $0xFFFFC000  }
0x1ac: {  	[spmem:s3] =	stream.indirect.scatter.add.f32 [tilespmem:s13], [sflag:$0x3], $0x80, s24, s12, $0xb8;
	[tilespmem:$0x1CC00] =	vst v63  }
0x1ad: {  	_ =	swait.ge [sflag:s10], $0x4000  }
0x1ae: {  	[sflag:s10] =	ssyncset.done $0x0  }
0x1af: {  	[sflag:s10] =	ssyncadd.s32 $0xFFFFC000  }
0x1b0: {  	_ =	swait.ge [sflag:s16], $0x4000  }
0x1b1: {  	[sflag:s16] =	ssyncset.done $0x0  }
0x1b2: {  	[sflag:s16] =	ssyncadd.s32 $0xFFFFC000  }
0x1b3: {  	[spmem:s3] =	stream.indirect.scatter.add.f32 [tilespmem:s14], [sflag:$0x3], $0x80, s25, s12, $0xb8;
	[tilespmem:$0x1CC00] =	vst v63  }
0x1b4: {  	_ =	swait.ge [sflag:s10], $0x4000  }
0x1b5: {  	[sflag:s10] =	ssyncset.done $0x0  }
0x1b6: {  	[sflag:s10] =	ssyncadd.s32 $0xFFFFC000  }
0x1b7: {  	[tilespmem:s13], [sflag:$0x1] =	stream.indirect.gather [hbm4b:s0+s12], $0x80, s26, s12, $0xb8;
	[tilespmem:$0x1CC00] =	vst v63  }
0x1b8: {  	_ = 	snop  }
0x1b9: {  	[tilespmem:s14], [sflag:$0x2] =	stream.indirect.gather [hbm4b:s0+s12], $0x80, s28, s12, $0xb8;
	[tilespmem:$0x1CC00] =	vst v63  }
0x1ba: {  	_ =	swait.ge [sflag:s15], $0x4000  }
0x1bb: {  	[sflag:s15] =	ssyncset.done $0x0  }
0x1bc: {  	[sflag:s15] =	ssyncadd.s32 $0xFFFFC000  }
0x1bd: {  	[spmem:s3] =	stream.indirect.scatter.add.f32 [tilespmem:s13], [sflag:$0x3], $0x80, s29, s12, $0xb8;
	[tilespmem:$0x1CC00] =	vst v63  }
0x1be: {  	_ =	swait.ge [sflag:s10], $0x4000  }
0x1bf: {  	[sflag:s10] =	ssyncset.done $0x0  }
0x1c0: {  	[sflag:s10] =	ssyncadd.s32 $0xFFFFC000  }
0x1c1: {  	_ =	swait.ge [sflag:s16], $0x4000  }
0x1c2: {  	[sflag:s16] =	ssyncset.done $0x0  }
0x1c3: {  	[sflag:s16] =	ssyncadd.s32 $0xFFFFC000  }
0x1c4: {  	[spmem:s3] =	stream.indirect.scatter.add.f32 [tilespmem:s14], [sflag:$0x3], $0x80, s30, s12, $0xb8;
	[tilespmem:$0x1CC00] =	vst v63  }
0x1c5: {  	_ =	swait.ge [sflag:s10], $0x4000  }
0x1c6: {  	[sflag:s10] =	ssyncset.done $0x0  }
0x1c7: {  	[sflag:s10] =	ssyncadd.s32 $0xFFFFC000  }
0x1c8: {  	[tilespmem:s13], [sflag:$0x1] =	stream.indirect.gather [hbm4b:s0+s12], $0x80, s31, s12, $0xb8;
	[tilespmem:$0x1CC00] =	vst v63  }
0x1c9: {  	_ = 	snop  }
0x1ca: {  	[tilespmem:s14], [sflag:$0x2] =	stream.indirect.gather [hbm4b:s0+s12], $0x80, s1, s12, $0xb8;
	[tilespmem:$0x1CC00] =	vst v63  }
0x1cb: {  	_ =	swait.ge [sflag:s15], $0x4000  }
0x1cc: {  	[sflag:s15] =	ssyncset.done $0x0  }
0x1cd: {  	[sflag:s15] =	ssyncadd.s32 $0xFFFFC000  }
0x1ce: {  	[spmem:s3] =	stream.indirect.scatter.add.f32 [tilespmem:s13], [sflag:$0x3], $0x80, s2, s12, $0xb8;
	[tilespmem:$0x1CC00] =	vst v63  }
0x1cf: {  	_ =	swait.ge [sflag:s10], $0x4000  }
0x1d0: {  	[sflag:s10] =	ssyncset.done $0x0  }
0x1d1: {  	[sflag:s10] =	ssyncadd.s32 $0xFFFFC000  }
0x1d2: {  	_ =	swait.ge [sflag:s16], $0x4000  }
0x1d3: {  	[sflag:s16] =	ssyncset.done $0x0  }
0x1d4: {  	[sflag:s16] =	ssyncadd.s32 $0xFFFFC000  }
0x1d5: {  	[spmem:s3] =	stream.indirect.scatter.add.f32 [tilespmem:s14], [sflag:$0x3], $0x80, s5, s12, $0xb8;
	[tilespmem:$0x1CC00] =	vst v63  }
0x1d6: {  	_ =	swait.ge [sflag:s10], $0x4000  }
0x1d7: {  	[sflag:s10] =	ssyncset.done $0x0  }
0x1d8: {  	[sflag:s10] =	ssyncadd.s32 $0xFFFFC000  }
0x1d9: {  	[bflag:$0x0] =	sbarrier.arrive $0xFFFF  }
0x1da: {  	s7 =	rddreg [dreg:$0x13]  }
0x1db: {  	s9 =	rddreg [dreg:$0x14]  }
0x1dc: {  	s8 =	rddreg [dreg:$0x16]  }
0x1dd: {  	[hbm:s9], [sflag:s7] =	dma.local [spmem:s8], $0x2780  }
0x1de: {  	_ =	swait.ge [sflag:s10], $0x2780  }
0x1df: {  	s6 =	rddreg [dreg:$0x17]  }
0x1e0: {  	s9 =	sadd.s32 $0x1, s6;
	s6 =	rddreg [dreg:$0x15]  }
0x1e1: {  	p0 =	sne.s32 s9, s6  }
.Ltmp1:
0x1e2: {  	_ = 	snop;
	(pc) =	sbr.rel @p0 .LBB2_1-.Ltmp1, $3  }
0x1e3: {  	_ =	sdelay $0x1  }
0x1e4: {  	[sflag:s10] =	ssyncset.done $0x0  }
0x1e5: {  	[sflag:s10] =	ssyncadd.s32 $0xFFFFD880  }
0x1e6: {  	_ =	sfence.sel $0x180000  }
0x1e7: {  	[bflag:$0x0] =	sbarrier.arrive $0xFFFF  }
0x1e8: {  	_ =	strace $0x9000004A  }
0x1e9: {  	s0 =	stileid.u32;
	[bflag:$0x2] =	sbarrier.arrive $0xFFFF  }
0x1ea: {  	p0 =	sne.s32 s0, $0x0;
	s0 =	rddreg [dreg:$0x3]  }
0x1eb: {  	s0 =	sadd.s32 @!p0 $0x100000, s0  }
0x1ec: {  	[sflag:s0] =	ssyncadd.tile.s32 @!p0 $0x1;
	_ =	shalt  }
.Lfunc_end2:
_tile_overlayer_lowered:
.L_overlay_start_2:
0x1ed: {  	(tag) =	ssettag $0x2  }
0x1ee: {  	s0 =	rddreg [dreg:$0x0];
	s2 =	stileid.u32  }
0x1ef: {  	s1 =	rddreg [dreg:$0x1];
	p0 =	sne.s32 s2, $0x0  }
0x1f0: {  	s3 =	rddreg [dreg:$0x2];
	[bflag:$0x3] =	sbarrier.arrive $0xFFFF;
	s2 =	simm.s32 @!p0 $0x1C03  }
0x1f1: {  	[timem:s3], [sflag:s2] =	dma.local @!p0 [hbm:s0], s1  }
0x1f2: {  	s0 =	simm.s32 @!p0 $0x3  }
0x1f3: {  	_ =	swait.ge @!p0 [sflag:s0], s1  }
0x1f4: {  	s1 =	ssub.s32 @!p0 $0x0, s1;
	[sflag:s0] =	ssyncset.done @!p0 $0x0  }
0x1f5: {  	[sflag:s0] =	ssyncadd.s32 @!p0 s1  }
0x1f6: {  	[bflag:$0x3] =	sbarrier.arrive $0xFFFF  }
0x1f7: {  	_ =	shalt  }

// kernel: kernel.15.cloned.1.call-start
scs
__scs_entry_jumppad:
0x0: {  	(pc) =	sbr.rel $0x88, $3  }
0x1: {  	(tag) =	ssettag $0x0;
	lr =	simm.s32 $0x1  }
0x2: {  	[smem:$0x3F9B] =	sst lr;
	_ =	strace $0xD0000000  }
0x3: {  	_ = 	snop  }
0x4: {  	_ = 	snop  }
0x5: {  	_ = 	snop  }
0x6: {  	_ = 	snop  }
0x7: {  	_ = 	snop  }
__scs_overlays_trampoline_lowered:
0x8: {  	[smem:$0x3FAA] =	sst s0  }
0x9: {  	[smem:$0x3FAB] =	sst s1  }
0xa: {  	[smem:$0x3FAC] =	sst s2  }
0xb: {  	[smem:$0x3FAD] =	sst s3  }
0xc: {  	[smem:$0x3FAE] =	sst s4  }
0xd: {  	[smem:$0x3FAF] =	sst s5  }
0xe: {  	[smem:$0x3FB0] =	sst s6  }
0xf: {  	[smem:$0x3FB1] =	sst s7  }
0x10: {  	[smem:$0x3FB2] =	sst s8  }
0x11: {  	[smem:$0x3FB3] =	sst s9;
	s0 =	simm.s32 @!p0 $0x0  }
0x12: {  	s1 =	sld [smem:$0x3F99];
	s0 =	simm.s32 @p0 $0x1  }
0x13: {  	[smem:$0x3FB4] =	sst s0;
	s0 =	simm.s32 @!p1 $0x0  }
0x14: {  	s2 =	sld [smem:$0x3F98];
	s0 =	simm.s32 @p1 $0x1  }
0x15: {  	[smem:$0x3FB5] =	sst s0;
	s0 =	simm.s32 @!p2 $0x0  }
0x16: {  	s3 =	sld [smem:$0x3FDB];
	s0 =	simm.s32 @p2 $0x1  }
0x17: {  	s4 =	simm.s32 $0x1BF5;
	[smem:$0x3FB7] =	sst s0  }
0x18: {  	s0 =	sld [smem:$0x3F9A];
	_ =	swait.ge [sflag:s4], $0x0  }
0x19: {  	s7 =	sld [smem:$0x3F9B]  }
0x1a: {  	s8 =	sadd.s32 $0xFFFFE003, lr  }
0x1b: {  	s9 =	sadd.s32 $0xFFFFFEF7, lr;
	s5 =	simm.s32 $0xFFFFFFFF;
	p2 =	slt.u32 s8, $0xFFFFF086  }
0x1c: {  	p1 =	slt.u32 s9, $0xF7A;
	s5 =	simm.s32 @!p2 $0x0  }
0x1d: {  	s5 =	simm.s32 @p1 $0x1;
	p0 =	seq.s32 s7, s2  }
0x1e: {  	s7 =	smul.u32 @!p0 $0xF7A, s2;
	p2 =	seq.s32 @!p0 s5, $0x0  }
0x1f: {  	s9 =	smul.u32 $0xF7A, s1;
	s8 =	simm.s32 @!p0 $0x1BF5;
	p2 =	por !p2, p0  }
0x20: {  	[sflag:s8] =	ssyncset.s32 @!p0 $0xFFFFF086;
	s6 =	sadd.s32 @!p0 s3, s7;
	s7 =	simm.s32 @!p0 $0x108  }
0x21: {  	s3 =	sadd.s32 s3, s9;
	s6 =	sadd.s32 @!p0 $0x88, s6;
	s7 =	simm.s32 @p2 $0x1082  }
0x22: {  	[simem:s7], [sflag:s8] =	dma.local @!p0 [hbm:s6], $0xF7A  }
0x23: {  	s9 =	sor.u32 $0xD0000000, s2;
	s6 =	simm.s32 $0x108;
	_ =	swait.ge @!p0 [sflag:s8], $0x0  }
0x24: {  	s3 =	sadd.s32 $0x88, s3;
	s6 =	simm.s32 @!p1 $0x1082;
	[sflag:s4] =	ssyncset.s32 $0xFFFFF086  }
0x25: {  	[simem:s6], [sflag:s4] =	dma.local [hbm:s3], $0xF7A  }
0x26: {  	[smem:$0x3F9B] =	sst s1;
	(tag) =	ssettag s2;
	_ =	strace s9  }
0x27: {  	s1 =	sld [smem:$0x3FAB]  }
0x28: {  	s2 =	sld [smem:$0x3FAC]  }
0x29: {  	s4 =	sld [smem:$0x3FAE]  }
0x2a: {  	p0 =	seq.s32 s5, $0x0;
	s5 =	sld [smem:$0x3FAF]  }
0x2b: {  	s6 =	sld [smem:$0x3FB0]  }
0x2c: {  	s7 =	sld [smem:$0x3FB1]  }
0x2d: {  	s3 =	simm.s32 $0x108;
	s8 =	sld [smem:$0x3FB2]  }
0x2e: {  	s3 =	simm.s32 @!p0 $0x1082;
	s9 =	sld [smem:$0x3FB3]  }
0x2f: {  	lr =	sadd.s32 s0, s3;
	s0 =	sld [smem:$0x3FAA]  }
0x30: {  	s3 =	sld [smem:$0x3FAD]  }
0x31: {  	[smem:$0x3FB6] =	sst s10  }
0x32: {  	s10 =	sld [smem:$0x3FB4];
	_ =	sdelay $0x3  }
0x33: {  	p0 =	seq.s32 s10, $0x1;
	s10 =	sld [smem:$0x3FB6];
	_ =	sdelay $0x3  }
0x34: {  	[smem:$0x3FB6] =	sst s10  }
0x35: {  	s10 =	sld [smem:$0x3FB5];
	_ =	sdelay $0x3  }
0x36: {  	p1 =	seq.s32 s10, $0x1;
	s10 =	sld [smem:$0x3FB6];
	_ =	sdelay $0x3  }
0x37: {  	[smem:$0x3FB6] =	sst s10  }
0x38: {  	s10 =	sld [smem:$0x3FB7]  }
0x39: {  	_ = 	snop;
	(pc) =	sbr.ind lr, $3  }
0x3a: {  	_ = 	snop  }
0x3b: {  	_ = 	snop  }
0x3c: {  	p2 =	seq.s32 s10, $0x1;
	s10 =	sld [smem:$0x3FB6]  }
0x3d: {  	_ =	shalt  }
0x3e: {  	_ =	shalt  }
0x3f: {  	_ =	shalt  }
0x40: {  	_ =	shalt  }
0x41: {  	_ =	shalt  }
0x42: {  	_ =	shalt  }
0x43: {  	_ =	shalt  }
0x44: {  	_ =	shalt  }
0x45: {  	_ =	shalt  }
0x46: {  	_ =	shalt  }
0x47: {  	_ =	shalt  }
0x48: {  	_ =	shalt  }
0x49: {  	_ =	shalt  }
0x4a: {  	_ =	shalt  }
0x4b: {  	_ =	shalt  }
0x4c: {  	_ =	shalt  }
0x4d: {  	_ =	shalt  }
0x4e: {  	_ =	shalt  }
0x4f: {  	_ =	shalt  }
0x50: {  	_ =	shalt  }
0x51: {  	_ =	shalt  }
0x52: {  	_ =	shalt  }
0x53: {  	_ =	shalt  }
0x54: {  	_ =	shalt  }
0x55: {  	_ =	shalt  }
0x56: {  	_ =	shalt  }
0x57: {  	_ =	shalt  }
0x58: {  	_ =	shalt  }
0x59: {  	_ =	shalt  }
0x5a: {  	_ =	shalt  }
0x5b: {  	_ =	shalt  }
0x5c: {  	_ =	shalt  }
0x5d: {  	_ =	shalt  }
0x5e: {  	_ =	shalt  }
0x5f: {  	_ =	shalt  }
0x60: {  	_ =	shalt  }
0x61: {  	_ =	shalt  }
0x62: {  	_ =	shalt  }
0x63: {  	_ =	shalt  }
0x64: {  	_ =	shalt  }
0x65: {  	_ =	shalt  }
0x66: {  	_ =	shalt  }
0x67: {  	_ =	shalt  }
0x68: {  	_ =	shalt  }
0x69: {  	_ =	shalt  }
0x6a: {  	_ =	shalt  }
0x6b: {  	_ =	shalt  }
0x6c: {  	_ =	shalt  }
0x6d: {  	_ =	shalt  }
0x6e: {  	_ =	shalt  }
0x6f: {  	_ =	shalt  }
0x70: {  	_ =	shalt  }
0x71: {  	_ =	shalt  }
0x72: {  	_ =	shalt  }
0x73: {  	_ =	shalt  }
0x74: {  	_ =	shalt  }
0x75: {  	_ =	shalt  }
0x76: {  	_ =	shalt  }
0x77: {  	_ =	shalt  }
0x78: {  	_ =	shalt  }
0x79: {  	_ =	shalt  }
0x7a: {  	_ =	shalt  }
0x7b: {  	_ =	shalt  }
0x7c: {  	_ =	shalt  }
0x7d: {  	_ =	shalt  }
0x7e: {  	_ =	shalt  }
0x7f: {  	_ =	shalt  }
0x80: {  	_ =	shalt  }
0x81: {  	_ =	shalt  }
0x82: {  	_ =	shalt  }
0x83: {  	_ =	shalt  }
0x84: {  	_ =	shalt  }
0x85: {  	_ =	shalt  }
0x86: {  	_ =	shalt  }
0x87: {  	_ =	shalt  }
.Lfunc_end0:
.L_simem_size_0:
called_computation.2_lowered:
.L_overlay_start_0:
0x88: {  	s2 =	sld [smem:$0x3FD9]  }
0x89: {  	s3 =	sld [smem:$0x3FFE];
	_ =	sdelay $0x1  }
0x8a: {  	s1 =	srdreg.scid  }
0x8b: {  	s0 =	sand.u32 $0x1, s1  }
0x8c: {  	s17 =	sshll.u32 s0, $0xA;
	s2 =	sadd.s32 s3, s2  }
0x8d: {  	s2 =	sadd.s32 s2, s17  }
0x8e: {  	[smem:$0x3FC2] =	sst s2  }
0x8f: {  	_ = 	snop  }
0x90: {  	s2 =	sld [smem:$0x3FD0];
	(tm) =	ssettm $0x1  }
0x91: {  	s18 =	sld [smem:$0x3FFB];
	_ =	sdelay $0x3  }
0x92: {  	_ =	strace s18  }
0x93: {  	s3 =	sld [smem:$0x3FFC];
	_ =	sdelay $0x3  }
0x94: {  	_ =	strace s3  }
0x95: {  	s3 =	sld [smem:$0x3FFD];
	_ =	sdelay $0x3  }
0x96: {  	_ =	strace s3  }
0x97: {  	_ =	strace $0x8FFFFFFF  }
0x98: {  	s19 =	sld [smem:$0x3FDB];
	_ =	sdelay $0x1  }
0x99: {  	s4 =	simm.s32 $_scs_section_size  }
0x9a: {  	s5 =	simm.s32 $_size__tile_overlayer_lowered;
	s6 =	simm.s32 $_tile_overlayer_lowered  }
0x9b: {  	s22 =	simm.s32 $0x1BFF;
	s21 =	sshll.u32 s6, $0x1;
	s3 =	sadd.s32 s4, s19  }
0x9c: {  	s7 =	simm.s32 $0x0;
	s20 =	sshll.u32 s5, $0x1;
	s5 =	sadd.s32 s21, s3  }
0x9d: {  	[timem:s7], [sflag:s22] =	dma.local [hbm:s5], s20  }
0x9e: {  	_ =	swait.ge [sflag:s22], s20  }
0x9f: {  	s4 =	ssub.s32 $0x0, s20;
	[sflag:s22] =	ssyncset.done $0x0  }
0xa0: {  	[sflag:s22] =	ssyncadd.s32 s4;
	_ =	sdelay $0x1  }
0xa1: {  	s23 =	simm.s32 $0x1B8B  }
0xa2: {  	_ =	swait.ge [sflag:s23], $0x1  }
0xa3: {  	[sflag:s23] =	ssyncset.done $0x0  }
0xa4: {  	s25 =	simm.s32 $0x1B8E;
	s24 =	sld [smem:$0x3FFE];
	[sflag:s23] =	ssyncadd.s32 $0xFFFFFFFF  }
0xa5: {  	s26 =	simm.s32 $execute0_lowered;
	[smem:$0x3FD2] =	sst s25  }
0xa6: {  	s5 =	sshll.u32 s26, $0x1;
	_ =	strace $0x8000004C;
	[dreg:$0x1] =	wrdreg $0xFFFFFFFF  }
0xa7: {  	s28 =	simm.s32 $_size_execute0_lowered;
	s3 =	sadd.s32 s3, s5;
	[dreg:$0x0] =	wrdreg $0x0  }
0xa8: {  	s5 =	sshll.u32 s28, $0x1;
	[dreg:$0x2] =	wrdreg s3  }
0xa9: {  	[dreg:$0x3] =	wrdreg s5  }
0xaa: {  	[dreg:$0x4] =	wrdreg $0xC0  }
0xab: {  	_ =	task [dreg:s7], $0x5FFFF  }
0xac: {  	[dreg:$0x1] =	wrdreg $0xFFFFFFFF  }
0xad: {  	[dreg:$0x0] =	wrdreg $0x60  }
0xae: {  	[dreg:$0x2] =	wrdreg s2  }
0xaf: {  	[dreg:$0x3] =	wrdreg s24  }
0xb0: {  	[dreg:$0x4] =	wrdreg $0x90000  }
0xb1: {  	[dreg:$0x5] =	wrdreg $0x9  }
0xb2: {  	_ =	task.clear_ibuf [dreg:s7], $0x6FFFF;
	_ =	strace $0x9000004C  }
0xb3: {  	s29 =	simm.s32 $0x9;
	_ =	strace $0x8000004E  }
0xb4: {  	_ =	swait.ge [sflag:s29], $0x1  }
0xb5: {  	[sflag:s29] =	ssyncadd.s32 $0xFFFFFFFF  }
0xb6: {  	_ =	strace $0x9000004E  }
0xb7: {  	_ =	sfence  }
0xb8: {  	s30 =	sld [smem:$0x0];
	_ =	sdelay $0x2  }
0xb9: {  	s31 =	sshll.u32 s1, $0xD;
	s1 =	sshrl.u32 s1, $0x2  }
0xba: {  	s3 =	sand.u32 $0x4000, s31;
	s1 =	sadd.s32 s1, s30  }
0xbb: {  	s0 =	sor.u32 s3, s0;
	s1 =	sshll.u32 s1, $0x11  }
0xbc: {  	s0 =	sor.u32 s1, s0  }
0xbd: {  	s0 =	sadd.s32 $0x8F2B, s0  }
0xbe: {  	[sflag:s0] =	ssyncadd.remote.s32 $0x1  }
0xbf: {  	_ =	sfence.sel $0xFFFF  }
0xc0: {  	[dreg:$0x0] =	wrdreg $0xFFFFFFFF;
	(pc) =	sbr.abs _section_cstart, $3  }
0xc1: {  	[dreg:$0x1] =	wrdreg $0xFFFFFFFF  }
0xc2: {  	_ =	task.clear_ibuf [dreg:s7], $0x2FFFF;
	_ =	strace $0x9FFFFFFF  }
0xc3: {  	(tm) =	ssettm $0x7FFFFFFF  }
tec
execute0_lowered:
.L_overlay_start_1:
0x0: {  	(tag) =	ssettag $0x1  }
0x1: {  	s0 =	rddreg [dreg:$0x0]  }
0x2: {  	s1 =	rddreg [dreg:$0x1]  }
0x3: {  	s2 =	srdreg.scid;
	s3 =	rddreg [dreg:$0x2]  }
0x4: {  	s9 =	stileid.u32;
	s4 =	simm.s32 $0x0;
	s14 =	simm.s32 $0x880  }
0x5: {  	s15 =	simm.s32 $0x100;
	[smem:$0x7FF] =	sst s4;
	s8 =	sadd.s32 $0xC800, s1  }
0x6: {  	s17 =	simm.s32 $0x180;
	_ =	strace $0x8000004D;
	[dreg:$0x12] =	wrdreg s8  }
0x7: {  	s18 =	simm.s32 $0x900;
	s19 =	simm.s32 $0x980;
	[dreg:$0x6] =	wrdreg s14  }
0x8: {  	s20 =	simm.s32 $0x200;
	s21 =	simm.s32 $0x280;
	[dreg:$0x7] =	wrdreg s15  }
0x9: {  	s22 =	simm.s32 $0xA00;
	s23 =	simm.s32 $0xA80;
	[dreg:$0x8] =	wrdreg s17  }
0xa: {  	s24 =	simm.s32 $0x300;
	s25 =	simm.s32 $0x380;
	[dreg:$0x9] =	wrdreg s18  }
0xb: {  	s28 =	simm.s32 $0x680;
	s29 =	simm.s32 $0xE00;
	[dreg:$0xa] =	wrdreg s19  }
0xc: {  	s30 =	simm.s32 $0xE80;
	s6 =	smul.u32 $0x13C00, s9;
	[dreg:$0xb] =	wrdreg s20  }
0xd: {  	s31 =	simm.s32 $0x700;
	s26 =	smul.u32 $0x500, s9;
	[dreg:$0xc] =	wrdreg s21  }
0xe: {  	s2 =	sand.u32 $0x1, s2;
	s11 =	smul.u32 $0x4F000, s9;
	[dreg:$0xd] =	wrdreg s22  }
0xf: {  	s16 =	sshll.u32 s9, $0x6;
	s5 =	smul.u32 $0x13C000, s2;
	[dreg:$0xe] =	wrdreg s23  }
0x10: {  	s9 =	simm.s32 $0x0;
	s7 =	smul.u32 $0x5000, s2;
	[dreg:$0xf] =	wrdreg s24  }
0x11: {  	s2 =	ssub.s32 $0x2, s2;
	s14 =	simm.s32 $0x5000;
	[dreg:$0x10] =	wrdreg s25  }
0x12: {  	s15 =	simm.s32 $0x1;
	s17 =	simm.s32 $0xB80;
	s18 =	simm.s32 $0x400  }
0x13: {  	s19 =	simm.s32 $0x480;
	s20 =	simm.s32 $0xC00;
	s21 =	simm.s32 $0xC80  }
0x14: {  	s22 =	simm.s32 $0x500;
	s23 =	simm.s32 $0x580;
	s24 =	simm.s32 $0xD00  }
0x15: {  	s25 =	simm.s32 $0xD80;
	s10 =	sshrl.u32 s2, $0x1;
	s13 =	sshrl.u32 s11, $0x2  }
0x16: {  	s11 =	simm.s32 $0x800;
	s5 =	sadd.s32 s6, s5;
	s7 =	sadd.s32 s7, s1  }
0x17: {  	s2 =	ssub.s32 s2, s10;
	s6 =	sadd.s32 s13, s3;
	s10 =	simm.s32 $0x3  }
0x18: {  	s13 =	simm.s32 $0x1000;
	s5 =	sshrl.u32 s5, $0x3;
	s2 =	smax.u32 s2, $0x1  }
0x19: {  	s7 =	sadd.s32 s26, s7;
	s26 =	simm.s32 $0xB00;
	[dreg:$0x15] =	wrdreg s2  }
0x1a: {  	s8 =	sshrl.u32 s6, $0x3;
	s1 =	sadd.s32 s5, s1;
	[dreg:$0x11] =	wrdreg s26  }
0x1b: {  	s12 =	sadd.s32 $0x2800, s7;
	s5 =	sadd.s32 $0x5E000, s7;
	[dreg:$0x16] =	wrdreg s8  }
0x1c: {  	s7 =	sor.u32 $0x1C03, s16;
	s16 =	simm.s32 $0x2;
	[dreg:$0x4] =	wrdreg s12  }
0x1d: {  	s26 =	simm.s32 $0x600;
	s2 =	simm.s32 $0xF00;
	[dreg:$0x5] =	wrdreg s5  }
0x1e: {  	s1 =	sadd.s32 $0x68000, s1;
	s12 =	simm.s32 $0x80;
	[dreg:$0x13] =	wrdreg s7  }
0x1f: {  	s5 =	simm.s32 $0xF80;
	[dreg:$0x14] =	wrdreg s1;
	s1 =	simm.s32 $0x780  }
.LBB2_1:
0x20: {  	[dreg:$0x17] =	wrdreg s9  }
0x21: {  	s6 =	rddreg [dreg:$0x12]  }
0x22: {  	[spmem:s8], [sflag:s7] =	dma.local [hbm:s6], $0x2780  }
0x23: {  	_ =	swait.ge [sflag:s10], $0x2780  }
0x24: {  	[sflag:s10] =	ssyncset.done $0x0  }
0x25: {  	[sflag:s10] =	ssyncadd.s32 $0xFFFFD880  }
0x26: {  	[bflag:$0x0] =	sbarrier.arrive $0xFFFF  }
0x27: {  	s9 =	rddreg [dreg:$0x5]  }
0x28: {  	s6 =	sadd.s32 $0x0, s9  }
0x29: {  	[tilespmem:s4], [sflag:$0x3] =	stream.linear.gather [hbm4b:s6+s4], $0x800, $0x38;
	[tilespmem:$0x1CC00] =	vst v63  }
0x2a: {  	_ =	swait.ge [sflag:s10], $0x800  }
0x2b: {  	s7 =	rddreg [dreg:$0x4];
	[sflag:s10] =	ssyncset.done $0x0  }
0x2c: {  	[sflag:s10] =	ssyncadd.s32 $0xFFFFF800;
	s6 =	sadd.s32 $0x0, s7  }
0x2d: {  	[tilespmem:s11], [sflag:$0x3] =	stream.linear.gather [hbm4b:s6+s4], $0x800, $0x38;
	[tilespmem:$0x1CC00] =	vst v63  }
0x2e: {  	_ =	swait.ge [sflag:s10], $0x800  }
0x2f: {  	[sflag:s10] =	ssyncset.done $0x0  }
0x30: {  	[sflag:s10] =	ssyncadd.s32 $0xFFFFF800  }
0x31: {  	[tilespmem:s13], [sflag:$0x1] =	stream.indirect.gather [hbm4b:s0+s12], $0x80, s4, s12, $0xb8;
	[tilespmem:$0x1CC00] =	vst v63  }
0x32: {  	_ = 	snop  }
0x33: {  	[tilespmem:s14], [sflag:$0x2] =	stream.indirect.gather [hbm4b:s0+s12], $0x80, s12, s12, $0xb8;
	[tilespmem:$0x1CC00] =	vst v63  }
0x34: {  	_ =	swait.ge [sflag:s15], $0x4000  }
0x35: {  	[sflag:s15] =	ssyncset.done $0x0  }
0x36: {  	[sflag:s15] =	ssyncadd.s32 $0xFFFFC000  }
0x37: {  	[spmem:s3] =	stream.indirect.scatter.add.f32 [tilespmem:s13], [sflag:$0x3], $0x80, s11, s12, $0xb8;
	[tilespmem:$0x1CC00] =	vst v63  }
0x38: {  	_ =	swait.ge [sflag:s10], $0x4000  }
0x39: {  	[sflag:s10] =	ssyncset.done $0x0  }
0x3a: {  	[sflag:s10] =	ssyncadd.s32 $0xFFFFC000  }
0x3b: {  	_ =	swait.ge [sflag:s16], $0x4000  }
0x3c: {  	[sflag:s16] =	ssyncset.done $0x0  }
0x3d: {  	s8 =	rddreg [dreg:$0x6];
	[sflag:s16] =	ssyncadd.s32 $0xFFFFC000  }
0x3e: {  	[spmem:s3] =	stream.indirect.scatter.add.f32 [tilespmem:s14], [sflag:$0x3], $0x80, s8, s12, $0xb8;
	[tilespmem:$0x1CC00] =	vst v63  }
0x3f: {  	_ =	swait.ge [sflag:s10], $0x4000  }
0x40: {  	[sflag:s10] =	ssyncset.done $0x0  }
0x41: {  	s9 =	rddreg [dreg:$0x7];
	[sflag:s10] =	ssyncadd.s32 $0xFFFFC000  }
0x42: {  	[tilespmem:s13], [sflag:$0x1] =	stream.indirect.gather [hbm4b:s0+s12], $0x80, s9, s12, $0xb8;
	[tilespmem:$0x1CC00] =	vst v63  }
0x43: {  	s7 =	rddreg [dreg:$0x8]  }
0x44: {  	[tilespmem:s14], [sflag:$0x2] =	stream.indirect.gather [hbm4b:s0+s12], $0x80, s7, s12, $0xb8;
	[tilespmem:$0x1CC00] =	vst v63  }
0x45: {  	_ =	swait.ge [sflag:s15], $0x4000  }
0x46: {  	[sflag:s15] =	ssyncset.done $0x0  }
0x47: {  	s9 =	rddreg [dreg:$0x9];
	[sflag:s15] =	ssyncadd.s32 $0xFFFFC000  }
0x48: {  	[spmem:s3] =	stream.indirect.scatter.add.f32 [tilespmem:s13], [sflag:$0x3], $0x80, s9, s12, $0xb8;
	[tilespmem:$0x1CC00] =	vst v63  }
0x49: {  	_ =	swait.ge [sflag:s10], $0x4000  }
0x4a: {  	[sflag:s10] =	ssyncset.done $0x0  }
0x4b: {  	[sflag:s10] =	ssyncadd.s32 $0xFFFFC000  }
0x4c: {  	_ =	swait.ge [sflag:s16], $0x4000  }
0x4d: {  	[sflag:s16] =	ssyncset.done $0x0  }
0x4e: {  	s7 =	rddreg [dreg:$0xa];
	[sflag:s16] =	ssyncadd.s32 $0xFFFFC000  }
0x4f: {  	[spmem:s3] =	stream.indirect.scatter.add.f32 [tilespmem:s14], [sflag:$0x3], $0x80, s7, s12, $0xb8;
	[tilespmem:$0x1CC00] =	vst v63  }
0x50: {  	_ =	swait.ge [sflag:s10], $0x4000  }
0x51: {  	[sflag:s10] =	ssyncset.done $0x0  }
0x52: {  	s8 =	rddreg [dreg:$0xb];
	[sflag:s10] =	ssyncadd.s32 $0xFFFFC000  }
0x53: {  	[tilespmem:s13], [sflag:$0x1] =	stream.indirect.gather [hbm4b:s0+s12], $0x80, s8, s12, $0xb8;
	[tilespmem:$0x1CC00] =	vst v63  }
0x54: {  	s9 =	rddreg [dreg:$0xc]  }
0x55: {  	[tilespmem:s14], [sflag:$0x2] =	stream.indirect.gather [hbm4b:s0+s12], $0x80, s9, s12, $0xb8;
	[tilespmem:$0x1CC00] =	vst v63  }
0x56: {  	_ =	swait.ge [sflag:s15], $0x4000  }
0x57: {  	[sflag:s15] =	ssyncset.done $0x0  }
0x58: {  	s7 =	rddreg [dreg:$0xd];
	[sflag:s15] =	ssyncadd.s32 $0xFFFFC000  }
0x59: {  	[spmem:s3] =	stream.indirect.scatter.add.f32 [tilespmem:s13], [sflag:$0x3], $0x80, s7, s12, $0xb8;
	[tilespmem:$0x1CC00] =	vst v63  }
0x5a: {  	_ =	swait.ge [sflag:s10], $0x4000  }
0x5b: {  	[sflag:s10] =	ssyncset.done $0x0  }
0x5c: {  	[sflag:s10] =	ssyncadd.s32 $0xFFFFC000  }
0x5d: {  	_ =	swait.ge [sflag:s16], $0x4000  }
0x5e: {  	[sflag:s16] =	ssyncset.done $0x0  }
0x5f: {  	s8 =	rddreg [dreg:$0xe];
	[sflag:s16] =	ssyncadd.s32 $0xFFFFC000  }
0x60: {  	[spmem:s3] =	stream.indirect.scatter.add.f32 [tilespmem:s14], [sflag:$0x3], $0x80, s8, s12, $0xb8;
	[tilespmem:$0x1CC00] =	vst v63  }
0x61: {  	_ =	swait.ge [sflag:s10], $0x4000  }
0x62: {  	[sflag:s10] =	ssyncset.done $0x0  }
0x63: {  	s9 =	rddreg [dreg:$0xf];
	[sflag:s10] =	ssyncadd.s32 $0xFFFFC000  }
0x64: {  	[tilespmem:s13], [sflag:$0x1] =	stream.indirect.gather [hbm4b:s0+s12], $0x80, s9, s12, $0xb8;
	[tilespmem:$0x1CC00] =	vst v63  }
0x65: {  	s7 =	rddreg [dreg:$0x10]  }
0x66: {  	[tilespmem:s14], [sflag:$0x2] =	stream.indirect.gather [hbm4b:s0+s12], $0x80, s7, s12, $0xb8;
	[tilespmem:$0x1CC00] =	vst v63  }
0x67: {  	_ =	swait.ge [sflag:s15], $0x4000  }
0x68: {  	[sflag:s15] =	ssyncset.done $0x0  }
0x69: {  	s9 =	rddreg [dreg:$0x11];
	[sflag:s15] =	ssyncadd.s32 $0xFFFFC000  }
0x6a: {  	[spmem:s3] =	stream.indirect.scatter.add.f32 [tilespmem:s13], [sflag:$0x3], $0x80, s9, s12, $0xb8;
	[tilespmem:$0x1CC00] =	vst v63  }
0x6b: {  	_ =	swait.ge [sflag:s10], $0x4000  }
0x6c: {  	[sflag:s10] =	ssyncset.done $0x0  }
0x6d: {  	[sflag:s10] =	ssyncadd.s32 $0xFFFFC000  }
0x6e: {  	_ =	swait.ge [sflag:s16], $0x4000  }
0x6f: {  	[sflag:s16] =	ssyncset.done $0x0  }
0x70: {  	[sflag:s16] =	ssyncadd.s32 $0xFFFFC000  }
0x71: {  	[spmem:s3] =	stream.indirect.scatter.add.f32 [tilespmem:s14], [sflag:$0x3], $0x80, s17, s12, $0xb8;
	[tilespmem:$0x1CC00] =	vst v63  }
0x72: {  	_ =	swait.ge [sflag:s10], $0x4000  }
0x73: {  	[sflag:s10] =	ssyncset.done $0x0  }
0x74: {  	[sflag:s10] =	ssyncadd.s32 $0xFFFFC000  }
0x75: {  	[tilespmem:s13], [sflag:$0x1] =	stream.indirect.gather [hbm4b:s0+s12], $0x80, s18, s12, $0xb8;
	[tilespmem:$0x1CC00] =	vst v63  }
0x76: {  	_ = 	snop  }
0x77: {  	[tilespmem:s14], [sflag:$0x2] =	stream.indirect.gather [hbm4b:s0+s12], $0x80, s19, s12, $0xb8;
	[tilespmem:$0x1CC00] =	vst v63  }
0x78: {  	_ =	swait.ge [sflag:s15], $0x4000  }
0x79: {  	[sflag:s15] =	ssyncset.done $0x0  }
0x7a: {  	[sflag:s15] =	ssyncadd.s32 $0xFFFFC000  }
0x7b: {  	[spmem:s3] =	stream.indirect.scatter.add.f32 [tilespmem:s13], [sflag:$0x3], $0x80, s20, s12, $0xb8;
	[tilespmem:$0x1CC00] =	vst v63  }
0x7c: {  	_ =	swait.ge [sflag:s10], $0x4000  }
0x7d: {  	[sflag:s10] =	ssyncset.done $0x0  }
0x7e: {  	[sflag:s10] =	ssyncadd.s32 $0xFFFFC000  }
0x7f: {  	_ =	swait.ge [sflag:s16], $0x4000  }
0x80: {  	[sflag:s16] =	ssyncset.done $0x0  }
0x81: {  	[sflag:s16] =	ssyncadd.s32 $0xFFFFC000  }
0x82: {  	[spmem:s3] =	stream.indirect.scatter.add.f32 [tilespmem:s14], [sflag:$0x3], $0x80, s21, s12, $0xb8;
	[tilespmem:$0x1CC00] =	vst v63  }
0x83: {  	_ =	swait.ge [sflag:s10], $0x4000  }
0x84: {  	[sflag:s10] =	ssyncset.done $0x0  }
0x85: {  	[sflag:s10] =	ssyncadd.s32 $0xFFFFC000  }
0x86: {  	[tilespmem:s13], [sflag:$0x1] =	stream.indirect.gather [hbm4b:s0+s12], $0x80, s22, s12, $0xb8;
	[tilespmem:$0x1CC00] =	vst v63  }
0x87: {  	_ = 	snop  }
0x88: {  	[tilespmem:s14], [sflag:$0x2] =	stream.indirect.gather [hbm4b:s0+s12], $0x80, s23, s12, $0xb8;
	[tilespmem:$0x1CC00] =	vst v63  }
0x89: {  	_ =	swait.ge [sflag:s15], $0x4000  }
0x8a: {  	[sflag:s15] =	ssyncset.done $0x0  }
0x8b: {  	[sflag:s15] =	ssyncadd.s32 $0xFFFFC000  }
0x8c: {  	[spmem:s3] =	stream.indirect.scatter.add.f32 [tilespmem:s13], [sflag:$0x3], $0x80, s24, s12, $0xb8;
	[tilespmem:$0x1CC00] =	vst v63  }
0x8d: {  	_ =	swait.ge [sflag:s10], $0x4000  }
0x8e: {  	[sflag:s10] =	ssyncset.done $0x0  }
0x8f: {  	[sflag:s10] =	ssyncadd.s32 $0xFFFFC000  }
0x90: {  	_ =	swait.ge [sflag:s16], $0x4000  }
0x91: {  	[sflag:s16] =	ssyncset.done $0x0  }
0x92: {  	[sflag:s16] =	ssyncadd.s32 $0xFFFFC000  }
0x93: {  	[spmem:s3] =	stream.indirect.scatter.add.f32 [tilespmem:s14], [sflag:$0x3], $0x80, s25, s12, $0xb8;
	[tilespmem:$0x1CC00] =	vst v63  }
0x94: {  	_ =	swait.ge [sflag:s10], $0x4000  }
0x95: {  	[sflag:s10] =	ssyncset.done $0x0  }
0x96: {  	[sflag:s10] =	ssyncadd.s32 $0xFFFFC000  }
0x97: {  	[tilespmem:s13], [sflag:$0x1] =	stream.indirect.gather [hbm4b:s0+s12], $0x80, s26, s12, $0xb8;
	[tilespmem:$0x1CC00] =	vst v63  }
0x98: {  	_ = 	snop  }
0x99: {  	[tilespmem:s14], [sflag:$0x2] =	stream.indirect.gather [hbm4b:s0+s12], $0x80, s28, s12, $0xb8;
	[tilespmem:$0x1CC00] =	vst v63  }
0x9a: {  	_ =	swait.ge [sflag:s15], $0x4000  }
0x9b: {  	[sflag:s15] =	ssyncset.done $0x0  }
0x9c: {  	[sflag:s15] =	ssyncadd.s32 $0xFFFFC000  }
0x9d: {  	[spmem:s3] =	stream.indirect.scatter.add.f32 [tilespmem:s13], [sflag:$0x3], $0x80, s29, s12, $0xb8;
	[tilespmem:$0x1CC00] =	vst v63  }
0x9e: {  	_ =	swait.ge [sflag:s10], $0x4000  }
0x9f: {  	[sflag:s10] =	ssyncset.done $0x0  }
0xa0: {  	[sflag:s10] =	ssyncadd.s32 $0xFFFFC000  }
0xa1: {  	_ =	swait.ge [sflag:s16], $0x4000  }
0xa2: {  	[sflag:s16] =	ssyncset.done $0x0  }
0xa3: {  	[sflag:s16] =	ssyncadd.s32 $0xFFFFC000  }
0xa4: {  	[spmem:s3] =	stream.indirect.scatter.add.f32 [tilespmem:s14], [sflag:$0x3], $0x80, s30, s12, $0xb8;
	[tilespmem:$0x1CC00] =	vst v63  }
0xa5: {  	_ =	swait.ge [sflag:s10], $0x4000  }
0xa6: {  	[sflag:s10] =	ssyncset.done $0x0  }
0xa7: {  	[sflag:s10] =	ssyncadd.s32 $0xFFFFC000  }
0xa8: {  	[tilespmem:s13], [sflag:$0x1] =	stream.indirect.gather [hbm4b:s0+s12], $0x80, s31, s12, $0xb8;
	[tilespmem:$0x1CC00] =	vst v63  }
0xa9: {  	_ = 	snop  }
0xaa: {  	[tilespmem:s14], [sflag:$0x2] =	stream.indirect.gather [hbm4b:s0+s12], $0x80, s1, s12, $0xb8;
	[tilespmem:$0x1CC00] =	vst v63  }
0xab: {  	_ =	swait.ge [sflag:s15], $0x4000  }
0xac: {  	[sflag:s15] =	ssyncset.done $0x0  }
0xad: {  	[sflag:s15] =	ssyncadd.s32 $0xFFFFC000  }
0xae: {  	[spmem:s3] =	stream.indirect.scatter.add.f32 [tilespmem:s13], [sflag:$0x3], $0x80, s2, s12, $0xb8;
	[tilespmem:$0x1CC00] =	vst v63  }
0xaf: {  	_ =	swait.ge [sflag:s10], $0x4000  }
0xb0: {  	[sflag:s10] =	ssyncset.done $0x0  }
0xb1: {  	[sflag:s10] =	ssyncadd.s32 $0xFFFFC000  }
0xb2: {  	_ =	swait.ge [sflag:s16], $0x4000  }
0xb3: {  	[sflag:s16] =	ssyncset.done $0x0  }
0xb4: {  	[sflag:s16] =	ssyncadd.s32 $0xFFFFC000  }
0xb5: {  	[spmem:s3] =	stream.indirect.scatter.add.f32 [tilespmem:s14], [sflag:$0x3], $0x80, s5, s12, $0xb8;
	[tilespmem:$0x1CC00] =	vst v63  }
0xb6: {  	s6 =	simm.s32 $0x200;
	_ =	swait.ge [sflag:s10], $0x4000  }
0xb7: {  	s8 =	simm.s32 $0x100;
	s9 =	rddreg [dreg:$0x5];
	[sflag:s10] =	ssyncset.done $0x0  }
.LBB2_2:
0xb8: {  	[sflag:s10] =	ssyncadd.s32 $0xFFFFC000;
	s9 =	sadd.s32 s8, s9  }
0xb9: {  	[tilespmem:s4], [sflag:$0x3] =	stream.linear.gather [hbm4b:s9+s4], $0x800, $0x38;
	[tilespmem:$0x1CC00] =	vst v63  }
0xba: {  	_ =	swait.ge [sflag:s10], $0x800  }
0xbb: {  	s9 =	rddreg [dreg:$0x4];
	[sflag:s10] =	ssyncset.done $0x0  }
0xbc: {  	[sflag:s10] =	ssyncadd.s32 $0xFFFFF800;
	s9 =	sadd.s32 s8, s9  }
0xbd: {  	[tilespmem:s11], [sflag:$0x3] =	stream.linear.gather [hbm4b:s9+s4], $0x800, $0x38;
	[tilespmem:$0x1CC00] =	vst v63  }
0xbe: {  	_ =	swait.ge [sflag:s10], $0x800  }
0xbf: {  	[sflag:s10] =	ssyncset.done $0x0  }
0xc0: {  	[sflag:s10] =	ssyncadd.s32 $0xFFFFF800  }
0xc1: {  	[tilespmem:s13], [sflag:$0x1] =	stream.indirect.gather [hbm4b:s0+s12], $0x80, s4, s12, $0xb8;
	[tilespmem:$0x1CC00] =	vst v63  }
0xc2: {  	_ = 	snop  }
0xc3: {  	[tilespmem:s14], [sflag:$0x2] =	stream.indirect.gather [hbm4b:s0+s12], $0x80, s12, s12, $0xb8;
	[tilespmem:$0x1CC00] =	vst v63  }
0xc4: {  	_ =	swait.ge [sflag:s15], $0x4000  }
0xc5: {  	[sflag:s15] =	ssyncset.done $0x0  }
0xc6: {  	[sflag:s15] =	ssyncadd.s32 $0xFFFFC000  }
0xc7: {  	[spmem:s3] =	stream.indirect.scatter.add.f32 [tilespmem:s13], [sflag:$0x3], $0x80, s11, s12, $0xb8;
	[tilespmem:$0x1CC00] =	vst v63  }
0xc8: {  	_ =	swait.ge [sflag:s10], $0x4000  }
0xc9: {  	[sflag:s10] =	ssyncset.done $0x0  }
0xca: {  	[sflag:s10] =	ssyncadd.s32 $0xFFFFC000  }
0xcb: {  	_ =	swait.ge [sflag:s16], $0x4000  }
0xcc: {  	[sflag:s16] =	ssyncset.done $0x0  }
0xcd: {  	s9 =	rddreg [dreg:$0x6];
	[sflag:s16] =	ssyncadd.s32 $0xFFFFC000  }
0xce: {  	[spmem:s3] =	stream.indirect.scatter.add.f32 [tilespmem:s14], [sflag:$0x3], $0x80, s9, s12, $0xb8;
	[tilespmem:$0x1CC00] =	vst v63  }
0xcf: {  	_ =	swait.ge [sflag:s10], $0x4000  }
0xd0: {  	s7 =	smov.u32 s6;
	[sflag:s10] =	ssyncset.done $0x0  }
0xd1: {  	s8 =	smov.u32 s7;
	s7 =	rddreg [dreg:$0x7];
	[sflag:s10] =	ssyncadd.s32 $0xFFFFC000  }
0xd2: {  	[tilespmem:s13], [sflag:$0x1] =	stream.indirect.gather [hbm4b:s0+s12], $0x80, s7, s12, $0xb8;
	[tilespmem:$0x1CC00] =	vst v63  }
0xd3: {  	s9 =	rddreg [dreg:$0x8]  }
0xd4: {  	[tilespmem:s14], [sflag:$0x2] =	stream.indirect.gather [hbm4b:s0+s12], $0x80, s9, s12, $0xb8;
	[tilespmem:$0x1CC00] =	vst v63  }
0xd5: {  	_ =	swait.ge [sflag:s15], $0x4000  }
0xd6: {  	[sflag:s15] =	ssyncset.done $0x0  }
0xd7: {  	s9 =	rddreg [dreg:$0x9];
	[sflag:s15] =	ssyncadd.s32 $0xFFFFC000  }
0xd8: {  	[spmem:s3] =	stream.indirect.scatter.add.f32 [tilespmem:s13], [sflag:$0x3], $0x80, s9, s12, $0xb8;
	[tilespmem:$0x1CC00] =	vst v63  }
0xd9: {  	_ =	swait.ge [sflag:s10], $0x4000  }
0xda: {  	[sflag:s10] =	ssyncset.done $0x0  }
0xdb: {  	[sflag:s10] =	ssyncadd.s32 $0xFFFFC000  }
0xdc: {  	_ =	swait.ge [sflag:s16], $0x4000  }
0xdd: {  	[sflag:s16] =	ssyncset.done $0x0  }
0xde: {  	s9 =	rddreg [dreg:$0xa];
	[sflag:s16] =	ssyncadd.s32 $0xFFFFC000  }
0xdf: {  	[spmem:s3] =	stream.indirect.scatter.add.f32 [tilespmem:s14], [sflag:$0x3], $0x80, s9, s12, $0xb8;
	[tilespmem:$0x1CC00] =	vst v63  }
0xe0: {  	_ =	swait.ge [sflag:s10], $0x4000  }
0xe1: {  	[sflag:s10] =	ssyncset.done $0x0  }
0xe2: {  	s7 =	rddreg [dreg:$0xb];
	[sflag:s10] =	ssyncadd.s32 $0xFFFFC000  }
0xe3: {  	[tilespmem:s13], [sflag:$0x1] =	stream.indirect.gather [hbm4b:s0+s12], $0x80, s7, s12, $0xb8;
	[tilespmem:$0x1CC00] =	vst v63  }
0xe4: {  	s9 =	rddreg [dreg:$0xc]  }
0xe5: {  	[tilespmem:s14], [sflag:$0x2] =	stream.indirect.gather [hbm4b:s0+s12], $0x80, s9, s12, $0xb8;
	[tilespmem:$0x1CC00] =	vst v63  }
0xe6: {  	_ =	swait.ge [sflag:s15], $0x4000  }
0xe7: {  	[sflag:s15] =	ssyncset.done $0x0  }
0xe8: {  	s9 =	rddreg [dreg:$0xd];
	[sflag:s15] =	ssyncadd.s32 $0xFFFFC000  }
0xe9: {  	[spmem:s3] =	stream.indirect.scatter.add.f32 [tilespmem:s13], [sflag:$0x3], $0x80, s9, s12, $0xb8;
	[tilespmem:$0x1CC00] =	vst v63  }
0xea: {  	_ =	swait.ge [sflag:s10], $0x4000  }
0xeb: {  	[sflag:s10] =	ssyncset.done $0x0  }
0xec: {  	[sflag:s10] =	ssyncadd.s32 $0xFFFFC000  }
0xed: {  	_ =	swait.ge [sflag:s16], $0x4000  }
0xee: {  	[sflag:s16] =	ssyncset.done $0x0  }
0xef: {  	s9 =	rddreg [dreg:$0xe];
	[sflag:s16] =	ssyncadd.s32 $0xFFFFC000  }
0xf0: {  	[spmem:s3] =	stream.indirect.scatter.add.f32 [tilespmem:s14], [sflag:$0x3], $0x80, s9, s12, $0xb8;
	[tilespmem:$0x1CC00] =	vst v63  }
0xf1: {  	_ =	swait.ge [sflag:s10], $0x4000  }
0xf2: {  	[sflag:s10] =	ssyncset.done $0x0  }
0xf3: {  	s7 =	rddreg [dreg:$0xf];
	[sflag:s10] =	ssyncadd.s32 $0xFFFFC000  }
0xf4: {  	[tilespmem:s13], [sflag:$0x1] =	stream.indirect.gather [hbm4b:s0+s12], $0x80, s7, s12, $0xb8;
	[tilespmem:$0x1CC00] =	vst v63  }
0xf5: {  	s9 =	rddreg [dreg:$0x10]  }
0xf6: {  	[tilespmem:s14], [sflag:$0x2] =	stream.indirect.gather [hbm4b:s0+s12], $0x80, s9, s12, $0xb8;
	[tilespmem:$0x1CC00] =	vst v63  }
0xf7: {  	_ =	swait.ge [sflag:s15], $0x4000  }
0xf8: {  	[sflag:s15] =	ssyncset.done $0x0  }
0xf9: {  	s9 =	rddreg [dreg:$0x11];
	[sflag:s15] =	ssyncadd.s32 $0xFFFFC000  }
0xfa: {  	[spmem:s3] =	stream.indirect.scatter.add.f32 [tilespmem:s13], [sflag:$0x3], $0x80, s9, s12, $0xb8;
	[tilespmem:$0x1CC00] =	vst v63  }
0xfb: {  	_ =	swait.ge [sflag:s10], $0x4000  }
0xfc: {  	[sflag:s10] =	ssyncset.done $0x0  }
0xfd: {  	[sflag:s10] =	ssyncadd.s32 $0xFFFFC000  }
0xfe: {  	_ =	swait.ge [sflag:s16], $0x4000  }
0xff: {  	[sflag:s16] =	ssyncset.done $0x0  }
0x100: {  	[sflag:s16] =	ssyncadd.s32 $0xFFFFC000  }
0x101: {  	[spmem:s3] =	stream.indirect.scatter.add.f32 [tilespmem:s14], [sflag:$0x3], $0x80, s17, s12, $0xb8;
	[tilespmem:$0x1CC00] =	vst v63  }
0x102: {  	_ =	swait.ge [sflag:s10], $0x4000  }
0x103: {  	[sflag:s10] =	ssyncset.done $0x0  }
0x104: {  	[sflag:s10] =	ssyncadd.s32 $0xFFFFC000  }
0x105: {  	[tilespmem:s13], [sflag:$0x1] =	stream.indirect.gather [hbm4b:s0+s12], $0x80, s18, s12, $0xb8;
	[tilespmem:$0x1CC00] =	vst v63  }
0x106: {  	_ = 	snop  }
0x107: {  	[tilespmem:s14], [sflag:$0x2] =	stream.indirect.gather [hbm4b:s0+s12], $0x80, s19, s12, $0xb8;
	[tilespmem:$0x1CC00] =	vst v63  }
0x108: {  	_ =	swait.ge [sflag:s15], $0x4000  }
0x109: {  	[sflag:s15] =	ssyncset.done $0x0  }
0x10a: {  	[sflag:s15] =	ssyncadd.s32 $0xFFFFC000  }
0x10b: {  	[spmem:s3] =	stream.indirect.scatter.add.f32 [tilespmem:s13], [sflag:$0x3], $0x80, s20, s12, $0xb8;
	[tilespmem:$0x1CC00] =	vst v63  }
0x10c: {  	_ =	swait.ge [sflag:s10], $0x4000  }
0x10d: {  	[sflag:s10] =	ssyncset.done $0x0  }
0x10e: {  	[sflag:s10] =	ssyncadd.s32 $0xFFFFC000  }
0x10f: {  	_ =	swait.ge [sflag:s16], $0x4000  }
0x110: {  	[sflag:s16] =	ssyncset.done $0x0  }
0x111: {  	[sflag:s16] =	ssyncadd.s32 $0xFFFFC000  }
0x112: {  	[spmem:s3] =	stream.indirect.scatter.add.f32 [tilespmem:s14], [sflag:$0x3], $0x80, s21, s12, $0xb8;
	[tilespmem:$0x1CC00] =	vst v63  }
0x113: {  	_ =	swait.ge [sflag:s10], $0x4000  }
0x114: {  	[sflag:s10] =	ssyncset.done $0x0  }
0x115: {  	[sflag:s10] =	ssyncadd.s32 $0xFFFFC000  }
0x116: {  	[tilespmem:s13], [sflag:$0x1] =	stream.indirect.gather [hbm4b:s0+s12], $0x80, s22, s12, $0xb8;
	[tilespmem:$0x1CC00] =	vst v63  }
0x117: {  	_ = 	snop  }
0x118: {  	[tilespmem:s14], [sflag:$0x2] =	stream.indirect.gather [hbm4b:s0+s12], $0x80, s23, s12, $0xb8;
	[tilespmem:$0x1CC00] =	vst v63  }
0x119: {  	_ =	swait.ge [sflag:s15], $0x4000  }
0x11a: {  	[sflag:s15] =	ssyncset.done $0x0  }
0x11b: {  	[sflag:s15] =	ssyncadd.s32 $0xFFFFC000  }
0x11c: {  	[spmem:s3] =	stream.indirect.scatter.add.f32 [tilespmem:s13], [sflag:$0x3], $0x80, s24, s12, $0xb8;
	[tilespmem:$0x1CC00] =	vst v63  }
0x11d: {  	_ =	swait.ge [sflag:s10], $0x4000  }
0x11e: {  	[sflag:s10] =	ssyncset.done $0x0  }
0x11f: {  	[sflag:s10] =	ssyncadd.s32 $0xFFFFC000  }
0x120: {  	_ =	swait.ge [sflag:s16], $0x4000  }
0x121: {  	[sflag:s16] =	ssyncset.done $0x0  }
0x122: {  	[sflag:s16] =	ssyncadd.s32 $0xFFFFC000  }
0x123: {  	[spmem:s3] =	stream.indirect.scatter.add.f32 [tilespmem:s14], [sflag:$0x3], $0x80, s25, s12, $0xb8;
	[tilespmem:$0x1CC00] =	vst v63  }
0x124: {  	_ =	swait.ge [sflag:s10], $0x4000  }
0x125: {  	[sflag:s10] =	ssyncset.done $0x0  }
0x126: {  	[sflag:s10] =	ssyncadd.s32 $0xFFFFC000  }
0x127: {  	[tilespmem:s13], [sflag:$0x1] =	stream.indirect.gather [hbm4b:s0+s12], $0x80, s26, s12, $0xb8;
	[tilespmem:$0x1CC00] =	vst v63  }
0x128: {  	_ = 	snop  }
0x129: {  	[tilespmem:s14], [sflag:$0x2] =	stream.indirect.gather [hbm4b:s0+s12], $0x80, s28, s12, $0xb8;
	[tilespmem:$0x1CC00] =	vst v63  }
0x12a: {  	_ =	swait.ge [sflag:s15], $0x4000  }
0x12b: {  	[sflag:s15] =	ssyncset.done $0x0  }
0x12c: {  	[sflag:s15] =	ssyncadd.s32 $0xFFFFC000  }
0x12d: {  	[spmem:s3] =	stream.indirect.scatter.add.f32 [tilespmem:s13], [sflag:$0x3], $0x80, s29, s12, $0xb8;
	[tilespmem:$0x1CC00] =	vst v63  }
0x12e: {  	_ =	swait.ge [sflag:s10], $0x4000  }
0x12f: {  	[sflag:s10] =	ssyncset.done $0x0  }
0x130: {  	[sflag:s10] =	ssyncadd.s32 $0xFFFFC000  }
0x131: {  	_ =	swait.ge [sflag:s16], $0x4000  }
0x132: {  	[sflag:s16] =	ssyncset.done $0x0  }
0x133: {  	[sflag:s16] =	ssyncadd.s32 $0xFFFFC000  }
0x134: {  	[spmem:s3] =	stream.indirect.scatter.add.f32 [tilespmem:s14], [sflag:$0x3], $0x80, s30, s12, $0xb8;
	[tilespmem:$0x1CC00] =	vst v63  }
0x135: {  	_ =	swait.ge [sflag:s10], $0x4000  }
0x136: {  	[sflag:s10] =	ssyncset.done $0x0  }
0x137: {  	[sflag:s10] =	ssyncadd.s32 $0xFFFFC000  }
0x138: {  	[tilespmem:s13], [sflag:$0x1] =	stream.indirect.gather [hbm4b:s0+s12], $0x80, s31, s12, $0xb8;
	[tilespmem:$0x1CC00] =	vst v63  }
0x139: {  	_ = 	snop  }
0x13a: {  	[tilespmem:s14], [sflag:$0x2] =	stream.indirect.gather [hbm4b:s0+s12], $0x80, s1, s12, $0xb8;
	[tilespmem:$0x1CC00] =	vst v63  }
0x13b: {  	_ =	swait.ge [sflag:s15], $0x4000  }
0x13c: {  	[sflag:s15] =	ssyncset.done $0x0  }
0x13d: {  	[sflag:s15] =	ssyncadd.s32 $0xFFFFC000  }
0x13e: {  	[spmem:s3] =	stream.indirect.scatter.add.f32 [tilespmem:s13], [sflag:$0x3], $0x80, s2, s12, $0xb8;
	[tilespmem:$0x1CC00] =	vst v63  }
0x13f: {  	_ =	swait.ge [sflag:s10], $0x4000  }
0x140: {  	[sflag:s10] =	ssyncset.done $0x0  }
0x141: {  	[sflag:s10] =	ssyncadd.s32 $0xFFFFC000  }
0x142: {  	p0 =	sne.s32 s6, $0x400;
	_ =	swait.ge [sflag:s16], $0x4000  }
.Ltmp0:
0x143: {  	[sflag:s16] =	ssyncset.done $0x0;
	(pc) =	sbr.rel @p0 .LBB2_2-.Ltmp0, $4  }
0x144: {  	[sflag:s16] =	ssyncadd.s32 $0xFFFFC000  }
0x145: {  	[spmem:s3] =	stream.indirect.scatter.add.f32 [tilespmem:s14], [sflag:$0x3], $0x80, s5, s12, $0xb8;
	[tilespmem:$0x1CC00] =	vst v63  }
0x146: {  	_ =	swait.ge [sflag:s10], $0x4000  }
0x147: {  	s6 =	sadd.s32 $0x100, s6;
	s9 =	rddreg [dreg:$0x5];
	[sflag:s10] =	ssyncset.done $0x0  }
0x148: {  	[sflag:s10] =	ssyncadd.s32 $0xFFFFC000;
	s6 =	sadd.s32 s8, s9  }
0x149: {  	[tilespmem:s4], [sflag:$0x3] =	stream.linear.gather [hbm4b:s6+s4], $0x800, $0x38;
	[tilespmem:$0x1CC00] =	vst v63  }
0x14a: {  	_ =	swait.ge [sflag:s10], $0x800  }
0x14b: {  	s7 =	rddreg [dreg:$0x4];
	[sflag:s10] =	ssyncset.done $0x0  }
0x14c: {  	[sflag:s10] =	ssyncadd.s32 $0xFFFFF800;
	s6 =	sadd.s32 s8, s7  }
0x14d: {  	[tilespmem:s11], [sflag:$0x3] =	stream.linear.gather [hbm4b:s6+s4], $0x800, $0x38;
	[tilespmem:$0x1CC00] =	vst v63  }
0x14e: {  	_ =	swait.ge [sflag:s10], $0x800  }
0x14f: {  	[sflag:s10] =	ssyncset.done $0x0  }
0x150: {  	[sflag:s10] =	ssyncadd.s32 $0xFFFFF800  }
0x151: {  	[tilespmem:s13], [sflag:$0x1] =	stream.indirect.gather [hbm4b:s0+s12], $0x80, s4, s12, $0xb8;
	[tilespmem:$0x1CC00] =	vst v63  }
0x152: {  	_ = 	snop  }
0x153: {  	[tilespmem:s14], [sflag:$0x2] =	stream.indirect.gather [hbm4b:s0+s12], $0x80, s12, s12, $0xb8;
	[tilespmem:$0x1CC00] =	vst v63  }
0x154: {  	_ =	swait.ge [sflag:s15], $0x4000  }
0x155: {  	[sflag:s15] =	ssyncset.done $0x0  }
0x156: {  	[sflag:s15] =	ssyncadd.s32 $0xFFFFC000  }
0x157: {  	[spmem:s3] =	stream.indirect.scatter.add.f32 [tilespmem:s13], [sflag:$0x3], $0x80, s11, s12, $0xb8;
	[tilespmem:$0x1CC00] =	vst v63  }
0x158: {  	_ =	swait.ge [sflag:s10], $0x4000  }
0x159: {  	[sflag:s10] =	ssyncset.done $0x0  }
0x15a: {  	[sflag:s10] =	ssyncadd.s32 $0xFFFFC000  }
0x15b: {  	_ =	swait.ge [sflag:s16], $0x4000  }
0x15c: {  	[sflag:s16] =	ssyncset.done $0x0  }
0x15d: {  	s8 =	rddreg [dreg:$0x6];
	[sflag:s16] =	ssyncadd.s32 $0xFFFFC000  }
0x15e: {  	[spmem:s3] =	stream.indirect.scatter.add.f32 [tilespmem:s14], [sflag:$0x3], $0x80, s8, s12, $0xb8;
	[tilespmem:$0x1CC00] =	vst v63  }
0x15f: {  	_ =	swait.ge [sflag:s10], $0x4000  }
0x160: {  	[sflag:s10] =	ssyncset.done $0x0  }
0x161: {  	s9 =	rddreg [dreg:$0x7];
	[sflag:s10] =	ssyncadd.s32 $0xFFFFC000  }
0x162: {  	[tilespmem:s13], [sflag:$0x1] =	stream.indirect.gather [hbm4b:s0+s12], $0x80, s9, s12, $0xb8;
	[tilespmem:$0x1CC00] =	vst v63  }
0x163: {  	s7 =	rddreg [dreg:$0x8]  }
0x164: {  	[tilespmem:s14], [sflag:$0x2] =	stream.indirect.gather [hbm4b:s0+s12], $0x80, s7, s12, $0xb8;
	[tilespmem:$0x1CC00] =	vst v63  }
0x165: {  	_ =	swait.ge [sflag:s15], $0x4000  }
0x166: {  	[sflag:s15] =	ssyncset.done $0x0  }
0x167: {  	s8 =	rddreg [dreg:$0x9];
	[sflag:s15] =	ssyncadd.s32 $0xFFFFC000  }
0x168: {  	[spmem:s3] =	stream.indirect.scatter.add.f32 [tilespmem:s13], [sflag:$0x3], $0x80, s8, s12, $0xb8;
	[tilespmem:$0x1CC00] =	vst v63  }
0x169: {  	_ =	swait.ge [sflag:s10], $0x4000  }
0x16a: {  	[sflag:s10] =	ssyncset.done $0x0  }
0x16b: {  	[sflag:s10] =	ssyncadd.s32 $0xFFFFC000  }
0x16c: {  	_ =	swait.ge [sflag:s16], $0x4000  }
0x16d: {  	[sflag:s16] =	ssyncset.done $0x0  }
0x16e: {  	s9 =	rddreg [dreg:$0xa];
	[sflag:s16] =	ssyncadd.s32 $0xFFFFC000  }
0x16f: {  	[spmem:s3] =	stream.indirect.scatter.add.f32 [tilespmem:s14], [sflag:$0x3], $0x80, s9, s12, $0xb8;
	[tilespmem:$0x1CC00] =	vst v63  }
0x170: {  	_ =	swait.ge [sflag:s10], $0x4000  }
0x171: {  	[sflag:s10] =	ssyncset.done $0x0  }
0x172: {  	s7 =	rddreg [dreg:$0xb];
	[sflag:s10] =	ssyncadd.s32 $0xFFFFC000  }
0x173: {  	[tilespmem:s13], [sflag:$0x1] =	stream.indirect.gather [hbm4b:s0+s12], $0x80, s7, s12, $0xb8;
	[tilespmem:$0x1CC00] =	vst v63  }
0x174: {  	s8 =	rddreg [dreg:$0xc]  }
0x175: {  	[tilespmem:s14], [sflag:$0x2] =	stream.indirect.gather [hbm4b:s0+s12], $0x80, s8, s12, $0xb8;
	[tilespmem:$0x1CC00] =	vst v63  }
0x176: {  	_ =	swait.ge [sflag:s15], $0x4000  }
0x177: {  	[sflag:s15] =	ssyncset.done $0x0  }
0x178: {  	s9 =	rddreg [dreg:$0xd];
	[sflag:s15] =	ssyncadd.s32 $0xFFFFC000  }
0x179: {  	[spmem:s3] =	stream.indirect.scatter.add.f32 [tilespmem:s13], [sflag:$0x3], $0x80, s9, s12, $0xb8;
	[tilespmem:$0x1CC00] =	vst v63  }
0x17a: {  	_ =	swait.ge [sflag:s10], $0x4000  }
0x17b: {  	[sflag:s10] =	ssyncset.done $0x0  }
0x17c: {  	[sflag:s10] =	ssyncadd.s32 $0xFFFFC000  }
0x17d: {  	_ =	swait.ge [sflag:s16], $0x4000  }
0x17e: {  	[sflag:s16] =	ssyncset.done $0x0  }
0x17f: {  	s7 =	rddreg [dreg:$0xe];
	[sflag:s16] =	ssyncadd.s32 $0xFFFFC000  }
0x180: {  	[spmem:s3] =	stream.indirect.scatter.add.f32 [tilespmem:s14], [sflag:$0x3], $0x80, s7, s12, $0xb8;
	[tilespmem:$0x1CC00] =	vst v63  }
0x181: {  	_ =	swait.ge [sflag:s10], $0x4000  }
0x182: {  	[sflag:s10] =	ssyncset.done $0x0  }
0x183: {  	s8 =	rddreg [dreg:$0xf];
	[sflag:s10] =	ssyncadd.s32 $0xFFFFC000  }
0x184: {  	[tilespmem:s13], [sflag:$0x1] =	stream.indirect.gather [hbm4b:s0+s12], $0x80, s8, s12, $0xb8;
	[tilespmem:$0x1CC00] =	vst v63  }
0x185: {  	s9 =	rddreg [dreg:$0x10]  }
0x186: {  	[tilespmem:s14], [sflag:$0x2] =	stream.indirect.gather [hbm4b:s0+s12], $0x80, s9, s12, $0xb8;
	[tilespmem:$0x1CC00] =	vst v63  }
0x187: {  	_ =	swait.ge [sflag:s15], $0x4000  }
0x188: {  	[sflag:s15] =	ssyncset.done $0x0  }
0x189: {  	s8 =	rddreg [dreg:$0x11];
	[sflag:s15] =	ssyncadd.s32 $0xFFFFC000  }
0x18a: {  	[spmem:s3] =	stream.indirect.scatter.add.f32 [tilespmem:s13], [sflag:$0x3], $0x80, s8, s12, $0xb8;
	[tilespmem:$0x1CC00] =	vst v63  }
0x18b: {  	_ =	swait.ge [sflag:s10], $0x4000  }
0x18c: {  	[sflag:s10] =	ssyncset.done $0x0  }
0x18d: {  	[sflag:s10] =	ssyncadd.s32 $0xFFFFC000  }
0x18e: {  	_ =	swait.ge [sflag:s16], $0x4000  }
0x18f: {  	[sflag:s16] =	ssyncset.done $0x0  }
0x190: {  	[sflag:s16] =	ssyncadd.s32 $0xFFFFC000  }
0x191: {  	[spmem:s3] =	stream.indirect.scatter.add.f32 [tilespmem:s14], [sflag:$0x3], $0x80, s17, s12, $0xb8;
	[tilespmem:$0x1CC00] =	vst v63  }
0x192: {  	_ =	swait.ge [sflag:s10], $0x4000  }
0x193: {  	[sflag:s10] =	ssyncset.done $0x0  }
0x194: {  	[sflag:s10] =	ssyncadd.s32 $0xFFFFC000  }
0x195: {  	[tilespmem:s13], [sflag:$0x1] =	stream.indirect.gather [hbm4b:s0+s12], $0x80, s18, s12, $0xb8;
	[tilespmem:$0x1CC00] =	vst v63  }
0x196: {  	_ = 	snop  }
0x197: {  	[tilespmem:s14], [sflag:$0x2] =	stream.indirect.gather [hbm4b:s0+s12], $0x80, s19, s12, $0xb8;
	[tilespmem:$0x1CC00] =	vst v63  }
0x198: {  	_ =	swait.ge [sflag:s15], $0x4000  }
0x199: {  	[sflag:s15] =	ssyncset.done $0x0  }
0x19a: {  	[sflag:s15] =	ssyncadd.s32 $0xFFFFC000  }
0x19b: {  	[spmem:s3] =	stream.indirect.scatter.add.f32 [tilespmem:s13], [sflag:$0x3], $0x80, s20, s12, $0xb8;
	[tilespmem:$0x1CC00] =	vst v63  }
0x19c: {  	_ =	swait.ge [sflag:s10], $0x4000  }
0x19d: {  	[sflag:s10] =	ssyncset.done $0x0  }
0x19e: {  	[sflag:s10] =	ssyncadd.s32 $0xFFFFC000  }
0x19f: {  	_ =	swait.ge [sflag:s16], $0x4000  }
0x1a0: {  	[sflag:s16] =	ssyncset.done $0x0  }
0x1a1: {  	[sflag:s16] =	ssyncadd.s32 $0xFFFFC000  }
0x1a2: {  	[spmem:s3] =	stream.indirect.scatter.add.f32 [tilespmem:s14], [sflag:$0x3], $0x80, s21, s12, $0xb8;
	[tilespmem:$0x1CC00] =	vst v63  }
0x1a3: {  	_ =	swait.ge [sflag:s10], $0x4000  }
0x1a4: {  	[sflag:s10] =	ssyncset.done $0x0  }
0x1a5: {  	[sflag:s10] =	ssyncadd.s32 $0xFFFFC000  }
0x1a6: {  	[tilespmem:s13], [sflag:$0x1] =	stream.indirect.gather [hbm4b:s0+s12], $0x80, s22, s12, $0xb8;
	[tilespmem:$0x1CC00] =	vst v63  }
0x1a7: {  	_ = 	snop  }
0x1a8: {  	[tilespmem:s14], [sflag:$0x2] =	stream.indirect.gather [hbm4b:s0+s12], $0x80, s23, s12, $0xb8;
	[tilespmem:$0x1CC00] =	vst v63  }
0x1a9: {  	_ =	swait.ge [sflag:s15], $0x4000  }
0x1aa: {  	[sflag:s15] =	ssyncset.done $0x0  }
0x1ab: {  	[sflag:s15] =	ssyncadd.s32 $0xFFFFC000  }
0x1ac: {  	[spmem:s3] =	stream.indirect.scatter.add.f32 [tilespmem:s13], [sflag:$0x3], $0x80, s24, s12, $0xb8;
	[tilespmem:$0x1CC00] =	vst v63  }
0x1ad: {  	_ =	swait.ge [sflag:s10], $0x4000  }
0x1ae: {  	[sflag:s10] =	ssyncset.done $0x0  }
0x1af: {  	[sflag:s10] =	ssyncadd.s32 $0xFFFFC000  }
0x1b0: {  	_ =	swait.ge [sflag:s16], $0x4000  }
0x1b1: {  	[sflag:s16] =	ssyncset.done $0x0  }
0x1b2: {  	[sflag:s16] =	ssyncadd.s32 $0xFFFFC000  }
0x1b3: {  	[spmem:s3] =	stream.indirect.scatter.add.f32 [tilespmem:s14], [sflag:$0x3], $0x80, s25, s12, $0xb8;
	[tilespmem:$0x1CC00] =	vst v63  }
0x1b4: {  	_ =	swait.ge [sflag:s10], $0x4000  }
0x1b5: {  	[sflag:s10] =	ssyncset.done $0x0  }
0x1b6: {  	[sflag:s10] =	ssyncadd.s32 $0xFFFFC000  }
0x1b7: {  	[tilespmem:s13], [sflag:$0x1] =	stream.indirect.gather [hbm4b:s0+s12], $0x80, s26, s12, $0xb8;
	[tilespmem:$0x1CC00] =	vst v63  }
0x1b8: {  	_ = 	snop  }
0x1b9: {  	[tilespmem:s14], [sflag:$0x2] =	stream.indirect.gather [hbm4b:s0+s12], $0x80, s28, s12, $0xb8;
	[tilespmem:$0x1CC00] =	vst v63  }
0x1ba: {  	_ =	swait.ge [sflag:s15], $0x4000  }
0x1bb: {  	[sflag:s15] =	ssyncset.done $0x0  }
0x1bc: {  	[sflag:s15] =	ssyncadd.s32 $0xFFFFC000  }
0x1bd: {  	[spmem:s3] =	stream.indirect.scatter.add.f32 [tilespmem:s13], [sflag:$0x3], $0x80, s29, s12, $0xb8;
	[tilespmem:$0x1CC00] =	vst v63  }
0x1be: {  	_ =	swait.ge [sflag:s10], $0x4000  }
0x1bf: {  	[sflag:s10] =	ssyncset.done $0x0  }
0x1c0: {  	[sflag:s10] =	ssyncadd.s32 $0xFFFFC000  }
0x1c1: {  	_ =	swait.ge [sflag:s16], $0x4000  }
0x1c2: {  	[sflag:s16] =	ssyncset.done $0x0  }
0x1c3: {  	[sflag:s16] =	ssyncadd.s32 $0xFFFFC000  }
0x1c4: {  	[spmem:s3] =	stream.indirect.scatter.add.f32 [tilespmem:s14], [sflag:$0x3], $0x80, s30, s12, $0xb8;
	[tilespmem:$0x1CC00] =	vst v63  }
0x1c5: {  	_ =	swait.ge [sflag:s10], $0x4000  }
0x1c6: {  	[sflag:s10] =	ssyncset.done $0x0  }
0x1c7: {  	[sflag:s10] =	ssyncadd.s32 $0xFFFFC000  }
0x1c8: {  	[tilespmem:s13], [sflag:$0x1] =	stream.indirect.gather [hbm4b:s0+s12], $0x80, s31, s12, $0xb8;
	[tilespmem:$0x1CC00] =	vst v63  }
0x1c9: {  	_ = 	snop  }
0x1ca: {  	[tilespmem:s14], [sflag:$0x2] =	stream.indirect.gather [hbm4b:s0+s12], $0x80, s1, s12, $0xb8;
	[tilespmem:$0x1CC00] =	vst v63  }
0x1cb: {  	_ =	swait.ge [sflag:s15], $0x4000  }
0x1cc: {  	[sflag:s15] =	ssyncset.done $0x0  }
0x1cd: {  	[sflag:s15] =	ssyncadd.s32 $0xFFFFC000  }
0x1ce: {  	[spmem:s3] =	stream.indirect.scatter.add.f32 [tilespmem:s13], [sflag:$0x3], $0x80, s2, s12, $0xb8;
	[tilespmem:$0x1CC00] =	vst v63  }
0x1cf: {  	_ =	swait.ge [sflag:s10], $0x4000  }
0x1d0: {  	[sflag:s10] =	ssyncset.done $0x0  }
0x1d1: {  	[sflag:s10] =	ssyncadd.s32 $0xFFFFC000  }
0x1d2: {  	_ =	swait.ge [sflag:s16], $0x4000  }
0x1d3: {  	[sflag:s16] =	ssyncset.done $0x0  }
0x1d4: {  	[sflag:s16] =	ssyncadd.s32 $0xFFFFC000  }
0x1d5: {  	[spmem:s3] =	stream.indirect.scatter.add.f32 [tilespmem:s14], [sflag:$0x3], $0x80, s5, s12, $0xb8;
	[tilespmem:$0x1CC00] =	vst v63  }
0x1d6: {  	_ =	swait.ge [sflag:s10], $0x4000  }
0x1d7: {  	[sflag:s10] =	ssyncset.done $0x0  }
0x1d8: {  	[sflag:s10] =	ssyncadd.s32 $0xFFFFC000  }
0x1d9: {  	[bflag:$0x0] =	sbarrier.arrive $0xFFFF  }
0x1da: {  	s7 =	rddreg [dreg:$0x13]  }
0x1db: {  	s9 =	rddreg [dreg:$0x14]  }
0x1dc: {  	s8 =	rddreg [dreg:$0x16]  }
0x1dd: {  	[hbm:s9], [sflag:s7] =	dma.local [spmem:s8], $0x2780  }
0x1de: {  	_ =	swait.ge [sflag:s10], $0x2780  }
0x1df: {  	s6 =	rddreg [dreg:$0x17]  }
0x1e0: {  	s9 =	sadd.s32 $0x1, s6;
	s6 =	rddreg [dreg:$0x15]  }
0x1e1: {  	p0 =	sne.s32 s9, s6  }
.Ltmp1:
0x1e2: {  	_ = 	snop;
	(pc) =	sbr.rel @p0 .LBB2_1-.Ltmp1, $3  }
0x1e3: {  	_ =	sdelay $0x1  }
0x1e4: {  	[sflag:s10] =	ssyncset.done $0x0  }
0x1e5: {  	[sflag:s10] =	ssyncadd.s32 $0xFFFFD880  }
0x1e6: {  	_ =	sfence.sel $0x180000  }
0x1e7: {  	[bflag:$0x0] =	sbarrier.arrive $0xFFFF  }
0x1e8: {  	_ =	strace $0x9000004D  }
0x1e9: {  	s0 =	stileid.u32;
	[bflag:$0x2] =	sbarrier.arrive $0xFFFF  }
0x1ea: {  	p0 =	sne.s32 s0, $0x0;
	s0 =	rddreg [dreg:$0x3]  }
0x1eb: {  	s0 =	sadd.s32 @!p0 $0x100000, s0  }
0x1ec: {  	[sflag:s0] =	ssyncadd.tile.s32 @!p0 $0x1;
	_ =	shalt  }
.Lfunc_end2:
_tile_overlayer_lowered:
.L_overlay_start_2:
0x1ed: {  	(tag) =	ssettag $0x2  }
0x1ee: {  	s0 =	rddreg [dreg:$0x0];
	s2 =	stileid.u32  }
0x1ef: {  	s1 =	rddreg [dreg:$0x1];
	p0 =	sne.s32 s2, $0x0  }
0x1f0: {  	s3 =	rddreg [dreg:$0x2];
	[bflag:$0x3] =	sbarrier.arrive $0xFFFF;
	s2 =	simm.s32 @!p0 $0x1C03  }
0x1f1: {  	[timem:s3], [sflag:s2] =	dma.local @!p0 [hbm:s0], s1  }
0x1f2: {  	s0 =	simm.s32 @!p0 $0x3  }
0x1f3: {  	_ =	swait.ge @!p0 [sflag:s0], s1  }
0x1f4: {  	s1 =	ssub.s32 @!p0 $0x0, s1;
	[sflag:s0] =	ssyncset.done @!p0 $0x0  }
0x1f5: {  	[sflag:s0] =	ssyncadd.s32 @!p0 s1  }
0x1f6: {  	[bflag:$0x3] =	sbarrier.arrive $0xFFFF  }
0x1f7: {  	_ =	shalt  }

// kernel: kernel.9.cloned.1.call-start
scs
__scs_entry_jumppad:
0x0: {  	(pc) =	sbr.rel $0x88, $3  }
0x1: {  	(tag) =	ssettag $0x0;
	lr =	simm.s32 $0x1  }
0x2: {  	[smem:$0x3F9B] =	sst lr;
	_ =	strace $0xD0000000  }
0x3: {  	_ = 	snop  }
0x4: {  	_ = 	snop  }
0x5: {  	_ = 	snop  }
0x6: {  	_ = 	snop  }
0x7: {  	_ = 	snop  }
__scs_overlays_trampoline_lowered:
0x8: {  	[smem:$0x3FAA] =	sst s0  }
0x9: {  	[smem:$0x3FAB] =	sst s1  }
0xa: {  	[smem:$0x3FAC] =	sst s2  }
0xb: {  	[smem:$0x3FAD] =	sst s3  }
0xc: {  	[smem:$0x3FAE] =	sst s4  }
0xd: {  	[smem:$0x3FAF] =	sst s5  }
0xe: {  	[smem:$0x3FB0] =	sst s6  }
0xf: {  	[smem:$0x3FB1] =	sst s7  }
0x10: {  	[smem:$0x3FB2] =	sst s8  }
0x11: {  	[smem:$0x3FB3] =	sst s9;
	s0 =	simm.s32 @!p0 $0x0  }
0x12: {  	s1 =	sld [smem:$0x3F99];
	s0 =	simm.s32 @p0 $0x1  }
0x13: {  	[smem:$0x3FB4] =	sst s0;
	s0 =	simm.s32 @!p1 $0x0  }
0x14: {  	s2 =	sld [smem:$0x3F98];
	s0 =	simm.s32 @p1 $0x1  }
0x15: {  	[smem:$0x3FB5] =	sst s0;
	s0 =	simm.s32 @!p2 $0x0  }
0x16: {  	s3 =	sld [smem:$0x3FDB];
	s0 =	simm.s32 @p2 $0x1  }
0x17: {  	s4 =	simm.s32 $0x1BF5;
	[smem:$0x3FB7] =	sst s0  }
0x18: {  	s0 =	sld [smem:$0x3F9A];
	_ =	swait.ge [sflag:s4], $0x0  }
0x19: {  	s7 =	sld [smem:$0x3F9B]  }
0x1a: {  	s8 =	sadd.s32 $0xFFFFE003, lr  }
0x1b: {  	s9 =	sadd.s32 $0xFFFFFEF7, lr;
	s5 =	simm.s32 $0xFFFFFFFF;
	p2 =	slt.u32 s8, $0xFFFFF086  }
0x1c: {  	p1 =	slt.u32 s9, $0xF7A;
	s5 =	simm.s32 @!p2 $0x0  }
0x1d: {  	s5 =	simm.s32 @p1 $0x1;
	p0 =	seq.s32 s7, s2  }
0x1e: {  	s7 =	smul.u32 @!p0 $0xF7A, s2;
	p2 =	seq.s32 @!p0 s5, $0x0  }
0x1f: {  	s9 =	smul.u32 $0xF7A, s1;
	s8 =	simm.s32 @!p0 $0x1BF5;
	p2 =	por !p2, p0  }
0x20: {  	[sflag:s8] =	ssyncset.s32 @!p0 $0xFFFFF086;
	s6 =	sadd.s32 @!p0 s3, s7;
	s7 =	simm.s32 @!p0 $0x108  }
0x21: {  	s3 =	sadd.s32 s3, s9;
	s6 =	sadd.s32 @!p0 $0x88, s6;
	s7 =	simm.s32 @p2 $0x1082  }
0x22: {  	[simem:s7], [sflag:s8] =	dma.local @!p0 [hbm:s6], $0xF7A  }
0x23: {  	s9 =	sor.u32 $0xD0000000, s2;
	s6 =	simm.s32 $0x108;
	_ =	swait.ge @!p0 [sflag:s8], $0x0  }
0x24: {  	s3 =	sadd.s32 $0x88, s3;
	s6 =	simm.s32 @!p1 $0x1082;
	[sflag:s4] =	ssyncset.s32 $0xFFFFF086  }
0x25: {  	[simem:s6], [sflag:s4] =	dma.local [hbm:s3], $0xF7A  }
0x26: {  	[smem:$0x3F9B] =	sst s1;
	(tag) =	ssettag s2;
	_ =	strace s9  }
0x27: {  	s1 =	sld [smem:$0x3FAB]  }
0x28: {  	s2 =	sld [smem:$0x3FAC]  }
0x29: {  	s4 =	sld [smem:$0x3FAE]  }
0x2a: {  	p0 =	seq.s32 s5, $0x0;
	s5 =	sld [smem:$0x3FAF]  }
0x2b: {  	s6 =	sld [smem:$0x3FB0]  }
0x2c: {  	s7 =	sld [smem:$0x3FB1]  }
0x2d: {  	s3 =	simm.s32 $0x108;
	s8 =	sld [smem:$0x3FB2]  }
0x2e: {  	s3 =	simm.s32 @!p0 $0x1082;
	s9 =	sld [smem:$0x3FB3]  }
0x2f: {  	lr =	sadd.s32 s0, s3;
	s0 =	sld [smem:$0x3FAA]  }
0x30: {  	s3 =	sld [smem:$0x3FAD]  }
0x31: {  	[smem:$0x3FB6] =	sst s10  }
0x32: {  	s10 =	sld [smem:$0x3FB4];
	_ =	sdelay $0x3  }
0x33: {  	p0 =	seq.s32 s10, $0x1;
	s10 =	sld [smem:$0x3FB6];
	_ =	sdelay $0x3  }
0x34: {  	[smem:$0x3FB6] =	sst s10  }
0x35: {  	s10 =	sld [smem:$0x3FB5];
	_ =	sdelay $0x3  }
0x36: {  	p1 =	seq.s32 s10, $0x1;
	s10 =	sld [smem:$0x3FB6];
	_ =	sdelay $0x3  }
0x37: {  	[smem:$0x3FB6] =	sst s10  }
0x38: {  	s10 =	sld [smem:$0x3FB7]  }
0x39: {  	_ = 	snop;
	(pc) =	sbr.ind lr, $3  }
0x3a: {  	_ = 	snop  }
0x3b: {  	_ = 	snop  }
0x3c: {  	p2 =	seq.s32 s10, $0x1;
	s10 =	sld [smem:$0x3FB6]  }
0x3d: {  	_ =	shalt  }
0x3e: {  	_ =	shalt  }
0x3f: {  	_ =	shalt  }
0x40: {  	_ =	shalt  }
0x41: {  	_ =	shalt  }
0x42: {  	_ =	shalt  }
0x43: {  	_ =	shalt  }
0x44: {  	_ =	shalt  }
0x45: {  	_ =	shalt  }
0x46: {  	_ =	shalt  }
0x47: {  	_ =	shalt  }
0x48: {  	_ =	shalt  }
0x49: {  	_ =	shalt  }
0x4a: {  	_ =	shalt  }
0x4b: {  	_ =	shalt  }
0x4c: {  	_ =	shalt  }
0x4d: {  	_ =	shalt  }
0x4e: {  	_ =	shalt  }
0x4f: {  	_ =	shalt  }
0x50: {  	_ =	shalt  }
0x51: {  	_ =	shalt  }
0x52: {  	_ =	shalt  }
0x53: {  	_ =	shalt  }
0x54: {  	_ =	shalt  }
0x55: {  	_ =	shalt  }
0x56: {  	_ =	shalt  }
0x57: {  	_ =	shalt  }
0x58: {  	_ =	shalt  }
0x59: {  	_ =	shalt  }
0x5a: {  	_ =	shalt  }
0x5b: {  	_ =	shalt  }
0x5c: {  	_ =	shalt  }
0x5d: {  	_ =	shalt  }
0x5e: {  	_ =	shalt  }
0x5f: {  	_ =	shalt  }
0x60: {  	_ =	shalt  }
0x61: {  	_ =	shalt  }
0x62: {  	_ =	shalt  }
0x63: {  	_ =	shalt  }
0x64: {  	_ =	shalt  }
0x65: {  	_ =	shalt  }
0x66: {  	_ =	shalt  }
0x67: {  	_ =	shalt  }
0x68: {  	_ =	shalt  }
0x69: {  	_ =	shalt  }
0x6a: {  	_ =	shalt  }
0x6b: {  	_ =	shalt  }
0x6c: {  	_ =	shalt  }
0x6d: {  	_ =	shalt  }
0x6e: {  	_ =	shalt  }
0x6f: {  	_ =	shalt  }
0x70: {  	_ =	shalt  }
0x71: {  	_ =	shalt  }
0x72: {  	_ =	shalt  }
0x73: {  	_ =	shalt  }
0x74: {  	_ =	shalt  }
0x75: {  	_ =	shalt  }
0x76: {  	_ =	shalt  }
0x77: {  	_ =	shalt  }
0x78: {  	_ =	shalt  }
0x79: {  	_ =	shalt  }
0x7a: {  	_ =	shalt  }
0x7b: {  	_ =	shalt  }
0x7c: {  	_ =	shalt  }
0x7d: {  	_ =	shalt  }
0x7e: {  	_ =	shalt  }
0x7f: {  	_ =	shalt  }
0x80: {  	_ =	shalt  }
0x81: {  	_ =	shalt  }
0x82: {  	_ =	shalt  }
0x83: {  	_ =	shalt  }
0x84: {  	_ =	shalt  }
0x85: {  	_ =	shalt  }
0x86: {  	_ =	shalt  }
0x87: {  	_ =	shalt  }
.Lfunc_end0:
.L_simem_size_0:
called_computation_lowered:
.L_overlay_start_0:
0x88: {  	s2 =	sld [smem:$0x3FD9]  }
0x89: {  	s3 =	sld [smem:$0x3FFE];
	_ =	sdelay $0x1  }
0x8a: {  	s1 =	srdreg.scid  }
0x8b: {  	s0 =	sand.u32 $0x1, s1  }
0x8c: {  	s17 =	sshll.u32 s0, $0xA;
	s2 =	sadd.s32 s3, s2  }
0x8d: {  	s2 =	sadd.s32 s2, s17  }
0x8e: {  	[smem:$0x3FC2] =	sst s2  }
0x8f: {  	_ = 	snop  }
0x90: {  	s2 =	sld [smem:$0x3FD0];
	(tm) =	ssettm $0x1  }
0x91: {  	s18 =	sld [smem:$0x3FFB];
	_ =	sdelay $0x3  }
0x92: {  	_ =	strace s18  }
0x93: {  	s3 =	sld [smem:$0x3FFC];
	_ =	sdelay $0x3  }
0x94: {  	_ =	strace s3  }
0x95: {  	s3 =	sld [smem:$0x3FFD];
	_ =	sdelay $0x3  }
0x96: {  	_ =	strace s3  }
0x97: {  	_ =	strace $0x8FFFFFFF  }
0x98: {  	s19 =	sld [smem:$0x3FDB];
	_ =	sdelay $0x1  }
0x99: {  	s4 =	simm.s32 $_scs_section_size  }
0x9a: {  	s5 =	simm.s32 $_size__tile_overlayer_lowered;
	s6 =	simm.s32 $_tile_overlayer_lowered  }
0x9b: {  	s22 =	simm.s32 $0x1BFF;
	s21 =	sshll.u32 s6, $0x1;
	s3 =	sadd.s32 s4, s19  }
0x9c: {  	s7 =	simm.s32 $0x0;
	s20 =	sshll.u32 s5, $0x1;
	s5 =	sadd.s32 s21, s3  }
0x9d: {  	[timem:s7], [sflag:s22] =	dma.local [hbm:s5], s20  }
0x9e: {  	_ =	swait.ge [sflag:s22], s20  }
0x9f: {  	s4 =	ssub.s32 $0x0, s20;
	[sflag:s22] =	ssyncset.done $0x0  }
0xa0: {  	[sflag:s22] =	ssyncadd.s32 s4;
	_ =	sdelay $0x1  }
0xa1: {  	s23 =	simm.s32 $0x1B8B  }
0xa2: {  	_ =	swait.ge [sflag:s23], $0x1  }
0xa3: {  	[sflag:s23] =	ssyncset.done $0x0  }
0xa4: {  	s25 =	simm.s32 $0x1B8E;
	s24 =	sld [smem:$0x3FFE];
	[sflag:s23] =	ssyncadd.s32 $0xFFFFFFFF  }
0xa5: {  	s26 =	simm.s32 $execute0_lowered;
	[smem:$0x3FD2] =	sst s25  }
0xa6: {  	s5 =	sshll.u32 s26, $0x1;
	_ =	strace $0x80000046;
	[dreg:$0x1] =	wrdreg $0xFFFFFFFF  }
0xa7: {  	s28 =	simm.s32 $_size_execute0_lowered;
	s3 =	sadd.s32 s3, s5;
	[dreg:$0x0] =	wrdreg $0x0  }
0xa8: {  	s5 =	sshll.u32 s28, $0x1;
	[dreg:$0x2] =	wrdreg s3  }
0xa9: {  	[dreg:$0x3] =	wrdreg s5  }
0xaa: {  	[dreg:$0x4] =	wrdreg $0xC0  }
0xab: {  	_ =	task [dreg:s7], $0x5FFFF  }
0xac: {  	[dreg:$0x1] =	wrdreg $0xFFFFFFFF  }
0xad: {  	[dreg:$0x0] =	wrdreg $0x60  }
0xae: {  	[dreg:$0x2] =	wrdreg s24  }
0xaf: {  	[dreg:$0x3] =	wrdreg s2  }
0xb0: {  	[dreg:$0x4] =	wrdreg $0x68000  }
0xb1: {  	[dreg:$0x5] =	wrdreg $0x9  }
0xb2: {  	_ =	task.clear_ibuf [dreg:s7], $0x6FFFF;
	_ =	strace $0x90000046  }
0xb3: {  	s29 =	simm.s32 $0x9;
	_ =	strace $0x80000048  }
0xb4: {  	_ =	swait.ge [sflag:s29], $0x1  }
0xb5: {  	[sflag:s29] =	ssyncadd.s32 $0xFFFFFFFF  }
0xb6: {  	_ =	strace $0x90000048  }
0xb7: {  	_ =	sfence  }
0xb8: {  	s30 =	sld [smem:$0x0];
	_ =	sdelay $0x2  }
0xb9: {  	s31 =	sshll.u32 s1, $0xD;
	s1 =	sshrl.u32 s1, $0x2  }
0xba: {  	s3 =	sand.u32 $0x4000, s31;
	s1 =	sadd.s32 s1, s30  }
0xbb: {  	s0 =	sor.u32 s3, s0;
	s1 =	sshll.u32 s1, $0x11  }
0xbc: {  	s0 =	sor.u32 s1, s0  }
0xbd: {  	s0 =	sadd.s32 $0x8F2B, s0  }
0xbe: {  	[sflag:s0] =	ssyncadd.remote.s32 $0x1  }
0xbf: {  	_ =	sfence.sel $0xFFFF  }
0xc0: {  	[dreg:$0x0] =	wrdreg $0xFFFFFFFF;
	(pc) =	sbr.abs _section_cstart, $3  }
0xc1: {  	[dreg:$0x1] =	wrdreg $0xFFFFFFFF  }
0xc2: {  	_ =	task.clear_ibuf [dreg:s7], $0x2FFFF;
	_ =	strace $0x9FFFFFFF  }
0xc3: {  	(tm) =	ssettm $0x7FFFFFFF  }
tec
execute0_lowered:
.L_overlay_start_1:
0x0: {  	(tag) =	ssettag $0x1  }
0x1: {  	s7 =	rddreg [dreg:$0x0]  }
0x2: {  	s0 =	srdreg.scid;
	s2 =	rddreg [dreg:$0x1]  }
0x3: {  	s3 =	rddreg [dreg:$0x2];
	s4 =	simm.s32 $0x0;
	s6 =	sand.u32 $0x1, s0  }
0x4: {  	s13 =	simm.s32 $0x80;
	s0 =	stileid.u32;
	s8 =	smul.u32 $0x13C000, s6  }
0x5: {  	s14 =	simm.s32 $0x0;
	[smem:$0x7FF] =	sst s4;
	s9 =	smul.u32 $0x13C00, s0  }
0x6: {  	s1 =	sshll.u32 s6, $0x4;
	s29 =	smul.u32 $0x4F000, s0;
	s6 =	ssub.s32 $0x2, s6  }
0x7: {  	s31 =	sshll.u32 s0, $0x6;
	s1 =	sor.u32 s0, s1;
	s30 =	sshrl.u32 s6, $0x1  }
0x8: {  	s5 =	smul.u32 $0x500, s1;
	s1 =	rddreg [dreg:$0x3];
	_ =	strace $0x80000047  }
0x9: {  	s8 =	sadd.s32 s9, s8;
	s9 =	sshrl.u32 s29, $0x2;
	s11 =	ssub.s32 s6, s30  }
0xa: {  	s6 =	sor.u32 $0x1C01, s31;
	s8 =	sshrl.u32 s8, $0x3;
	s12 =	sadd.s32 s9, s3  }
0xb: {  	s9 =	smax.u32 s11, $0x1;
	s11 =	simm.s32 $0x1;
	s10 =	sadd.s32 s5, s7  }
0xc: {  	s5 =	sadd.s32 $0xC800, s7;
	s8 =	sadd.s32 s8, s7;
	s7 =	sadd.s32 $0x2800, s10  }
0xd: {  	s8 =	sadd.s32 $0xF000, s8;
	s10 =	sshrl.u32 s12, $0x3;
	s12 =	simm.s32 $0x2800  }
.LBB2_1:
0xe: {  	[spmem:s10], [sflag:s6] =	dma.local [hbm:s5], $0x2780  }
0xf: {  	_ =	swait.ge [sflag:s11], $0x2780  }
0x10: {  	[sflag:s11] =	ssyncset.done $0x0  }
0x11: {  	[sflag:s11] =	ssyncadd.s32 $0xFFFFD880  }
0x12: {  	[tilespmem:s4], [sflag:$0x1] =	stream.linear.gather [hbm4b:s7+s4], $0x2800, $0x38;
	[tilespmem:$0x1A400] =	vst v63  }
0x13: {  	_ =	swait.ge [sflag:s11], $0x2800  }
0x14: {  	[sflag:s11] =	ssyncset.done $0x0  }
0x15: {  	[sflag:s11] =	ssyncadd.s32 $0xFFFFD800  }
0x16: {  	[tilespmem:s12], [sflag:$0x1] =	stream.linear.gather [hbm4b:s2+s4], $0x4000, $0x38;
	[tilespmem:$0x1A400] =	vst v63  }
0x17: {  	_ =	swait.ge [sflag:s11], $0x4000  }
0x18: {  	[sflag:s11] =	ssyncset.done $0x0  }
0x19: {  	[sflag:s11] =	ssyncadd.s32 $0xFFFFC000  }
0x1a: {  	s15 =	simm.s32 $0x0;
	[bflag:$0x0] =	sbarrier.arrive $0xFFFF  }
0x1b: {  	[spmem:s3] =	stream.indirect.scatter.add.f32 [tilespmem:s12], [sflag:$0x1], $0x80, s15, s13, $0xb8;
	[tilespmem:$0x1A400] =	vst v63  }
0x1c: {  	_ =	swait.ge [sflag:s11], $0x4000  }
0x1d: {  	[sflag:s11] =	ssyncset.done $0x0  }
0x1e: {  	s16 =	simm.s32 $0x80;
	[sflag:s11] =	ssyncadd.s32 $0xFFFFC000  }
0x1f: {  	[spmem:s3] =	stream.indirect.scatter.add.f32 [tilespmem:s12], [sflag:$0x1], $0x80, s16, s13, $0xb8;
	[tilespmem:$0x1A400] =	vst v63  }
0x20: {  	_ =	swait.ge [sflag:s11], $0x4000  }
0x21: {  	[sflag:s11] =	ssyncset.done $0x0  }
0x22: {  	s17 =	simm.s32 $0x100;
	[sflag:s11] =	ssyncadd.s32 $0xFFFFC000  }
0x23: {  	[spmem:s3] =	stream.indirect.scatter.add.f32 [tilespmem:s12], [sflag:$0x1], $0x80, s17, s13, $0xb8;
	[tilespmem:$0x1A400] =	vst v63  }
0x24: {  	_ =	swait.ge [sflag:s11], $0x4000  }
0x25: {  	[sflag:s11] =	ssyncset.done $0x0  }
0x26: {  	s18 =	simm.s32 $0x180;
	[sflag:s11] =	ssyncadd.s32 $0xFFFFC000  }
0x27: {  	[spmem:s3] =	stream.indirect.scatter.add.f32 [tilespmem:s12], [sflag:$0x1], $0x80, s18, s13, $0xb8;
	[tilespmem:$0x1A400] =	vst v63  }
0x28: {  	_ =	swait.ge [sflag:s11], $0x4000  }
0x29: {  	[sflag:s11] =	ssyncset.done $0x0  }
0x2a: {  	s19 =	simm.s32 $0x200;
	[sflag:s11] =	ssyncadd.s32 $0xFFFFC000  }
0x2b: {  	[spmem:s3] =	stream.indirect.scatter.add.f32 [tilespmem:s12], [sflag:$0x1], $0x80, s19, s13, $0xb8;
	[tilespmem:$0x1A400] =	vst v63  }
0x2c: {  	_ =	swait.ge [sflag:s11], $0x4000  }
0x2d: {  	[sflag:s11] =	ssyncset.done $0x0  }
0x2e: {  	s20 =	simm.s32 $0x280;
	[sflag:s11] =	ssyncadd.s32 $0xFFFFC000  }
0x2f: {  	[spmem:s3] =	stream.indirect.scatter.add.f32 [tilespmem:s12], [sflag:$0x1], $0x80, s20, s13, $0xb8;
	[tilespmem:$0x1A400] =	vst v63  }
0x30: {  	_ =	swait.ge [sflag:s11], $0x4000  }
0x31: {  	[sflag:s11] =	ssyncset.done $0x0  }
0x32: {  	s21 =	simm.s32 $0x300;
	[sflag:s11] =	ssyncadd.s32 $0xFFFFC000  }
0x33: {  	[spmem:s3] =	stream.indirect.scatter.add.f32 [tilespmem:s12], [sflag:$0x1], $0x80, s21, s13, $0xb8;
	[tilespmem:$0x1A400] =	vst v63  }
0x34: {  	_ =	swait.ge [sflag:s11], $0x4000  }
0x35: {  	[sflag:s11] =	ssyncset.done $0x0  }
0x36: {  	s22 =	simm.s32 $0x380;
	[sflag:s11] =	ssyncadd.s32 $0xFFFFC000  }
0x37: {  	[spmem:s3] =	stream.indirect.scatter.add.f32 [tilespmem:s12], [sflag:$0x1], $0x80, s22, s13, $0xb8;
	[tilespmem:$0x1A400] =	vst v63  }
0x38: {  	_ =	swait.ge [sflag:s11], $0x4000  }
0x39: {  	[sflag:s11] =	ssyncset.done $0x0  }
0x3a: {  	s23 =	simm.s32 $0x400;
	[sflag:s11] =	ssyncadd.s32 $0xFFFFC000  }
0x3b: {  	[spmem:s3] =	stream.indirect.scatter.add.f32 [tilespmem:s12], [sflag:$0x1], $0x80, s23, s13, $0xb8;
	[tilespmem:$0x1A400] =	vst v63  }
0x3c: {  	_ =	swait.ge [sflag:s11], $0x4000  }
0x3d: {  	[sflag:s11] =	ssyncset.done $0x0  }
0x3e: {  	s24 =	simm.s32 $0x480;
	[sflag:s11] =	ssyncadd.s32 $0xFFFFC000  }
0x3f: {  	[spmem:s3] =	stream.indirect.scatter.add.f32 [tilespmem:s12], [sflag:$0x1], $0x80, s24, s13, $0xb8;
	[tilespmem:$0x1A400] =	vst v63  }
0x40: {  	_ =	swait.ge [sflag:s11], $0x4000  }
0x41: {  	[sflag:s11] =	ssyncset.done $0x0  }
0x42: {  	s25 =	simm.s32 $0x500;
	[sflag:s11] =	ssyncadd.s32 $0xFFFFC000  }
0x43: {  	[spmem:s3] =	stream.indirect.scatter.add.f32 [tilespmem:s12], [sflag:$0x1], $0x80, s25, s13, $0xb8;
	[tilespmem:$0x1A400] =	vst v63  }
0x44: {  	_ =	swait.ge [sflag:s11], $0x4000  }
0x45: {  	[sflag:s11] =	ssyncset.done $0x0  }
0x46: {  	s26 =	simm.s32 $0x580;
	[sflag:s11] =	ssyncadd.s32 $0xFFFFC000  }
0x47: {  	[spmem:s3] =	stream.indirect.scatter.add.f32 [tilespmem:s12], [sflag:$0x1], $0x80, s26, s13, $0xb8;
	[tilespmem:$0x1A400] =	vst v63  }
0x48: {  	_ =	swait.ge [sflag:s11], $0x4000  }
0x49: {  	[sflag:s11] =	ssyncset.done $0x0  }
0x4a: {  	s28 =	simm.s32 $0x600;
	[sflag:s11] =	ssyncadd.s32 $0xFFFFC000  }
0x4b: {  	[spmem:s3] =	stream.indirect.scatter.add.f32 [tilespmem:s12], [sflag:$0x1], $0x80, s28, s13, $0xb8;
	[tilespmem:$0x1A400] =	vst v63  }
0x4c: {  	_ =	swait.ge [sflag:s11], $0x4000  }
0x4d: {  	[sflag:s11] =	ssyncset.done $0x0  }
0x4e: {  	s29 =	simm.s32 $0x680;
	[sflag:s11] =	ssyncadd.s32 $0xFFFFC000  }
0x4f: {  	[spmem:s3] =	stream.indirect.scatter.add.f32 [tilespmem:s12], [sflag:$0x1], $0x80, s29, s13, $0xb8;
	[tilespmem:$0x1A400] =	vst v63  }
0x50: {  	_ =	swait.ge [sflag:s11], $0x4000  }
0x51: {  	[sflag:s11] =	ssyncset.done $0x0  }
0x52: {  	s30 =	simm.s32 $0x700;
	[sflag:s11] =	ssyncadd.s32 $0xFFFFC000  }
0x53: {  	[spmem:s3] =	stream.indirect.scatter.add.f32 [tilespmem:s12], [sflag:$0x1], $0x80, s30, s13, $0xb8;
	[tilespmem:$0x1A400] =	vst v63  }
0x54: {  	_ =	swait.ge [sflag:s11], $0x4000  }
0x55: {  	[sflag:s11] =	ssyncset.done $0x0  }
0x56: {  	s31 =	simm.s32 $0x780;
	[sflag:s11] =	ssyncadd.s32 $0xFFFFC000  }
0x57: {  	[spmem:s3] =	stream.indirect.scatter.add.f32 [tilespmem:s12], [sflag:$0x1], $0x80, s31, s13, $0xb8;
	[tilespmem:$0x1A400] =	vst v63  }
0x58: {  	_ =	swait.ge [sflag:s11], $0x4000  }
0x59: {  	s15 =	simm.s32 $0x2000;
	s18 =	simm.s32 $0x4000;
	[sflag:s11] =	ssyncset.done $0x0  }
.LBB2_2:
0x5a: {  	s17 =	sshra.s32 s15, $0x2  }
0x5b: {  	[sflag:s11] =	ssyncadd.s32 $0xFFFFC000;
	s15 =	smov.u32 s18;
	s16 =	sadd.s32 $0x2000, s18  }
0x5c: {  	[spmem:s3] =	stream.indirect.scatter.add.f32 [tilespmem:s12], [sflag:$0x1], $0x80, s17, s13, $0xb8;
	[tilespmem:$0x1A400] =	vst v63  }
0x5d: {  	p0 =	sne.s32 s18, $0x8000;
	_ =	swait.ge [sflag:s11], $0x4000  }
0x5e: {  	[sflag:s11] =	ssyncset.done $0x0  }
0x5f: {  	s18 =	sadd.s32 $0x80, s17;
	[sflag:s11] =	ssyncadd.s32 $0xFFFFC000  }
0x60: {  	[spmem:s3] =	stream.indirect.scatter.add.f32 [tilespmem:s12], [sflag:$0x1], $0x80, s18, s13, $0xb8;
	[tilespmem:$0x1A400] =	vst v63  }
0x61: {  	_ =	swait.ge [sflag:s11], $0x4000  }
0x62: {  	[sflag:s11] =	ssyncset.done $0x0  }
0x63: {  	s18 =	sadd.s32 $0x100, s17;
	[sflag:s11] =	ssyncadd.s32 $0xFFFFC000  }
0x64: {  	[spmem:s3] =	stream.indirect.scatter.add.f32 [tilespmem:s12], [sflag:$0x1], $0x80, s18, s13, $0xb8;
	[tilespmem:$0x1A400] =	vst v63  }
0x65: {  	_ =	swait.ge [sflag:s11], $0x4000  }
0x66: {  	[sflag:s11] =	ssyncset.done $0x0  }
0x67: {  	s18 =	sadd.s32 $0x180, s17;
	[sflag:s11] =	ssyncadd.s32 $0xFFFFC000  }
0x68: {  	[spmem:s3] =	stream.indirect.scatter.add.f32 [tilespmem:s12], [sflag:$0x1], $0x80, s18, s13, $0xb8;
	[tilespmem:$0x1A400] =	vst v63  }
0x69: {  	_ =	swait.ge [sflag:s11], $0x4000  }
0x6a: {  	[sflag:s11] =	ssyncset.done $0x0  }
0x6b: {  	s18 =	sadd.s32 $0x200, s17;
	[sflag:s11] =	ssyncadd.s32 $0xFFFFC000  }
0x6c: {  	[spmem:s3] =	stream.indirect.scatter.add.f32 [tilespmem:s12], [sflag:$0x1], $0x80, s18, s13, $0xb8;
	[tilespmem:$0x1A400] =	vst v63  }
0x6d: {  	_ =	swait.ge [sflag:s11], $0x4000  }
0x6e: {  	[sflag:s11] =	ssyncset.done $0x0  }
0x6f: {  	s18 =	sadd.s32 $0x280, s17;
	[sflag:s11] =	ssyncadd.s32 $0xFFFFC000  }
0x70: {  	[spmem:s3] =	stream.indirect.scatter.add.f32 [tilespmem:s12], [sflag:$0x1], $0x80, s18, s13, $0xb8;
	[tilespmem:$0x1A400] =	vst v63  }
0x71: {  	_ =	swait.ge [sflag:s11], $0x4000  }
0x72: {  	[sflag:s11] =	ssyncset.done $0x0  }
0x73: {  	s18 =	sadd.s32 $0x300, s17;
	[sflag:s11] =	ssyncadd.s32 $0xFFFFC000  }
0x74: {  	[spmem:s3] =	stream.indirect.scatter.add.f32 [tilespmem:s12], [sflag:$0x1], $0x80, s18, s13, $0xb8;
	[tilespmem:$0x1A400] =	vst v63  }
0x75: {  	_ =	swait.ge [sflag:s11], $0x4000  }
0x76: {  	[sflag:s11] =	ssyncset.done $0x0  }
0x77: {  	s18 =	sadd.s32 $0x380, s17;
	[sflag:s11] =	ssyncadd.s32 $0xFFFFC000  }
0x78: {  	[spmem:s3] =	stream.indirect.scatter.add.f32 [tilespmem:s12], [sflag:$0x1], $0x80, s18, s13, $0xb8;
	[tilespmem:$0x1A400] =	vst v63  }
0x79: {  	_ =	swait.ge [sflag:s11], $0x4000  }
0x7a: {  	[sflag:s11] =	ssyncset.done $0x0  }
0x7b: {  	s18 =	sadd.s32 $0x400, s17;
	[sflag:s11] =	ssyncadd.s32 $0xFFFFC000  }
0x7c: {  	[spmem:s3] =	stream.indirect.scatter.add.f32 [tilespmem:s12], [sflag:$0x1], $0x80, s18, s13, $0xb8;
	[tilespmem:$0x1A400] =	vst v63  }
0x7d: {  	_ =	swait.ge [sflag:s11], $0x4000  }
0x7e: {  	[sflag:s11] =	ssyncset.done $0x0  }
0x7f: {  	s18 =	sadd.s32 $0x480, s17;
	[sflag:s11] =	ssyncadd.s32 $0xFFFFC000  }
0x80: {  	[spmem:s3] =	stream.indirect.scatter.add.f32 [tilespmem:s12], [sflag:$0x1], $0x80, s18, s13, $0xb8;
	[tilespmem:$0x1A400] =	vst v63  }
0x81: {  	_ =	swait.ge [sflag:s11], $0x4000  }
0x82: {  	[sflag:s11] =	ssyncset.done $0x0  }
0x83: {  	s18 =	sadd.s32 $0x500, s17;
	[sflag:s11] =	ssyncadd.s32 $0xFFFFC000  }
0x84: {  	[spmem:s3] =	stream.indirect.scatter.add.f32 [tilespmem:s12], [sflag:$0x1], $0x80, s18, s13, $0xb8;
	[tilespmem:$0x1A400] =	vst v63  }
0x85: {  	_ =	swait.ge [sflag:s11], $0x4000  }
0x86: {  	[sflag:s11] =	ssyncset.done $0x0  }
0x87: {  	s18 =	sadd.s32 $0x580, s17;
	[sflag:s11] =	ssyncadd.s32 $0xFFFFC000  }
0x88: {  	[spmem:s3] =	stream.indirect.scatter.add.f32 [tilespmem:s12], [sflag:$0x1], $0x80, s18, s13, $0xb8;
	[tilespmem:$0x1A400] =	vst v63  }
0x89: {  	_ =	swait.ge [sflag:s11], $0x4000  }
0x8a: {  	[sflag:s11] =	ssyncset.done $0x0  }
0x8b: {  	s18 =	sadd.s32 $0x600, s17;
	[sflag:s11] =	ssyncadd.s32 $0xFFFFC000  }
0x8c: {  	[spmem:s3] =	stream.indirect.scatter.add.f32 [tilespmem:s12], [sflag:$0x1], $0x80, s18, s13, $0xb8;
	[tilespmem:$0x1A400] =	vst v63  }
0x8d: {  	_ =	swait.ge [sflag:s11], $0x4000  }
0x8e: {  	[sflag:s11] =	ssyncset.done $0x0  }
0x8f: {  	s18 =	sadd.s32 $0x680, s17;
	[sflag:s11] =	ssyncadd.s32 $0xFFFFC000  }
0x90: {  	[spmem:s3] =	stream.indirect.scatter.add.f32 [tilespmem:s12], [sflag:$0x1], $0x80, s18, s13, $0xb8;
	[tilespmem:$0x1A400] =	vst v63  }
0x91: {  	_ =	swait.ge [sflag:s11], $0x4000  }
0x92: {  	[sflag:s11] =	ssyncset.done $0x0  }
0x93: {  	s18 =	sadd.s32 $0x700, s17;
	[sflag:s11] =	ssyncadd.s32 $0xFFFFC000  }
0x94: {  	[spmem:s3] =	stream.indirect.scatter.add.f32 [tilespmem:s12], [sflag:$0x1], $0x80, s18, s13, $0xb8;
	[tilespmem:$0x1A400] =	vst v63  }
0x95: {  	_ =	swait.ge [sflag:s11], $0x4000  }
.Ltmp0:
0x96: {  	[sflag:s11] =	ssyncset.done $0x0;
	(pc) =	sbr.rel @p0 .LBB2_2-.Ltmp0, $4  }
0x97: {  	s17 =	sadd.s32 $0x780, s17;
	[sflag:s11] =	ssyncadd.s32 $0xFFFFC000  }
0x98: {  	[spmem:s3] =	stream.indirect.scatter.add.f32 [tilespmem:s12], [sflag:$0x1], $0x80, s17, s13, $0xb8;
	[tilespmem:$0x1A400] =	vst v63  }
0x99: {  	_ =	swait.ge [sflag:s11], $0x4000  }
0x9a: {  	s18 =	smov.u32 s16;
	[sflag:s11] =	ssyncset.done $0x0  }
0x9b: {  	s15 =	sshra.s32 s15, $0x2;
	[sflag:s11] =	ssyncadd.s32 $0xFFFFC000  }
0x9c: {  	[spmem:s3] =	stream.indirect.scatter.add.f32 [tilespmem:s12], [sflag:$0x1], $0x80, s15, s13, $0xb8;
	[tilespmem:$0x1A400] =	vst v63  }
0x9d: {  	_ =	swait.ge [sflag:s11], $0x4000  }
0x9e: {  	[sflag:s11] =	ssyncset.done $0x0  }
0x9f: {  	s16 =	sadd.s32 $0x80, s15;
	[sflag:s11] =	ssyncadd.s32 $0xFFFFC000  }
0xa0: {  	[spmem:s3] =	stream.indirect.scatter.add.f32 [tilespmem:s12], [sflag:$0x1], $0x80, s16, s13, $0xb8;
	[tilespmem:$0x1A400] =	vst v63  }
0xa1: {  	_ =	swait.ge [sflag:s11], $0x4000  }
0xa2: {  	[sflag:s11] =	ssyncset.done $0x0  }
0xa3: {  	s18 =	sadd.s32 $0x100, s15;
	[sflag:s11] =	ssyncadd.s32 $0xFFFFC000  }
0xa4: {  	[spmem:s3] =	stream.indirect.scatter.add.f32 [tilespmem:s12], [sflag:$0x1], $0x80, s18, s13, $0xb8;
	[tilespmem:$0x1A400] =	vst v63  }
0xa5: {  	_ =	swait.ge [sflag:s11], $0x4000  }
0xa6: {  	[sflag:s11] =	ssyncset.done $0x0  }
0xa7: {  	s19 =	sadd.s32 $0x180, s15;
	[sflag:s11] =	ssyncadd.s32 $0xFFFFC000  }
0xa8: {  	[spmem:s3] =	stream.indirect.scatter.add.f32 [tilespmem:s12], [sflag:$0x1], $0x80, s19, s13, $0xb8;
	[tilespmem:$0x1A400] =	vst v63  }
0xa9: {  	_ =	swait.ge [sflag:s11], $0x4000  }
0xaa: {  	[sflag:s11] =	ssyncset.done $0x0  }
0xab: {  	s20 =	sadd.s32 $0x200, s15;
	[sflag:s11] =	ssyncadd.s32 $0xFFFFC000  }
0xac: {  	[spmem:s3] =	stream.indirect.scatter.add.f32 [tilespmem:s12], [sflag:$0x1], $0x80, s20, s13, $0xb8;
	[tilespmem:$0x1A400] =	vst v63  }
0xad: {  	_ =	swait.ge [sflag:s11], $0x4000  }
0xae: {  	[sflag:s11] =	ssyncset.done $0x0  }
0xaf: {  	s21 =	sadd.s32 $0x280, s15;
	[sflag:s11] =	ssyncadd.s32 $0xFFFFC000  }
0xb0: {  	[spmem:s3] =	stream.indirect.scatter.add.f32 [tilespmem:s12], [sflag:$0x1], $0x80, s21, s13, $0xb8;
	[tilespmem:$0x1A400] =	vst v63  }
0xb1: {  	_ =	swait.ge [sflag:s11], $0x4000  }
0xb2: {  	[sflag:s11] =	ssyncset.done $0x0  }
0xb3: {  	s22 =	sadd.s32 $0x300, s15;
	[sflag:s11] =	ssyncadd.s32 $0xFFFFC000  }
0xb4: {  	[spmem:s3] =	stream.indirect.scatter.add.f32 [tilespmem:s12], [sflag:$0x1], $0x80, s22, s13, $0xb8;
	[tilespmem:$0x1A400] =	vst v63  }
0xb5: {  	_ =	swait.ge [sflag:s11], $0x4000  }
0xb6: {  	[sflag:s11] =	ssyncset.done $0x0  }
0xb7: {  	s23 =	sadd.s32 $0x380, s15;
	[sflag:s11] =	ssyncadd.s32 $0xFFFFC000  }
0xb8: {  	[spmem:s3] =	stream.indirect.scatter.add.f32 [tilespmem:s12], [sflag:$0x1], $0x80, s23, s13, $0xb8;
	[tilespmem:$0x1A400] =	vst v63  }
0xb9: {  	_ =	swait.ge [sflag:s11], $0x4000  }
0xba: {  	[sflag:s11] =	ssyncset.done $0x0  }
0xbb: {  	s24 =	sadd.s32 $0x400, s15;
	[sflag:s11] =	ssyncadd.s32 $0xFFFFC000  }
0xbc: {  	[spmem:s3] =	stream.indirect.scatter.add.f32 [tilespmem:s12], [sflag:$0x1], $0x80, s24, s13, $0xb8;
	[tilespmem:$0x1A400] =	vst v63  }
0xbd: {  	_ =	swait.ge [sflag:s11], $0x4000  }
0xbe: {  	[sflag:s11] =	ssyncset.done $0x0  }
0xbf: {  	s25 =	sadd.s32 $0x480, s15;
	[sflag:s11] =	ssyncadd.s32 $0xFFFFC000  }
0xc0: {  	[spmem:s3] =	stream.indirect.scatter.add.f32 [tilespmem:s12], [sflag:$0x1], $0x80, s25, s13, $0xb8;
	[tilespmem:$0x1A400] =	vst v63  }
0xc1: {  	_ =	swait.ge [sflag:s11], $0x4000  }
0xc2: {  	[sflag:s11] =	ssyncset.done $0x0  }
0xc3: {  	s26 =	sadd.s32 $0x500, s15;
	[sflag:s11] =	ssyncadd.s32 $0xFFFFC000  }
0xc4: {  	[spmem:s3] =	stream.indirect.scatter.add.f32 [tilespmem:s12], [sflag:$0x1], $0x80, s26, s13, $0xb8;
	[tilespmem:$0x1A400] =	vst v63  }
0xc5: {  	_ =	swait.ge [sflag:s11], $0x4000  }
0xc6: {  	[sflag:s11] =	ssyncset.done $0x0  }
0xc7: {  	s28 =	sadd.s32 $0x580, s15;
	[sflag:s11] =	ssyncadd.s32 $0xFFFFC000  }
0xc8: {  	[spmem:s3] =	stream.indirect.scatter.add.f32 [tilespmem:s12], [sflag:$0x1], $0x80, s28, s13, $0xb8;
	[tilespmem:$0x1A400] =	vst v63  }
0xc9: {  	_ =	swait.ge [sflag:s11], $0x4000  }
0xca: {  	[sflag:s11] =	ssyncset.done $0x0  }
0xcb: {  	s29 =	sadd.s32 $0x600, s15;
	[sflag:s11] =	ssyncadd.s32 $0xFFFFC000  }
0xcc: {  	[spmem:s3] =	stream.indirect.scatter.add.f32 [tilespmem:s12], [sflag:$0x1], $0x80, s29, s13, $0xb8;
	[tilespmem:$0x1A400] =	vst v63  }
0xcd: {  	_ =	swait.ge [sflag:s11], $0x4000  }
0xce: {  	[sflag:s11] =	ssyncset.done $0x0  }
0xcf: {  	s30 =	sadd.s32 $0x680, s15;
	[sflag:s11] =	ssyncadd.s32 $0xFFFFC000  }
0xd0: {  	[spmem:s3] =	stream.indirect.scatter.add.f32 [tilespmem:s12], [sflag:$0x1], $0x80, s30, s13, $0xb8;
	[tilespmem:$0x1A400] =	vst v63  }
0xd1: {  	_ =	swait.ge [sflag:s11], $0x4000  }
0xd2: {  	[sflag:s11] =	ssyncset.done $0x0  }
0xd3: {  	s31 =	sadd.s32 $0x700, s15;
	[sflag:s11] =	ssyncadd.s32 $0xFFFFC000  }
0xd4: {  	[spmem:s3] =	stream.indirect.scatter.add.f32 [tilespmem:s12], [sflag:$0x1], $0x80, s31, s13, $0xb8;
	[tilespmem:$0x1A400] =	vst v63  }
0xd5: {  	_ =	swait.ge [sflag:s11], $0x4000  }
0xd6: {  	[sflag:s11] =	ssyncset.done $0x0  }
0xd7: {  	s15 =	sadd.s32 $0x780, s15;
	[sflag:s11] =	ssyncadd.s32 $0xFFFFC000  }
0xd8: {  	[spmem:s3] =	stream.indirect.scatter.add.f32 [tilespmem:s12], [sflag:$0x1], $0x80, s15, s13, $0xb8;
	[tilespmem:$0x1A400] =	vst v63  }
0xd9: {  	_ =	swait.ge [sflag:s11], $0x4000  }
0xda: {  	s14 =	sadd.s32 $0x1, s14;
	[sflag:s11] =	ssyncset.done $0x0  }
0xdb: {  	p0 =	sne.s32 s14, s9;
	[sflag:s11] =	ssyncadd.s32 $0xFFFFC000  }
.Ltmp1:
0xdc: {  	[bflag:$0x0] =	sbarrier.arrive $0xFFFF;
	(pc) =	sbr.rel @p0 .LBB2_1-.Ltmp1, $4  }
0xdd: {  	[hbm:s8], [sflag:s6] =	dma.local [spmem:s10], $0x2780  }
0xde: {  	_ =	swait.ge [sflag:s11], $0x2780  }
0xdf: {  	[sflag:s11] =	ssyncset.done $0x0  }
0xe0: {  	[sflag:s11] =	ssyncadd.s32 $0xFFFFD880  }
0xe1: {  	_ =	sfence.sel $0x180000  }
0xe2: {  	[bflag:$0x0] =	sbarrier.arrive $0xFFFF  }
0xe3: {  	p0 =	sne.s32 s0, $0x0;
	_ =	strace $0x90000047  }
0xe4: {  	s0 =	sadd.s32 @!p0 $0x100000, s1;
	[bflag:$0x2] =	sbarrier.arrive $0xFFFF  }
0xe5: {  	[sflag:s0] =	ssyncadd.tile.s32 @!p0 $0x1;
	_ =	shalt  }
.Lfunc_end2:
_tile_overlayer_lowered:
.L_overlay_start_2:
0xe6: {  	(tag) =	ssettag $0x2  }
0xe7: {  	s0 =	rddreg [dreg:$0x0];
	s2 =	stileid.u32  }
0xe8: {  	s1 =	rddreg [dreg:$0x1];
	p0 =	sne.s32 s2, $0x0  }
0xe9: {  	s3 =	rddreg [dreg:$0x2];
	[bflag:$0x3] =	sbarrier.arrive $0xFFFF;
	s2 =	simm.s32 @!p0 $0x1C01  }
0xea: {  	[timem:s3], [sflag:s2] =	dma.local @!p0 [hbm:s0], s1  }
0xeb: {  	s0 =	simm.s32 @!p0 $0x1  }
0xec: {  	_ =	swait.ge @!p0 [sflag:s0], s1  }
0xed: {  	s1 =	ssub.s32 @!p0 $0x0, s1;
	[sflag:s0] =	ssyncset.done @!p0 $0x0  }
0xee: {  	[sflag:s0] =	ssyncadd.s32 @!p0 s1  }
0xef: {  	[bflag:$0x3] =	sbarrier.arrive $0xFFFF  }
0xf0: {  	_ =	shalt  }

</sc_bundles>
